<compile_context>
chip_gen: v7x
topology: tpu7x:2x2x1
jax: 0.10.2.dev20260603
libtpu: 0.0.44.dev20260713+nightly
codegen_flags: <defaults>
</compile_context>

<pallas_src>
import functools

import jax
import jax.numpy as jnp
from jax import lax
from jax.experimental import pallas as pl
from jax.experimental.pallas import tpu as pltpu
from jax.experimental.pallas import tpu_sc as plsc

_NW = 32
_C = 128
_K = 5


@jax.jit
def _embed_sc(idx3d, table):
    _, n, C = idx3d.shape
    D = table.shape[1]
    B = _NW * n * C
    n_super = n // _K
    rows_per_super = _K * C

    mesh = plsc.VectorSubcoreMesh(core_axis_name="c", subcore_axis_name="s")

    @functools.partial(
        pl.kernel,
        mesh=mesh,
        out_type=jax.ShapeDtypeStruct((B, D), jnp.float32),
        compiler_params=pltpu.CompilerParams(use_tc_tiling_on_sc=False),
        scratch_types=[
            pltpu.VMEM((n, C), jnp.int32),
            pltpu.VMEM((rows_per_super, D), jnp.float32),
            pltpu.VMEM((rows_per_super, D), jnp.float32),
            pltpu.VMEM((rows_per_super, D), jnp.float32),
            pltpu.SemaphoreType.DMA,
            pltpu.SemaphoreType.DMA,
            pltpu.SemaphoreType.DMA,
            pltpu.SemaphoreType.DMA,
            pltpu.SemaphoreType.DMA,
            pltpu.SemaphoreType.DMA,
        ],
    )
    def k(idx_hbm, table_hbm, out_hbm, idx_v,
          buf0, buf1, buf2, gs0, gs1, gs2, os0, os1, os2):
        wid = lax.axis_index("s") * 2 + lax.axis_index("c")
        base = wid * (n * C)
        pltpu.sync_copy(idx_hbm.at[wid], idx_v)

        bufs = (buf0, buf1, buf2)
        gsems = (gs0, gs1, gs2)
        osems = (os0, os1, os2)
        pend_g = [[], [], []]
        pend_o = [None, None, None]

        def fire(s):
            p = s % 3
            if pend_o[p] is not None:
                pend_o[p].wait()
                pend_o[p] = None
            for b in range(_K):
                pend_g[p].append(
                    pltpu.async_copy(
                        table_hbm.at[idx_v.at[s * _K + b]],
                        bufs[p].at[pl.ds(b * C, C)],
                        gsems[p],
                    )
                )

        fire(0)
        if n_super > 1:
            fire(1)
        for s in range(n_super):
            p = s % 3
            if s + 2 < n_super:
                fire(s + 2)
            for d in pend_g[p]:
                d.wait()
            pend_g[p] = []
            pend_o[p] = pltpu.async_copy(
                bufs[p],
                out_hbm.at[pl.ds(base + s * rows_per_super, rows_per_super)],
                osems[p],
            )
        for p in range(3):
            if pend_o[p] is not None:
                pend_o[p].wait()

    return k(idx3d, table)


def kernel(indices, table):
    B, S = indices.shape
    D = table.shape[1]
    idx3d = indices.astype(jnp.int32).reshape(_NW, -1, _C)
    out = _embed_sc(idx3d, table)
    return out.reshape(B, S, D)

# --- scband reference (transcript-rebuilt; emitter-appended) ---
"""Pipeline reference for scband-embedding-17978733101468 (READ-ONLY COPY).

The authoritative reference and input builder live on the scoring server;
editing this copy changes nothing except your own understanding.
"""

import jax, jax.numpy as jnp
import numpy as np

NUM_EMBEDDINGS = 100000
EMBEDDING_DIM = 64

def setup_inputs(seed: int = 0) -> dict:
    key = jax.random.key(seed)
    k_idx, k_tab = jax.random.split(key)
    indices = jax.random.randint(k_idx, (4096, 50), 0, NUM_EMBEDDINGS, dtype=jnp.int64 if jax.config.jax_enable_x64 else jnp.int32)
    table = jax.random.normal(k_tab, (NUM_EMBEDDINGS, EMBEDDING_DIM), dtype=jnp.float32)
    return {"indices": indices, "table": table}

def reference(indices, table):
    # nn.Embedding forward: gather rows of the table by index
    return jnp.take(table, indices, axis=0)

if __name__ == "__main__":
    import jax
    _d = setup_inputs()
    print(jax.jit(kernel)(*tuple(_d.values())))

</pallas_src>

<mosaic_0001>
#map = affine_map<(d0, d1) -> (0, 0, 0)>
#map1 = affine_map<(d0, d1) -> (0, 0)>
module attributes {stable_mosaic.version = 14 : i64} {
  func.func @k(%arg0: i32, %arg1: i32, %arg2: memref<32x50x128xi32, #tpu.memory_space<hbm>>, %arg3: memref<100000x64xf32, #tpu.memory_space<hbm>>, %arg4: memref<204800x64xf32, #tpu.memory_space<hbm>>, %arg5: memref<50x128xi32, #tpu.memory_space<vmem>>, %arg6: memref<640x64xf32, #tpu.memory_space<vmem>>, %arg7: memref<640x64xf32, #tpu.memory_space<vmem>>, %arg8: memref<640x64xf32, #tpu.memory_space<vmem>>, %arg9: memref<!tpu.dma_semaphore, #tpu.memory_space<semaphore_mem>>, %arg10: memref<!tpu.dma_semaphore, #tpu.memory_space<semaphore_mem>>, %arg11: memref<!tpu.dma_semaphore, #tpu.memory_space<semaphore_mem>>, %arg12: memref<!tpu.dma_semaphore, #tpu.memory_space<semaphore_mem>>, %arg13: memref<!tpu.dma_semaphore, #tpu.memory_space<semaphore_mem>>, %arg14: memref<!tpu.dma_semaphore, #tpu.memory_space<semaphore_mem>>) attributes {dimension_semantics = [#tpu.dimension_semantics<core_parallel>, #tpu.dimension_semantics<subcore_parallel>], iteration_bounds = array<i64: 2, 16>, scalar_prefetch = 0 : i64, scratch_operands = 10 : i64, tpu.core_type = #tpu.core_type<sc_vector_subcore>, window_params = [{transform_indices = #map}, {transform_indices = #map1}, {transform_indices = #map1}]} {
    %mul3A = arith.constant 2 : i32
    %mul3A_0 = arith.muli %arg1, %mul3A : i32
    %add3A = arith.addi %mul3A_0, %arg0 : i32
    %mul3A_1 = arith.constant 6400 : i32
    %mul3A_2 = arith.muli %add3A, %mul3A_1 : i32
    "tpu.region"() ({
      %run_scoped3A = tpu.sem_alloc : memref<!tpu.dma_semaphore, #tpu.memory_space<semaphore_mem>>
      %dma_start3A_1101 = arith.constant 0 : i32
      %dma_start3A_1102 = arith.constant 0 : i32
      %dma_start3A_1103 = tpu.memref_slice %arg2[%add3A, %dma_start3A_1101, %dma_start3A_1102] : memref<32x50x128xi32, #tpu.memory_space<hbm>> -> memref<1x50x128xi32, #tpu.memory_space<hbm>>
      %dma_start3A_1104 = tpu.memref_squeeze %dma_start3A_1103 : memref<1x50x128xi32, #tpu.memory_space<hbm>> -> memref<50x128xi32, #tpu.memory_space<hbm>>
      %dma_start3A_1105 = arith.constant 0 : i32
      %dma_start3A_1106 = arith.constant 0 : i32
      %dma_start3A_1107 = tpu.memref_slice %arg2[%add3A, %dma_start3A_1105, %dma_start3A_1106] : memref<32x50x128xi32, #tpu.memory_space<hbm>> -> memref<1x50x128xi32, #tpu.memory_space<hbm>>
      %dma_start3A_1108 = tpu.memref_squeeze %dma_start3A_1107 : memref<1x50x128xi32, #tpu.memory_space<hbm>> -> memref<50x128xi32, #tpu.memory_space<hbm>>
      tpu.enqueue_dma source(%dma_start3A_1108 : memref<50x128xi32, #tpu.memory_space<hbm>>) target(%arg5 : memref<50x128xi32, #tpu.memory_space<vmem>>) target_semaphore(%run_scoped3A : memref<!tpu.dma_semaphore, #tpu.memory_space<semaphore_mem>>)
      %dma_wait3A_1109 = arith.constant 0 : i32
      %dma_wait3A_1110 = arith.constant 0 : i32
      %dma_wait3A_1111 = tpu.memref_slice %arg2[%add3A, %dma_wait3A_1109, %dma_wait3A_1110] : memref<32x50x128xi32, #tpu.memory_space<hbm>> -> memref<1x50x128xi32, #tpu.memory_space<hbm>>
      %dma_wait3A_1112 = tpu.memref_squeeze %dma_wait3A_1111 : memref<1x50x128xi32, #tpu.memory_space<hbm>> -> memref<50x128xi32, #tpu.memory_space<hbm>>
      %dma_wait3A_1113 = arith.constant 0 : i32
      %dma_wait3A_1114 = arith.constant 0 : i32
      %dma_wait3A_1115 = tpu.memref_slice %arg2[%add3A, %dma_wait3A_1113, %dma_wait3A_1114] : memref<32x50x128xi32, #tpu.memory_space<hbm>> -> memref<1x50x128xi32, #tpu.memory_space<hbm>>
      %dma_wait3A_1116 = tpu.memref_squeeze %dma_wait3A_1115 : memref<1x50x128xi32, #tpu.memory_space<hbm>> -> memref<50x128xi32, #tpu.memory_space<hbm>>
      tpu.wait_dma2 semaphore(%run_scoped3A : memref<!tpu.dma_semaphore, #tpu.memory_space<semaphore_mem>>) src(%dma_wait3A_1116 : memref<50x128xi32, #tpu.memory_space<hbm>>) dst(%arg5 : memref<50x128xi32, #tpu.memory_space<vmem>>)
      tpu.yield
    }) : () -> ()
    %dma_start3A = arith.constant 0 : i32
    %dma_start3A_3 = arith.constant 0 : i32
    %dma_start3A_4 = arith.constant 0 : i32
    %dma_start3A_5 = tpu.memref_slice %arg6[%dma_start3A_3, %dma_start3A_4] : memref<640x64xf32, #tpu.memory_space<vmem>> -> memref<128x64xf32, #tpu.memory_space<vmem>>
    %dma_start3A_6 = arith.constant 0 : i32
    %dma_start3A_7 = tpu.memref_slice %arg5[%dma_start3A, %dma_start3A_6] : memref<50x128xi32, #tpu.memory_space<vmem>> -> memref<1x128xi32, #tpu.memory_space<vmem>>
    %dma_start3A_8 = tpu.memref_squeeze %dma_start3A_7 : memref<1x128xi32, #tpu.memory_space<vmem>> -> memref<128xi32, #tpu.memory_space<vmem>>
    %dma_start3A_9 = arith.constant 0 : i32
    %dma_start3A_10 = arith.constant 0 : i32
    %dma_start3A_11 = tpu.memref_slice %arg3[%dma_start3A_9, %dma_start3A_10] : memref<100000x64xf32, #tpu.memory_space<hbm>> -> memref<100000x64xf32, #tpu.memory_space<hbm>>
    tpu.enqueue_indirect_dma source(%dma_start3A_11 : memref<100000x64xf32, #tpu.memory_space<hbm>>) target(%dma_start3A_5 : memref<128x64xf32, #tpu.memory_space<vmem>>) offsets(%dma_start3A_8 : memref<128xi32, #tpu.memory_space<vmem>>) semaphore(%arg9 : memref<!tpu.dma_semaphore, #tpu.memory_space<semaphore_mem>>)
    %dma_start3A_12 = arith.constant 1 : i32
    %dma_start3A_13 = arith.constant 128 : i32
    %dma_start3A_14 = arith.constant 0 : i32
    %dma_start3A_15 = tpu.memref_slice %arg6[%dma_start3A_13, %dma_start3A_14] : memref<640x64xf32, #tpu.memory_space<vmem>> -> memref<128x64xf32, #tpu.memory_space<vmem>>
    %dma_start3A_16 = arith.constant 0 : i32
    %dma_start3A_17 = tpu.memref_slice %arg5[%dma_start3A_12, %dma_start3A_16] : memref<50x128xi32, #tpu.memory_space<vmem>> -> memref<1x128xi32, #tpu.memory_space<vmem>>
    %dma_start3A_18 = tpu.memref_squeeze %dma_start3A_17 : memref<1x128xi32, #tpu.memory_space<vmem>> -> memref<128xi32, #tpu.memory_space<vmem>>
    %dma_start3A_19 = arith.constant 0 : i32
    %dma_start3A_20 = arith.constant 0 : i32
    %dma_start3A_21 = tpu.memref_slice %arg3[%dma_start3A_19, %dma_start3A_20] : memref<100000x64xf32, #tpu.memory_space<hbm>> -> memref<100000x64xf32, #tpu.memory_space<hbm>>
    tpu.enqueue_indirect_dma source(%dma_start3A_21 : memref<100000x64xf32, #tpu.memory_space<hbm>>) target(%dma_start3A_15 : memref<128x64xf32, #tpu.memory_space<vmem>>) offsets(%dma_start3A_18 : memref<128xi32, #tpu.memory_space<vmem>>) semaphore(%arg9 : memref<!tpu.dma_semaphore, #tpu.memory_space<semaphore_mem>>)
    %dma_start3A_22 = arith.constant 2 : i32
    %dma_start3A_23 = arith.constant 256 : i32
    %dma_start3A_24 = arith.constant 0 : i32
    %dma_start3A_25 = tpu.memref_slice %arg6[%dma_start3A_23, %dma_start3A_24] : memref<640x64xf32, #tpu.memory_space<vmem>> -> memref<128x64xf32, #tpu.memory_space<vmem>>
    %dma_start3A_26 = arith.constant 0 : i32
    %dma_start3A_27 = tpu.memref_slice %arg5[%dma_start3A_22, %dma_start3A_26] : memref<50x128xi32, #tpu.memory_space<vmem>> -> memref<1x128xi32, #tpu.memory_space<vmem>>
    %dma_start3A_28 = tpu.memref_squeeze %dma_start3A_27 : memref<1x128xi32, #tpu.memory_space<vmem>> -> memref<128xi32, #tpu.memory_space<vmem>>
    %dma_start3A_29 = arith.constant 0 : i32
    %dma_start3A_30 = arith.constant 0 : i32
    %dma_start3A_31 = tpu.memref_slice %arg3[%dma_start3A_29, %dma_start3A_30] : memref<100000x64xf32, #tpu.memory_space<hbm>> -> memref<100000x64xf32, #tpu.memory_space<hbm>>
    tpu.enqueue_indirect_dma source(%dma_start3A_31 : memref<100000x64xf32, #tpu.memory_space<hbm>>) target(%dma_start3A_25 : memref<128x64xf32, #tpu.memory_space<vmem>>) offsets(%dma_start3A_28 : memref<128xi32, #tpu.memory_space<vmem>>) semaphore(%arg9 : memref<!tpu.dma_semaphore, #tpu.memory_space<semaphore_mem>>)
    %dma_start3A_32 = arith.constant 3 : i32
    %dma_start3A_33 = arith.constant 384 : i32
    %dma_start3A_34 = arith.constant 0 : i32
    %dma_start3A_35 = tpu.memref_slice %arg6[%dma_start3A_33, %dma_start3A_34] : memref<640x64xf32, #tpu.memory_space<vmem>> -> memref<128x64xf32, #tpu.memory_space<vmem>>
    %dma_start3A_36 = arith.constant 0 : i32
    %dma_start3A_37 = tpu.memref_slice %arg5[%dma_start3A_32, %dma_start3A_36] : memref<50x128xi32, #tpu.memory_space<vmem>> -> memref<1x128xi32, #tpu.memory_space<vmem>>
    %dma_start3A_38 = tpu.memref_squeeze %dma_start3A_37 : memref<1x128xi32, #tpu.memory_space<vmem>> -> memref<128xi32, #tpu.memory_space<vmem>>
    %dma_start3A_39 = arith.constant 0 : i32
    %dma_start3A_40 = arith.constant 0 : i32
    %dma_start3A_41 = tpu.memref_slice %arg3[%dma_start3A_39, %dma_start3A_40] : memref<100000x64xf32, #tpu.memory_space<hbm>> -> memref<100000x64xf32, #tpu.memory_space<hbm>>
    tpu.enqueue_indirect_dma source(%dma_start3A_41 : memref<100000x64xf32, #tpu.memory_space<hbm>>) target(%dma_start3A_35 : memref<128x64xf32, #tpu.memory_space<vmem>>) offsets(%dma_start3A_38 : memref<128xi32, #tpu.memory_space<vmem>>) semaphore(%arg9 : memref<!tpu.dma_semaphore, #tpu.memory_space<semaphore_mem>>)
    %dma_start3A_42 = arith.constant 4 : i32
    %dma_start3A_43 = arith.constant 512 : i32
    %dma_start3A_44 = arith.constant 0 : i32
    %dma_start3A_45 = tpu.memref_slice %arg6[%dma_start3A_43, %dma_start3A_44] : memref<640x64xf32, #tpu.memory_space<vmem>> -> memref<128x64xf32, #tpu.memory_space<vmem>>
    %dma_start3A_46 = arith.constant 0 : i32
    %dma_start3A_47 = tpu.memref_slice %arg5[%dma_start3A_42, %dma_start3A_46] : memref<50x128xi32, #tpu.memory_space<vmem>> -> memref<1x128xi32, #tpu.memory_space<vmem>>
    %dma_start3A_48 = tpu.memref_squeeze %dma_start3A_47 : memref<1x128xi32, #tpu.memory_space<vmem>> -> memref<128xi32, #tpu.memory_space<vmem>>
    %dma_start3A_49 = arith.constant 0 : i32
    %dma_start3A_50 = arith.constant 0 : i32
    %dma_start3A_51 = tpu.memref_slice %arg3[%dma_start3A_49, %dma_start3A_50] : memref<100000x64xf32, #tpu.memory_space<hbm>> -> memref<100000x64xf32, #tpu.memory_space<hbm>>
    tpu.enqueue_indirect_dma source(%dma_start3A_51 : memref<100000x64xf32, #tpu.memory_space<hbm>>) target(%dma_start3A_45 : memref<128x64xf32, #tpu.memory_space<vmem>>) offsets(%dma_start3A_48 : memref<128xi32, #tpu.memory_space<vmem>>) semaphore(%arg9 : memref<!tpu.dma_semaphore, #tpu.memory_space<semaphore_mem>>)
    %dma_start3A_52 = arith.constant 5 : i32
    %dma_start3A_53 = arith.constant 0 : i32
    %dma_start3A_54 = arith.constant 0 : i32
    %dma_start3A_55 = tpu.memref_slice %arg7[%dma_start3A_53, %dma_start3A_54] : memref<640x64xf32, #tpu.memory_space<vmem>> -> memref<128x64xf32, #tpu.memory_space<vmem>>
    %dma_start3A_56 = arith.constant 0 : i32
    %dma_start3A_57 = tpu.memref_slice %arg5[%dma_start3A_52, %dma_start3A_56] : memref<50x128xi32, #tpu.memory_space<vmem>> -> memref<1x128xi32, #tpu.memory_space<vmem>>
    %dma_start3A_58 = tpu.memref_squeeze %dma_start3A_57 : memref<1x128xi32, #tpu.memory_space<vmem>> -> memref<128xi32, #tpu.memory_space<vmem>>
    %dma_start3A_59 = arith.constant 0 : i32
    %dma_start3A_60 = arith.constant 0 : i32
    %dma_start3A_61 = tpu.memref_slice %arg3[%dma_start3A_59, %dma_start3A_60] : memref<100000x64xf32, #tpu.memory_space<hbm>> -> memref<100000x64xf32, #tpu.memory_space<hbm>>
    tpu.enqueue_indirect_dma source(%dma_start3A_61 : memref<100000x64xf32, #tpu.memory_space<hbm>>) target(%dma_start3A_55 : memref<128x64xf32, #tpu.memory_space<vmem>>) offsets(%dma_start3A_58 : memref<128xi32, #tpu.memory_space<vmem>>) semaphore(%arg10 : memref<!tpu.dma_semaphore, #tpu.memory_space<semaphore_mem>>)
    %dma_start3A_62 = arith.constant 6 : i32
    %dma_start3A_63 = arith.constant 128 : i32
    %dma_start3A_64 = arith.constant 0 : i32
    %dma_start3A_65 = tpu.memref_slice %arg7[%dma_start3A_63, %dma_start3A_64] : memref<640x64xf32, #tpu.memory_space<vmem>> -> memref<128x64xf32, #tpu.memory_space<vmem>>
    %dma_start3A_66 = arith.constant 0 : i32
    %dma_start3A_67 = tpu.memref_slice %arg5[%dma_start3A_62, %dma_start3A_66] : memref<50x128xi32, #tpu.memory_space<vmem>> -> memref<1x128xi32, #tpu.memory_space<vmem>>
    %dma_start3A_68 = tpu.memref_squeeze %dma_start3A_67 : memref<1x128xi32, #tpu.memory_space<vmem>> -> memref<128xi32, #tpu.memory_space<vmem>>
    %dma_start3A_69 = arith.constant 0 : i32
    %dma_start3A_70 = arith.constant 0 : i32
    %dma_start3A_71 = tpu.memref_slice %arg3[%dma_start3A_69, %dma_start3A_70] : memref<100000x64xf32, #tpu.memory_space<hbm>> -> memref<100000x64xf32, #tpu.memory_space<hbm>>
    tpu.enqueue_indirect_dma source(%dma_start3A_71 : memref<100000x64xf32, #tpu.memory_space<hbm>>) target(%dma_start3A_65 : memref<128x64xf32, #tpu.memory_space<vmem>>) offsets(%dma_start3A_68 : memref<128xi32, #tpu.memory_space<vmem>>) semaphore(%arg10 : memref<!tpu.dma_semaphore, #tpu.memory_space<semaphore_mem>>)
    %dma_start3A_72 = arith.constant 7 : i32
    %dma_start3A_73 = arith.constant 256 : i32
    %dma_start3A_74 = arith.constant 0 : i32
    %dma_start3A_75 = tpu.memref_slice %arg7[%dma_start3A_73, %dma_start3A_74] : memref<640x64xf32, #tpu.memory_space<vmem>> -> memref<128x64xf32, #tpu.memory_space<vmem>>
    %dma_start3A_76 = arith.constant 0 : i32
    %dma_start3A_77 = tpu.memref_slice %arg5[%dma_start3A_72, %dma_start3A_76] : memref<50x128xi32, #tpu.memory_space<vmem>> -> memref<1x128xi32, #tpu.memory_space<vmem>>
    %dma_start3A_78 = tpu.memref_squeeze %dma_start3A_77 : memref<1x128xi32, #tpu.memory_space<vmem>> -> memref<128xi32, #tpu.memory_space<vmem>>
    %dma_start3A_79 = arith.constant 0 : i32
    %dma_start3A_80 = arith.constant 0 : i32
    %dma_start3A_81 = tpu.memref_slice %arg3[%dma_start3A_79, %dma_start3A_80] : memref<100000x64xf32, #tpu.memory_space<hbm>> -> memref<100000x64xf32, #tpu.memory_space<hbm>>
    tpu.enqueue_indirect_dma source(%dma_start3A_81 : memref<100000x64xf32, #tpu.memory_space<hbm>>) target(%dma_start3A_75 : memref<128x64xf32, #tpu.memory_space<vmem>>) offsets(%dma_start3A_78 : memref<128xi32, #tpu.memory_space<vmem>>) semaphore(%arg10 : memref<!tpu.dma_semaphore, #tpu.memory_space<semaphore_mem>>)
    %dma_start3A_82 = arith.constant 8 : i32
    %dma_start3A_83 = arith.constant 384 : i32
    %dma_start3A_84 = arith.constant 0 : i32
    %dma_start3A_85 = tpu.memref_slice %arg7[%dma_start3A_83, %dma_start3A_84] : memref<640x64xf32, #tpu.memory_space<vmem>> -> memref<128x64xf32, #tpu.memory_space<vmem>>
    %dma_start3A_86 = arith.constant 0 : i32
    %dma_start3A_87 = tpu.memref_slice %arg5[%dma_start3A_82, %dma_start3A_86] : memref<50x128xi32, #tpu.memory_space<vmem>> -> memref<1x128xi32, #tpu.memory_space<vmem>>
    %dma_start3A_88 = tpu.memref_squeeze %dma_start3A_87 : memref<1x128xi32, #tpu.memory_space<vmem>> -> memref<128xi32, #tpu.memory_space<vmem>>
    %dma_start3A_89 = arith.constant 0 : i32
    %dma_start3A_90 = arith.constant 0 : i32
    %dma_start3A_91 = tpu.memref_slice %arg3[%dma_start3A_89, %dma_start3A_90] : memref<100000x64xf32, #tpu.memory_space<hbm>> -> memref<100000x64xf32, #tpu.memory_space<hbm>>
    tpu.enqueue_indirect_dma source(%dma_start3A_91 : memref<100000x64xf32, #tpu.memory_space<hbm>>) target(%dma_start3A_85 : memref<128x64xf32, #tpu.memory_space<vmem>>) offsets(%dma_start3A_88 : memref<128xi32, #tpu.memory_space<vmem>>) semaphore(%arg10 : memref<!tpu.dma_semaphore, #tpu.memory_space<semaphore_mem>>)
    %dma_start3A_92 = arith.constant 9 : i32
    %dma_start3A_93 = arith.constant 512 : i32
    %dma_start3A_94 = arith.constant 0 : i32
    %dma_start3A_95 = tpu.memref_slice %arg7[%dma_start3A_93, %dma_start3A_94] : memref<640x64xf32, #tpu.memory_space<vmem>> -> memref<128x64xf32, #tpu.memory_space<vmem>>
    %dma_start3A_96 = arith.constant 0 : i32
    %dma_start3A_97 = tpu.memref_slice %arg5[%dma_start3A_92, %dma_start3A_96] : memref<50x128xi32, #tpu.memory_space<vmem>> -> memref<1x128xi32, #tpu.memory_space<vmem>>
    %dma_start3A_98 = tpu.memref_squeeze %dma_start3A_97 : memref<1x128xi32, #tpu.memory_space<vmem>> -> memref<128xi32, #tpu.memory_space<vmem>>
    %dma_start3A_99 = arith.constant 0 : i32
    %dma_start3A_100 = arith.constant 0 : i32
    %dma_start3A_101 = tpu.memref_slice %arg3[%dma_start3A_99, %dma_start3A_100] : memref<100000x64xf32, #tpu.memory_space<hbm>> -> memref<100000x64xf32, #tpu.memory_space<hbm>>
    tpu.enqueue_indirect_dma source(%dma_start3A_101 : memref<100000x64xf32, #tpu.memory_space<hbm>>) target(%dma_start3A_95 : memref<128x64xf32, #tpu.memory_space<vmem>>) offsets(%dma_start3A_98 : memref<128xi32, #tpu.memory_space<vmem>>) semaphore(%arg10 : memref<!tpu.dma_semaphore, #tpu.memory_space<semaphore_mem>>)
    %dma_start3A_102 = arith.constant 10 : i32
    %dma_start3A_103 = arith.constant 0 : i32
    %dma_start3A_104 = arith.constant 0 : i32
    %dma_start3A_105 = tpu.memref_slice %arg8[%dma_start3A_103, %dma_start3A_104] : memref<640x64xf32, #tpu.memory_space<vmem>> -> memref<128x64xf32, #tpu.memory_space<vmem>>
    %dma_start3A_106 = arith.constant 0 : i32
    %dma_start3A_107 = tpu.memref_slice %arg5[%dma_start3A_102, %dma_start3A_106] : memref<50x128xi32, #tpu.memory_space<vmem>> -> memref<1x128xi32, #tpu.memory_space<vmem>>
    %dma_start3A_108 = tpu.memref_squeeze %dma_start3A_107 : memref<1x128xi32, #tpu.memory_space<vmem>> -> memref<128xi32, #tpu.memory_space<vmem>>
    %dma_start3A_109 = arith.constant 0 : i32
    %dma_start3A_110 = arith.constant 0 : i32
    %dma_start3A_111 = tpu.memref_slice %arg3[%dma_start3A_109, %dma_start3A_110] : memref<100000x64xf32, #tpu.memory_space<hbm>> -> memref<100000x64xf32, #tpu.memory_space<hbm>>
    tpu.enqueue_indirect_dma source(%dma_start3A_111 : memref<100000x64xf32, #tpu.memory_space<hbm>>) target(%dma_start3A_105 : memref<128x64xf32, #tpu.memory_space<vmem>>) offsets(%dma_start3A_108 : memref<128xi32, #tpu.memory_space<vmem>>) semaphore(%arg11 : memref<!tpu.dma_semaphore, #tpu.memory_space<semaphore_mem>>)
    %dma_start3A_112 = arith.constant 11 : i32
    %dma_start3A_113 = arith.constant 128 : i32
    %dma_start3A_114 = arith.constant 0 : i32
    %dma_start3A_115 = tpu.memref_slice %arg8[%dma_start3A_113, %dma_start3A_114] : memref<640x64xf32, #tpu.memory_space<vmem>> -> memref<128x64xf32, #tpu.memory_space<vmem>>
    %dma_start3A_116 = arith.constant 0 : i32
    %dma_start3A_117 = tpu.memref_slice %arg5[%dma_start3A_112, %dma_start3A_116] : memref<50x128xi32, #tpu.memory_space<vmem>> -> memref<1x128xi32, #tpu.memory_space<vmem>>
    %dma_start3A_118 = tpu.memref_squeeze %dma_start3A_117 : memref<1x128xi32, #tpu.memory_space<vmem>> -> memref<128xi32, #tpu.memory_space<vmem>>
    %dma_start3A_119 = arith.constant 0 : i32
    %dma_start3A_120 = arith.constant 0 : i32
    %dma_start3A_121 = tpu.memref_slice %arg3[%dma_start3A_119, %dma_start3A_120] : memref<100000x64xf32, #tpu.memory_space<hbm>> -> memref<100000x64xf32, #tpu.memory_space<hbm>>
    tpu.enqueue_indirect_dma source(%dma_start3A_121 : memref<100000x64xf32, #tpu.memory_space<hbm>>) target(%dma_start3A_115 : memref<128x64xf32, #tpu.memory_space<vmem>>) offsets(%dma_start3A_118 : memref<128xi32, #tpu.memory_space<vmem>>) semaphore(%arg11 : memref<!tpu.dma_semaphore, #tpu.memory_space<semaphore_mem>>)
    %dma_start3A_122 = arith.constant 12 : i32
    %dma_start3A_123 = arith.constant 256 : i32
    %dma_start3A_124 = arith.constant 0 : i32
    %dma_start3A_125 = tpu.memref_slice %arg8[%dma_start3A_123, %dma_start3A_124] : memref<640x64xf32, #tpu.memory_space<vmem>> -> memref<128x64xf32, #tpu.memory_space<vmem>>
    %dma_start3A_126 = arith.constant 0 : i32
    %dma_start3A_127 = tpu.memref_slice %arg5[%dma_start3A_122, %dma_start3A_126] : memref<50x128xi32, #tpu.memory_space<vmem>> -> memref<1x128xi32, #tpu.memory_space<vmem>>
    %dma_start3A_128 = tpu.memref_squeeze %dma_start3A_127 : memref<1x128xi32, #tpu.memory_space<vmem>> -> memref<128xi32, #tpu.memory_space<vmem>>
    %dma_start3A_129 = arith.constant 0 : i32
    %dma_start3A_130 = arith.constant 0 : i32
    %dma_start3A_131 = tpu.memref_slice %arg3[%dma_start3A_129, %dma_start3A_130] : memref<100000x64xf32, #tpu.memory_space<hbm>> -> memref<100000x64xf32, #tpu.memory_space<hbm>>
    tpu.enqueue_indirect_dma source(%dma_start3A_131 : memref<100000x64xf32, #tpu.memory_space<hbm>>) target(%dma_start3A_125 : memref<128x64xf32, #tpu.memory_space<vmem>>) offsets(%dma_start3A_128 : memref<128xi32, #tpu.memory_space<vmem>>) semaphore(%arg11 : memref<!tpu.dma_semaphore, #tpu.memory_space<semaphore_mem>>)
    %dma_start3A_132 = arith.constant 13 : i32
    %dma_start3A_133 = arith.constant 384 : i32
    %dma_start3A_134 = arith.constant 0 : i32
    %dma_start3A_135 = tpu.memref_slice %arg8[%dma_start3A_133, %dma_start3A_134] : memref<640x64xf32, #tpu.memory_space<vmem>> -> memref<128x64xf32, #tpu.memory_space<vmem>>
    %dma_start3A_136 = arith.constant 0 : i32
    %dma_start3A_137 = tpu.memref_slice %arg5[%dma_start3A_132, %dma_start3A_136] : memref<50x128xi32, #tpu.memory_space<vmem>> -> memref<1x128xi32, #tpu.memory_space<vmem>>
    %dma_start3A_138 = tpu.memref_squeeze %dma_start3A_137 : memref<1x128xi32, #tpu.memory_space<vmem>> -> memref<128xi32, #tpu.memory_space<vmem>>
    %dma_start3A_139 = arith.constant 0 : i32
    %dma_start3A_140 = arith.constant 0 : i32
    %dma_start3A_141 = tpu.memref_slice %arg3[%dma_start3A_139, %dma_start3A_140] : memref<100000x64xf32, #tpu.memory_space<hbm>> -> memref<100000x64xf32, #tpu.memory_space<hbm>>
    tpu.enqueue_indirect_dma source(%dma_start3A_141 : memref<100000x64xf32, #tpu.memory_space<hbm>>) target(%dma_start3A_135 : memref<128x64xf32, #tpu.memory_space<vmem>>) offsets(%dma_start3A_138 : memref<128xi32, #tpu.memory_space<vmem>>) semaphore(%arg11 : memref<!tpu.dma_semaphore, #tpu.memory_space<semaphore_mem>>)
    %dma_start3A_142 = arith.constant 14 : i32
    %dma_start3A_143 = arith.constant 512 : i32
    %dma_start3A_144 = arith.constant 0 : i32
    %dma_start3A_145 = tpu.memref_slice %arg8[%dma_start3A_143, %dma_start3A_144] : memref<640x64xf32, #tpu.memory_space<vmem>> -> memref<128x64xf32, #tpu.memory_space<vmem>>
    %dma_start3A_146 = arith.constant 0 : i32
    %dma_start3A_147 = tpu.memref_slice %arg5[%dma_start3A_142, %dma_start3A_146] : memref<50x128xi32, #tpu.memory_space<vmem>> -> memref<1x128xi32, #tpu.memory_space<vmem>>
    %dma_start3A_148 = tpu.memref_squeeze %dma_start3A_147 : memref<1x128xi32, #tpu.memory_space<vmem>> -> memref<128xi32, #tpu.memory_space<vmem>>
    %dma_start3A_149 = arith.constant 0 : i32
    %dma_start3A_150 = arith.constant 0 : i32
    %dma_start3A_151 = tpu.memref_slice %arg3[%dma_start3A_149, %dma_start3A_150] : memref<100000x64xf32, #tpu.memory_space<hbm>> -> memref<100000x64xf32, #tpu.memory_space<hbm>>
    tpu.enqueue_indirect_dma source(%dma_start3A_151 : memref<100000x64xf32, #tpu.memory_space<hbm>>) target(%dma_start3A_145 : memref<128x64xf32, #tpu.memory_space<vmem>>) offsets(%dma_start3A_148 : memref<128xi32, #tpu.memory_space<vmem>>) semaphore(%arg11 : memref<!tpu.dma_semaphore, #tpu.memory_space<semaphore_mem>>)
    %dma_wait3A = arith.constant 0 : i32
    %dma_wait3A_152 = arith.constant 0 : i32
    %dma_wait3A_153 = arith.constant 0 : i32
    %dma_wait3A_154 = tpu.memref_slice %arg6[%dma_wait3A_152, %dma_wait3A_153] : memref<640x64xf32, #tpu.memory_space<vmem>> -> memref<128x64xf32, #tpu.memory_space<vmem>>
    %dma_wait3A_155 = arith.constant 0 : i32
    %dma_wait3A_156 = tpu.memref_slice %arg5[%dma_wait3A, %dma_wait3A_155] : memref<50x128xi32, #tpu.memory_space<vmem>> -> memref<1x128xi32, #tpu.memory_space<vmem>>
    %dma_wait3A_157 = tpu.memref_squeeze %dma_wait3A_156 : memref<1x128xi32, #tpu.memory_space<vmem>> -> memref<128xi32, #tpu.memory_space<vmem>>
    %dma_wait3A_158 = arith.constant 0 : i32
    %dma_wait3A_159 = arith.constant 0 : i32
    %dma_wait3A_160 = tpu.memref_slice %arg3[%dma_wait3A_158, %dma_wait3A_159] : memref<100000x64xf32, #tpu.memory_space<hbm>> -> memref<100000x64xf32, #tpu.memory_space<hbm>>
    tpu.wait_indirect_dma semaphore(%arg9 : memref<!tpu.dma_semaphore, #tpu.memory_space<semaphore_mem>>) src(%dma_wait3A_160 : memref<100000x64xf32, #tpu.memory_space<hbm>>) dst(%dma_wait3A_154 : memref<128x64xf32, #tpu.memory_space<vmem>>)
    %dma_wait3A_161 = arith.constant 1 : i32
    %dma_wait3A_162 = arith.constant 128 : i32
    %dma_wait3A_163 = arith.constant 0 : i32
    %dma_wait3A_164 = tpu.memref_slice %arg6[%dma_wait3A_162, %dma_wait3A_163] : memref<640x64xf32, #tpu.memory_space<vmem>> -> memref<128x64xf32, #tpu.memory_space<vmem>>
    %dma_wait3A_165 = arith.constant 0 : i32
    %dma_wait3A_166 = tpu.memref_slice %arg5[%dma_wait3A_161, %dma_wait3A_165] : memref<50x128xi32, #tpu.memory_space<vmem>> -> memref<1x128xi32, #tpu.memory_space<vmem>>
    %dma_wait3A_167 = tpu.memref_squeeze %dma_wait3A_166 : memref<1x128xi32, #tpu.memory_space<vmem>> -> memref<128xi32, #tpu.memory_space<vmem>>
    %dma_wait3A_168 = arith.constant 0 : i32
    %dma_wait3A_169 = arith.constant 0 : i32
    %dma_wait3A_170 = tpu.memref_slice %arg3[%dma_wait3A_168, %dma_wait3A_169] : memref<100000x64xf32, #tpu.memory_space<hbm>> -> memref<100000x64xf32, #tpu.memory_space<hbm>>
    tpu.wait_indirect_dma semaphore(%arg9 : memref<!tpu.dma_semaphore, #tpu.memory_space<semaphore_mem>>) src(%dma_wait3A_170 : memref<100000x64xf32, #tpu.memory_space<hbm>>) dst(%dma_wait3A_164 : memref<128x64xf32, #tpu.memory_space<vmem>>)
    %dma_wait3A_171 = arith.constant 2 : i32
    %dma_wait3A_172 = arith.constant 256 : i32
    %dma_wait3A_173 = arith.constant 0 : i32
    %dma_wait3A_174 = tpu.memref_slice %arg6[%dma_wait3A_172, %dma_wait3A_173] : memref<640x64xf32, #tpu.memory_space<vmem>> -> memref<128x64xf32, #tpu.memory_space<vmem>>
    %dma_wait3A_175 = arith.constant 0 : i32
    %dma_wait3A_176 = tpu.memref_slice %arg5[%dma_wait3A_171, %dma_wait3A_175] : memref<50x128xi32, #tpu.memory_space<vmem>> -> memref<1x128xi32, #tpu.memory_space<vmem>>
    %dma_wait3A_177 = tpu.memref_squeeze %dma_wait3A_176 : memref<1x128xi32, #tpu.memory_space<vmem>> -> memref<128xi32, #tpu.memory_space<vmem>>
    %dma_wait3A_178 = arith.constant 0 : i32
    %dma_wait3A_179 = arith.constant 0 : i32
    %dma_wait3A_180 = tpu.memref_slice %arg3[%dma_wait3A_178, %dma_wait3A_179] : memref<100000x64xf32, #tpu.memory_space<hbm>> -> memref<100000x64xf32, #tpu.memory_space<hbm>>
    tpu.wait_indirect_dma semaphore(%arg9 : memref<!tpu.dma_semaphore, #tpu.memory_space<semaphore_mem>>) src(%dma_wait3A_180 : memref<100000x64xf32, #tpu.memory_space<hbm>>) dst(%dma_wait3A_174 : memref<128x64xf32, #tpu.memory_space<vmem>>)
    %dma_wait3A_181 = arith.constant 3 : i32
    %dma_wait3A_182 = arith.constant 384 : i32
    %dma_wait3A_183 = arith.constant 0 : i32
    %dma_wait3A_184 = tpu.memref_slice %arg6[%dma_wait3A_182, %dma_wait3A_183] : memref<640x64xf32, #tpu.memory_space<vmem>> -> memref<128x64xf32, #tpu.memory_space<vmem>>
    %dma_wait3A_185 = arith.constant 0 : i32
    %dma_wait3A_186 = tpu.memref_slice %arg5[%dma_wait3A_181, %dma_wait3A_185] : memref<50x128xi32, #tpu.memory_space<vmem>> -> memref<1x128xi32, #tpu.memory_space<vmem>>
    %dma_wait3A_187 = tpu.memref_squeeze %dma_wait3A_186 : memref<1x128xi32, #tpu.memory_space<vmem>> -> memref<128xi32, #tpu.memory_space<vmem>>
    %dma_wait3A_188 = arith.constant 0 : i32
    %dma_wait3A_189 = arith.constant 0 : i32
    %dma_wait3A_190 = tpu.memref_slice %arg3[%dma_wait3A_188, %dma_wait3A_189] : memref<100000x64xf32, #tpu.memory_space<hbm>> -> memref<100000x64xf32, #tpu.memory_space<hbm>>
    tpu.wait_indirect_dma semaphore(%arg9 : memref<!tpu.dma_semaphore, #tpu.memory_space<semaphore_mem>>) src(%dma_wait3A_190 : memref<100000x64xf32, #tpu.memory_space<hbm>>) dst(%dma_wait3A_184 : memref<128x64xf32, #tpu.memory_space<vmem>>)
    %dma_wait3A_191 = arith.constant 4 : i32
    %dma_wait3A_192 = arith.constant 512 : i32
    %dma_wait3A_193 = arith.constant 0 : i32
    %dma_wait3A_194 = tpu.memref_slice %arg6[%dma_wait3A_192, %dma_wait3A_193] : memref<640x64xf32, #tpu.memory_space<vmem>> -> memref<128x64xf32, #tpu.memory_space<vmem>>
    %dma_wait3A_195 = arith.constant 0 : i32
    %dma_wait3A_196 = tpu.memref_slice %arg5[%dma_wait3A_191, %dma_wait3A_195] : memref<50x128xi32, #tpu.memory_space<vmem>> -> memref<1x128xi32, #tpu.memory_space<vmem>>
    %dma_wait3A_197 = tpu.memref_squeeze %dma_wait3A_196 : memref<1x128xi32, #tpu.memory_space<vmem>> -> memref<128xi32, #tpu.memory_space<vmem>>
    %dma_wait3A_198 = arith.constant 0 : i32
    %dma_wait3A_199 = arith.constant 0 : i32
    %dma_wait3A_200 = tpu.memref_slice %arg3[%dma_wait3A_198, %dma_wait3A_199] : memref<100000x64xf32, #tpu.memory_space<hbm>> -> memref<100000x64xf32, #tpu.memory_space<hbm>>
    tpu.wait_indirect_dma semaphore(%arg9 : memref<!tpu.dma_semaphore, #tpu.memory_space<semaphore_mem>>) src(%dma_wait3A_200 : memref<100000x64xf32, #tpu.memory_space<hbm>>) dst(%dma_wait3A_194 : memref<128x64xf32, #tpu.memory_space<vmem>>)
    %add3A_201 = arith.constant 0 : i32
    %add3A_202 = arith.addi %mul3A_2, %add3A_201 : i32
    %dma_start3A_203 = arith.constant 0 : i32
    %dma_start3A_204 = tpu.memref_slice %arg4[%add3A_202, %dma_start3A_203] : memref<204800x64xf32, #tpu.memory_space<hbm>> -> memref<640x64xf32, #tpu.memory_space<hbm>>
    %dma_start3A_205 = arith.constant 0 : i32
    %dma_start3A_206 = tpu.memref_slice %arg4[%add3A_202, %dma_start3A_205] : memref<204800x64xf32, #tpu.memory_space<hbm>> -> memref<640x64xf32, #tpu.memory_space<hbm>>
    tpu.enqueue_dma source(%arg6 : memref<640x64xf32, #tpu.memory_space<vmem>>) target(%dma_start3A_206 : memref<640x64xf32, #tpu.memory_space<hbm>>) target_semaphore(%arg12 : memref<!tpu.dma_semaphore, #tpu.memory_space<semaphore_mem>>)
    %dma_wait3A_207 = arith.constant 0 : i32
    %dma_wait3A_208 = tpu.memref_slice %arg4[%add3A_202, %dma_wait3A_207] : memref<204800x64xf32, #tpu.memory_space<hbm>> -> memref<640x64xf32, #tpu.memory_space<hbm>>
    %dma_wait3A_209 = arith.constant 0 : i32
    %dma_wait3A_210 = tpu.memref_slice %arg4[%add3A_202, %dma_wait3A_209] : memref<204800x64xf32, #tpu.memory_space<hbm>> -> memref<640x64xf32, #tpu.memory_space<hbm>>
    tpu.wait_dma2 semaphore(%arg12 : memref<!tpu.dma_semaphore, #tpu.memory_space<semaphore_mem>>) src(%arg6 : memref<640x64xf32, #tpu.memory_space<vmem>>) dst(%dma_wait3A_210 : memref<640x64xf32, #tpu.memory_space<hbm>>)
    %dma_start3A_211 = arith.constant 15 : i32
    %dma_start3A_212 = arith.constant 0 : i32
    %dma_start3A_213 = arith.constant 0 : i32
    %dma_start3A_214 = tpu.memref_slice %arg6[%dma_start3A_212, %dma_start3A_213] : memref<640x64xf32, #tpu.memory_space<vmem>> -> memref<128x64xf32, #tpu.memory_space<vmem>>
    %dma_start3A_215 = arith.constant 0 : i32
    %dma_start3A_216 = tpu.memref_slice %arg5[%dma_start3A_211, %dma_start3A_215] : memref<50x128xi32, #tpu.memory_space<vmem>> -> memref<1x128xi32, #tpu.memory_space<vmem>>
    %dma_start3A_217 = tpu.memref_squeeze %dma_start3A_216 : memref<1x128xi32, #tpu.memory_space<vmem>> -> memref<128xi32, #tpu.memory_space<vmem>>
    %dma_start3A_218 = arith.constant 0 : i32
    %dma_start3A_219 = arith.constant 0 : i32
    %dma_start3A_220 = tpu.memref_slice %arg3[%dma_start3A_218, %dma_start3A_219] : memref<100000x64xf32, #tpu.memory_space<hbm>> -> memref<100000x64xf32, #tpu.memory_space<hbm>>
    tpu.enqueue_indirect_dma source(%dma_start3A_220 : memref<100000x64xf32, #tpu.memory_space<hbm>>) target(%dma_start3A_214 : memref<128x64xf32, #tpu.memory_space<vmem>>) offsets(%dma_start3A_217 : memref<128xi32, #tpu.memory_space<vmem>>) semaphore(%arg9 : memref<!tpu.dma_semaphore, #tpu.memory_space<semaphore_mem>>)
    %dma_start3A_221 = arith.constant 16 : i32
    %dma_start3A_222 = arith.constant 128 : i32
    %dma_start3A_223 = arith.constant 0 : i32
    %dma_start3A_224 = tpu.memref_slice %arg6[%dma_start3A_222, %dma_start3A_223] : memref<640x64xf32, #tpu.memory_space<vmem>> -> memref<128x64xf32, #tpu.memory_space<vmem>>
    %dma_start3A_225 = arith.constant 0 : i32
    %dma_start3A_226 = tpu.memref_slice %arg5[%dma_start3A_221, %dma_start3A_225] : memref<50x128xi32, #tpu.memory_space<vmem>> -> memref<1x128xi32, #tpu.memory_space<vmem>>
    %dma_start3A_227 = tpu.memref_squeeze %dma_start3A_226 : memref<1x128xi32, #tpu.memory_space<vmem>> -> memref<128xi32, #tpu.memory_space<vmem>>
    %dma_start3A_228 = arith.constant 0 : i32
    %dma_start3A_229 = arith.constant 0 : i32
    %dma_start3A_230 = tpu.memref_slice %arg3[%dma_start3A_228, %dma_start3A_229] : memref<100000x64xf32, #tpu.memory_space<hbm>> -> memref<100000x64xf32, #tpu.memory_space<hbm>>
    tpu.enqueue_indirect_dma source(%dma_start3A_230 : memref<100000x64xf32, #tpu.memory_space<hbm>>) target(%dma_start3A_224 : memref<128x64xf32, #tpu.memory_space<vmem>>) offsets(%dma_start3A_227 : memref<128xi32, #tpu.memory_space<vmem>>) semaphore(%arg9 : memref<!tpu.dma_semaphore, #tpu.memory_space<semaphore_mem>>)
    %dma_start3A_231 = arith.constant 17 : i32
    %dma_start3A_232 = arith.constant 256 : i32
    %dma_start3A_233 = arith.constant 0 : i32
    %dma_start3A_234 = tpu.memref_slice %arg6[%dma_start3A_232, %dma_start3A_233] : memref<640x64xf32, #tpu.memory_space<vmem>> -> memref<128x64xf32, #tpu.memory_space<vmem>>
    %dma_start3A_235 = arith.constant 0 : i32
    %dma_start3A_236 = tpu.memref_slice %arg5[%dma_start3A_231, %dma_start3A_235] : memref<50x128xi32, #tpu.memory_space<vmem>> -> memref<1x128xi32, #tpu.memory_space<vmem>>
    %dma_start3A_237 = tpu.memref_squeeze %dma_start3A_236 : memref<1x128xi32, #tpu.memory_space<vmem>> -> memref<128xi32, #tpu.memory_space<vmem>>
    %dma_start3A_238 = arith.constant 0 : i32
    %dma_start3A_239 = arith.constant 0 : i32
    %dma_start3A_240 = tpu.memref_slice %arg3[%dma_start3A_238, %dma_start3A_239] : memref<100000x64xf32, #tpu.memory_space<hbm>> -> memref<100000x64xf32, #tpu.memory_space<hbm>>
    tpu.enqueue_indirect_dma source(%dma_start3A_240 : memref<100000x64xf32, #tpu.memory_space<hbm>>) target(%dma_start3A_234 : memref<128x64xf32, #tpu.memory_space<vmem>>) offsets(%dma_start3A_237 : memref<128xi32, #tpu.memory_space<vmem>>) semaphore(%arg9 : memref<!tpu.dma_semaphore, #tpu.memory_space<semaphore_mem>>)
    %dma_start3A_241 = arith.constant 18 : i32
    %dma_start3A_242 = arith.constant 384 : i32
    %dma_start3A_243 = arith.constant 0 : i32
    %dma_start3A_244 = tpu.memref_slice %arg6[%dma_start3A_242, %dma_start3A_243] : memref<640x64xf32, #tpu.memory_space<vmem>> -> memref<128x64xf32, #tpu.memory_space<vmem>>
    %dma_start3A_245 = arith.constant 0 : i32
    %dma_start3A_246 = tpu.memref_slice %arg5[%dma_start3A_241, %dma_start3A_245] : memref<50x128xi32, #tpu.memory_space<vmem>> -> memref<1x128xi32, #tpu.memory_space<vmem>>
    %dma_start3A_247 = tpu.memref_squeeze %dma_start3A_246 : memref<1x128xi32, #tpu.memory_space<vmem>> -> memref<128xi32, #tpu.memory_space<vmem>>
    %dma_start3A_248 = arith.constant 0 : i32
    %dma_start3A_249 = arith.constant 0 : i32
    %dma_start3A_250 = tpu.memref_slice %arg3[%dma_start3A_248, %dma_start3A_249] : memref<100000x64xf32, #tpu.memory_space<hbm>> -> memref<100000x64xf32, #tpu.memory_space<hbm>>
    tpu.enqueue_indirect_dma source(%dma_start3A_250 : memref<100000x64xf32, #tpu.memory_space<hbm>>) target(%dma_start3A_244 : memref<128x64xf32, #tpu.memory_space<vmem>>) offsets(%dma_start3A_247 : memref<128xi32, #tpu.memory_space<vmem>>) semaphore(%arg9 : memref<!tpu.dma_semaphore, #tpu.memory_space<semaphore_mem>>)
    %dma_start3A_251 = arith.constant 19 : i32
    %dma_start3A_252 = arith.constant 512 : i32
    %dma_start3A_253 = arith.constant 0 : i32
    %dma_start3A_254 = tpu.memref_slice %arg6[%dma_start3A_252, %dma_start3A_253] : memref<640x64xf32, #tpu.memory_space<vmem>> -> memref<128x64xf32, #tpu.memory_space<vmem>>
    %dma_start3A_255 = arith.constant 0 : i32
    %dma_start3A_256 = tpu.memref_slice %arg5[%dma_start3A_251, %dma_start3A_255] : memref<50x128xi32, #tpu.memory_space<vmem>> -> memref<1x128xi32, #tpu.memory_space<vmem>>
    %dma_start3A_257 = tpu.memref_squeeze %dma_start3A_256 : memref<1x128xi32, #tpu.memory_space<vmem>> -> memref<128xi32, #tpu.memory_space<vmem>>
    %dma_start3A_258 = arith.constant 0 : i32
    %dma_start3A_259 = arith.constant 0 : i32
    %dma_start3A_260 = tpu.memref_slice %arg3[%dma_start3A_258, %dma_start3A_259] : memref<100000x64xf32, #tpu.memory_space<hbm>> -> memref<100000x64xf32, #tpu.memory_space<hbm>>
    tpu.enqueue_indirect_dma source(%dma_start3A_260 : memref<100000x64xf32, #tpu.memory_space<hbm>>) target(%dma_start3A_254 : memref<128x64xf32, #tpu.memory_space<vmem>>) offsets(%dma_start3A_257 : memref<128xi32, #tpu.memory_space<vmem>>) semaphore(%arg9 : memref<!tpu.dma_semaphore, #tpu.memory_space<semaphore_mem>>)
    %dma_wait3A_261 = arith.constant 5 : i32
    %dma_wait3A_262 = arith.constant 0 : i32
    %dma_wait3A_263 = arith.constant 0 : i32
    %dma_wait3A_264 = tpu.memref_slice %arg7[%dma_wait3A_262, %dma_wait3A_263] : memref<640x64xf32, #tpu.memory_space<vmem>> -> memref<128x64xf32, #tpu.memory_space<vmem>>
    %dma_wait3A_265 = arith.constant 0 : i32
    %dma_wait3A_266 = tpu.memref_slice %arg5[%dma_wait3A_261, %dma_wait3A_265] : memref<50x128xi32, #tpu.memory_space<vmem>> -> memref<1x128xi32, #tpu.memory_space<vmem>>
    %dma_wait3A_267 = tpu.memref_squeeze %dma_wait3A_266 : memref<1x128xi32, #tpu.memory_space<vmem>> -> memref<128xi32, #tpu.memory_space<vmem>>
    %dma_wait3A_268 = arith.constant 0 : i32
    %dma_wait3A_269 = arith.constant 0 : i32
    %dma_wait3A_270 = tpu.memref_slice %arg3[%dma_wait3A_268, %dma_wait3A_269] : memref<100000x64xf32, #tpu.memory_space<hbm>> -> memref<100000x64xf32, #tpu.memory_space<hbm>>
    tpu.wait_indirect_dma semaphore(%arg10 : memref<!tpu.dma_semaphore, #tpu.memory_space<semaphore_mem>>) src(%dma_wait3A_270 : memref<100000x64xf32, #tpu.memory_space<hbm>>) dst(%dma_wait3A_264 : memref<128x64xf32, #tpu.memory_space<vmem>>)
    %dma_wait3A_271 = arith.constant 6 : i32
    %dma_wait3A_272 = arith.constant 128 : i32
    %dma_wait3A_273 = arith.constant 0 : i32
    %dma_wait3A_274 = tpu.memref_slice %arg7[%dma_wait3A_272, %dma_wait3A_273] : memref<640x64xf32, #tpu.memory_space<vmem>> -> memref<128x64xf32, #tpu.memory_space<vmem>>
    %dma_wait3A_275 = arith.constant 0 : i32
    %dma_wait3A_276 = tpu.memref_slice %arg5[%dma_wait3A_271, %dma_wait3A_275] : memref<50x128xi32, #tpu.memory_space<vmem>> -> memref<1x128xi32, #tpu.memory_space<vmem>>
    %dma_wait3A_277 = tpu.memref_squeeze %dma_wait3A_276 : memref<1x128xi32, #tpu.memory_space<vmem>> -> memref<128xi32, #tpu.memory_space<vmem>>
    %dma_wait3A_278 = arith.constant 0 : i32
    %dma_wait3A_279 = arith.constant 0 : i32
    %dma_wait3A_280 = tpu.memref_slice %arg3[%dma_wait3A_278, %dma_wait3A_279] : memref<100000x64xf32, #tpu.memory_space<hbm>> -> memref<100000x64xf32, #tpu.memory_space<hbm>>
    tpu.wait_indirect_dma semaphore(%arg10 : memref<!tpu.dma_semaphore, #tpu.memory_space<semaphore_mem>>) src(%dma_wait3A_280 : memref<100000x64xf32, #tpu.memory_space<hbm>>) dst(%dma_wait3A_274 : memref<128x64xf32, #tpu.memory_space<vmem>>)
    %dma_wait3A_281 = arith.constant 7 : i32
    %dma_wait3A_282 = arith.constant 256 : i32
    %dma_wait3A_283 = arith.constant 0 : i32
    %dma_wait3A_284 = tpu.memref_slice %arg7[%dma_wait3A_282, %dma_wait3A_283] : memref<640x64xf32, #tpu.memory_space<vmem>> -> memref<128x64xf32, #tpu.memory_space<vmem>>
    %dma_wait3A_285 = arith.constant 0 : i32
    %dma_wait3A_286 = tpu.memref_slice %arg5[%dma_wait3A_281, %dma_wait3A_285] : memref<50x128xi32, #tpu.memory_space<vmem>> -> memref<1x128xi32, #tpu.memory_space<vmem>>
    %dma_wait3A_287 = tpu.memref_squeeze %dma_wait3A_286 : memref<1x128xi32, #tpu.memory_space<vmem>> -> memref<128xi32, #tpu.memory_space<vmem>>
    %dma_wait3A_288 = arith.constant 0 : i32
    %dma_wait3A_289 = arith.constant 0 : i32
    %dma_wait3A_290 = tpu.memref_slice %arg3[%dma_wait3A_288, %dma_wait3A_289] : memref<100000x64xf32, #tpu.memory_space<hbm>> -> memref<100000x64xf32, #tpu.memory_space<hbm>>
    tpu.wait_indirect_dma semaphore(%arg10 : memref<!tpu.dma_semaphore, #tpu.memory_space<semaphore_mem>>) src(%dma_wait3A_290 : memref<100000x64xf32, #tpu.memory_space<hbm>>) dst(%dma_wait3A_284 : memref<128x64xf32, #tpu.memory_space<vmem>>)
    %dma_wait3A_291 = arith.constant 8 : i32
    %dma_wait3A_292 = arith.constant 384 : i32
    %dma_wait3A_293 = arith.constant 0 : i32
    %dma_wait3A_294 = tpu.memref_slice %arg7[%dma_wait3A_292, %dma_wait3A_293] : memref<640x64xf32, #tpu.memory_space<vmem>> -> memref<128x64xf32, #tpu.memory_space<vmem>>
    %dma_wait3A_295 = arith.constant 0 : i32
    %dma_wait3A_296 = tpu.memref_slice %arg5[%dma_wait3A_291, %dma_wait3A_295] : memref<50x128xi32, #tpu.memory_space<vmem>> -> memref<1x128xi32, #tpu.memory_space<vmem>>
    %dma_wait3A_297 = tpu.memref_squeeze %dma_wait3A_296 : memref<1x128xi32, #tpu.memory_space<vmem>> -> memref<128xi32, #tpu.memory_space<vmem>>
    %dma_wait3A_298 = arith.constant 0 : i32
    %dma_wait3A_299 = arith.constant 0 : i32
    %dma_wait3A_300 = tpu.memref_slice %arg3[%dma_wait3A_298, %dma_wait3A_299] : memref<100000x64xf32, #tpu.memory_space<hbm>> -> memref<100000x64xf32, #tpu.memory_space<hbm>>
    tpu.wait_indirect_dma semaphore(%arg10 : memref<!tpu.dma_semaphore, #tpu.memory_space<semaphore_mem>>) src(%dma_wait3A_300 : memref<100000x64xf32, #tpu.memory_space<hbm>>) dst(%dma_wait3A_294 : memref<128x64xf32, #tpu.memory_space<vmem>>)
    %dma_wait3A_301 = arith.constant 9 : i32
    %dma_wait3A_302 = arith.constant 512 : i32
    %dma_wait3A_303 = arith.constant 0 : i32
    %dma_wait3A_304 = tpu.memref_slice %arg7[%dma_wait3A_302, %dma_wait3A_303] : memref<640x64xf32, #tpu.memory_space<vmem>> -> memref<128x64xf32, #tpu.memory_space<vmem>>
    %dma_wait3A_305 = arith.constant 0 : i32
    %dma_wait3A_306 = tpu.memref_slice %arg5[%dma_wait3A_301, %dma_wait3A_305] : memref<50x128xi32, #tpu.memory_space<vmem>> -> memref<1x128xi32, #tpu.memory_space<vmem>>
    %dma_wait3A_307 = tpu.memref_squeeze %dma_wait3A_306 : memref<1x128xi32, #tpu.memory_space<vmem>> -> memref<128xi32, #tpu.memory_space<vmem>>
    %dma_wait3A_308 = arith.constant 0 : i32
    %dma_wait3A_309 = arith.constant 0 : i32
    %dma_wait3A_310 = tpu.memref_slice %arg3[%dma_wait3A_308, %dma_wait3A_309] : memref<100000x64xf32, #tpu.memory_space<hbm>> -> memref<100000x64xf32, #tpu.memory_space<hbm>>
    tpu.wait_indirect_dma semaphore(%arg10 : memref<!tpu.dma_semaphore, #tpu.memory_space<semaphore_mem>>) src(%dma_wait3A_310 : memref<100000x64xf32, #tpu.memory_space<hbm>>) dst(%dma_wait3A_304 : memref<128x64xf32, #tpu.memory_space<vmem>>)
    %add3A_311 = arith.constant 640 : i32
    %add3A_312 = arith.addi %mul3A_2, %add3A_311 : i32
    %dma_start3A_313 = arith.constant 0 : i32
    %dma_start3A_314 = tpu.memref_slice %arg4[%add3A_312, %dma_start3A_313] : memref<204800x64xf32, #tpu.memory_space<hbm>> -> memref<640x64xf32, #tpu.memory_space<hbm>>
    %dma_start3A_315 = arith.constant 0 : i32
    %dma_start3A_316 = tpu.memref_slice %arg4[%add3A_312, %dma_start3A_315] : memref<204800x64xf32, #tpu.memory_space<hbm>> -> memref<640x64xf32, #tpu.memory_space<hbm>>
    tpu.enqueue_dma source(%arg7 : memref<640x64xf32, #tpu.memory_space<vmem>>) target(%dma_start3A_316 : memref<640x64xf32, #tpu.memory_space<hbm>>) target_semaphore(%arg13 : memref<!tpu.dma_semaphore, #tpu.memory_space<semaphore_mem>>)
    %dma_wait3A_317 = arith.constant 0 : i32
    %dma_wait3A_318 = tpu.memref_slice %arg4[%add3A_312, %dma_wait3A_317] : memref<204800x64xf32, #tpu.memory_space<hbm>> -> memref<640x64xf32, #tpu.memory_space<hbm>>
    %dma_wait3A_319 = arith.constant 0 : i32
    %dma_wait3A_320 = tpu.memref_slice %arg4[%add3A_312, %dma_wait3A_319] : memref<204800x64xf32, #tpu.memory_space<hbm>> -> memref<640x64xf32, #tpu.memory_space<hbm>>
    tpu.wait_dma2 semaphore(%arg13 : memref<!tpu.dma_semaphore, #tpu.memory_space<semaphore_mem>>) src(%arg7 : memref<640x64xf32, #tpu.memory_space<vmem>>) dst(%dma_wait3A_320 : memref<640x64xf32, #tpu.memory_space<hbm>>)
    %dma_start3A_321 = arith.constant 20 : i32
    %dma_start3A_322 = arith.constant 0 : i32
    %dma_start3A_323 = arith.constant 0 : i32
    %dma_start3A_324 = tpu.memref_slice %arg7[%dma_start3A_322, %dma_start3A_323] : memref<640x64xf32, #tpu.memory_space<vmem>> -> memref<128x64xf32, #tpu.memory_space<vmem>>
    %dma_start3A_325 = arith.constant 0 : i32
    %dma_start3A_326 = tpu.memref_slice %arg5[%dma_start3A_321, %dma_start3A_325] : memref<50x128xi32, #tpu.memory_space<vmem>> -> memref<1x128xi32, #tpu.memory_space<vmem>>
    %dma_start3A_327 = tpu.memref_squeeze %dma_start3A_326 : memref<1x128xi32, #tpu.memory_space<vmem>> -> memref<128xi32, #tpu.memory_space<vmem>>
    %dma_start3A_328 = arith.constant 0 : i32
    %dma_start3A_329 = arith.constant 0 : i32
    %dma_start3A_330 = tpu.memref_slice %arg3[%dma_start3A_328, %dma_start3A_329] : memref<100000x64xf32, #tpu.memory_space<hbm>> -> memref<100000x64xf32, #tpu.memory_space<hbm>>
    tpu.enqueue_indirect_dma source(%dma_start3A_330 : memref<100000x64xf32, #tpu.memory_space<hbm>>) target(%dma_start3A_324 : memref<128x64xf32, #tpu.memory_space<vmem>>) offsets(%dma_start3A_327 : memref<128xi32, #tpu.memory_space<vmem>>) semaphore(%arg10 : memref<!tpu.dma_semaphore, #tpu.memory_space<semaphore_mem>>)
    %dma_start3A_331 = arith.constant 21 : i32
    %dma_start3A_332 = arith.constant 128 : i32
    %dma_start3A_333 = arith.constant 0 : i32
    %dma_start3A_334 = tpu.memref_slice %arg7[%dma_start3A_332, %dma_start3A_333] : memref<640x64xf32, #tpu.memory_space<vmem>> -> memref<128x64xf32, #tpu.memory_space<vmem>>
    %dma_start3A_335 = arith.constant 0 : i32
    %dma_start3A_336 = tpu.memref_slice %arg5[%dma_start3A_331, %dma_start3A_335] : memref<50x128xi32, #tpu.memory_space<vmem>> -> memref<1x128xi32, #tpu.memory_space<vmem>>
    %dma_start3A_337 = tpu.memref_squeeze %dma_start3A_336 : memref<1x128xi32, #tpu.memory_space<vmem>> -> memref<128xi32, #tpu.memory_space<vmem>>
    %dma_start3A_338 = arith.constant 0 : i32
    %dma_start3A_339 = arith.constant 0 : i32
    %dma_start3A_340 = tpu.memref_slice %arg3[%dma_start3A_338, %dma_start3A_339] : memref<100000x64xf32, #tpu.memory_space<hbm>> -> memref<100000x64xf32, #tpu.memory_space<hbm>>
    tpu.enqueue_indirect_dma source(%dma_start3A_340 : memref<100000x64xf32, #tpu.memory_space<hbm>>) target(%dma_start3A_334 : memref<128x64xf32, #tpu.memory_space<vmem>>) offsets(%dma_start3A_337 : memref<128xi32, #tpu.memory_space<vmem>>) semaphore(%arg10 : memref<!tpu.dma_semaphore, #tpu.memory_space<semaphore_mem>>)
    %dma_start3A_341 = arith.constant 22 : i32
    %dma_start3A_342 = arith.constant 256 : i32
    %dma_start3A_343 = arith.constant 0 : i32
    %dma_start3A_344 = tpu.memref_slice %arg7[%dma_start3A_342, %dma_start3A_343] : memref<640x64xf32, #tpu.memory_space<vmem>> -> memref<128x64xf32, #tpu.memory_space<vmem>>
    %dma_start3A_345 = arith.constant 0 : i32
    %dma_start3A_346 = tpu.memref_slice %arg5[%dma_start3A_341, %dma_start3A_345] : memref<50x128xi32, #tpu.memory_space<vmem>> -> memref<1x128xi32, #tpu.memory_space<vmem>>
    %dma_start3A_347 = tpu.memref_squeeze %dma_start3A_346 : memref<1x128xi32, #tpu.memory_space<vmem>> -> memref<128xi32, #tpu.memory_space<vmem>>
    %dma_start3A_348 = arith.constant 0 : i32
    %dma_start3A_349 = arith.constant 0 : i32
    %dma_start3A_350 = tpu.memref_slice %arg3[%dma_start3A_348, %dma_start3A_349] : memref<100000x64xf32, #tpu.memory_space<hbm>> -> memref<100000x64xf32, #tpu.memory_space<hbm>>
    tpu.enqueue_indirect_dma source(%dma_start3A_350 : memref<100000x64xf32, #tpu.memory_space<hbm>>) target(%dma_start3A_344 : memref<128x64xf32, #tpu.memory_space<vmem>>) offsets(%dma_start3A_347 : memref<128xi32, #tpu.memory_space<vmem>>) semaphore(%arg10 : memref<!tpu.dma_semaphore, #tpu.memory_space<semaphore_mem>>)
    %dma_start3A_351 = arith.constant 23 : i32
    %dma_start3A_352 = arith.constant 384 : i32
    %dma_start3A_353 = arith.constant 0 : i32
    %dma_start3A_354 = tpu.memref_slice %arg7[%dma_start3A_352, %dma_start3A_353] : memref<640x64xf32, #tpu.memory_space<vmem>> -> memref<128x64xf32, #tpu.memory_space<vmem>>
    %dma_start3A_355 = arith.constant 0 : i32
    %dma_start3A_356 = tpu.memref_slice %arg5[%dma_start3A_351, %dma_start3A_355] : memref<50x128xi32, #tpu.memory_space<vmem>> -> memref<1x128xi32, #tpu.memory_space<vmem>>
    %dma_start3A_357 = tpu.memref_squeeze %dma_start3A_356 : memref<1x128xi32, #tpu.memory_space<vmem>> -> memref<128xi32, #tpu.memory_space<vmem>>
    %dma_start3A_358 = arith.constant 0 : i32
    %dma_start3A_359 = arith.constant 0 : i32
    %dma_start3A_360 = tpu.memref_slice %arg3[%dma_start3A_358, %dma_start3A_359] : memref<100000x64xf32, #tpu.memory_space<hbm>> -> memref<100000x64xf32, #tpu.memory_space<hbm>>
    tpu.enqueue_indirect_dma source(%dma_start3A_360 : memref<100000x64xf32, #tpu.memory_space<hbm>>) target(%dma_start3A_354 : memref<128x64xf32, #tpu.memory_space<vmem>>) offsets(%dma_start3A_357 : memref<128xi32, #tpu.memory_space<vmem>>) semaphore(%arg10 : memref<!tpu.dma_semaphore, #tpu.memory_space<semaphore_mem>>)
    %dma_start3A_361 = arith.constant 24 : i32
    %dma_start3A_362 = arith.constant 512 : i32
    %dma_start3A_363 = arith.constant 0 : i32
    %dma_start3A_364 = tpu.memref_slice %arg7[%dma_start3A_362, %dma_start3A_363] : memref<640x64xf32, #tpu.memory_space<vmem>> -> memref<128x64xf32, #tpu.memory_space<vmem>>
    %dma_start3A_365 = arith.constant 0 : i32
    %dma_start3A_366 = tpu.memref_slice %arg5[%dma_start3A_361, %dma_start3A_365] : memref<50x128xi32, #tpu.memory_space<vmem>> -> memref<1x128xi32, #tpu.memory_space<vmem>>
    %dma_start3A_367 = tpu.memref_squeeze %dma_start3A_366 : memref<1x128xi32, #tpu.memory_space<vmem>> -> memref<128xi32, #tpu.memory_space<vmem>>
    %dma_start3A_368 = arith.constant 0 : i32
    %dma_start3A_369 = arith.constant 0 : i32
    %dma_start3A_370 = tpu.memref_slice %arg3[%dma_start3A_368, %dma_start3A_369] : memref<100000x64xf32, #tpu.memory_space<hbm>> -> memref<100000x64xf32, #tpu.memory_space<hbm>>
    tpu.enqueue_indirect_dma source(%dma_start3A_370 : memref<100000x64xf32, #tpu.memory_space<hbm>>) target(%dma_start3A_364 : memref<128x64xf32, #tpu.memory_space<vmem>>) offsets(%dma_start3A_367 : memref<128xi32, #tpu.memory_space<vmem>>) semaphore(%arg10 : memref<!tpu.dma_semaphore, #tpu.memory_space<semaphore_mem>>)
    %dma_wait3A_371 = arith.constant 10 : i32
    %dma_wait3A_372 = arith.constant 0 : i32
    %dma_wait3A_373 = arith.constant 0 : i32
    %dma_wait3A_374 = tpu.memref_slice %arg8[%dma_wait3A_372, %dma_wait3A_373] : memref<640x64xf32, #tpu.memory_space<vmem>> -> memref<128x64xf32, #tpu.memory_space<vmem>>
    %dma_wait3A_375 = arith.constant 0 : i32
    %dma_wait3A_376 = tpu.memref_slice %arg5[%dma_wait3A_371, %dma_wait3A_375] : memref<50x128xi32, #tpu.memory_space<vmem>> -> memref<1x128xi32, #tpu.memory_space<vmem>>
    %dma_wait3A_377 = tpu.memref_squeeze %dma_wait3A_376 : memref<1x128xi32, #tpu.memory_space<vmem>> -> memref<128xi32, #tpu.memory_space<vmem>>
    %dma_wait3A_378 = arith.constant 0 : i32
    %dma_wait3A_379 = arith.constant 0 : i32
    %dma_wait3A_380 = tpu.memref_slice %arg3[%dma_wait3A_378, %dma_wait3A_379] : memref<100000x64xf32, #tpu.memory_space<hbm>> -> memref<100000x64xf32, #tpu.memory_space<hbm>>
    tpu.wait_indirect_dma semaphore(%arg11 : memref<!tpu.dma_semaphore, #tpu.memory_space<semaphore_mem>>) src(%dma_wait3A_380 : memref<100000x64xf32, #tpu.memory_space<hbm>>) dst(%dma_wait3A_374 : memref<128x64xf32, #tpu.memory_space<vmem>>)
    %dma_wait3A_381 = arith.constant 11 : i32
    %dma_wait3A_382 = arith.constant 128 : i32
    %dma_wait3A_383 = arith.constant 0 : i32
    %dma_wait3A_384 = tpu.memref_slice %arg8[%dma_wait3A_382, %dma_wait3A_383] : memref<640x64xf32, #tpu.memory_space<vmem>> -> memref<128x64xf32, #tpu.memory_space<vmem>>
    %dma_wait3A_385 = arith.constant 0 : i32
    %dma_wait3A_386 = tpu.memref_slice %arg5[%dma_wait3A_381, %dma_wait3A_385] : memref<50x128xi32, #tpu.memory_space<vmem>> -> memref<1x128xi32, #tpu.memory_space<vmem>>
    %dma_wait3A_387 = tpu.memref_squeeze %dma_wait3A_386 : memref<1x128xi32, #tpu.memory_space<vmem>> -> memref<128xi32, #tpu.memory_space<vmem>>
    %dma_wait3A_388 = arith.constant 0 : i32
    %dma_wait3A_389 = arith.constant 0 : i32
    %dma_wait3A_390 = tpu.memref_slice %arg3[%dma_wait3A_388, %dma_wait3A_389] : memref<100000x64xf32, #tpu.memory_space<hbm>> -> memref<100000x64xf32, #tpu.memory_space<hbm>>
    tpu.wait_indirect_dma semaphore(%arg11 : memref<!tpu.dma_semaphore, #tpu.memory_space<semaphore_mem>>) src(%dma_wait3A_390 : memref<100000x64xf32, #tpu.memory_space<hbm>>) dst(%dma_wait3A_384 : memref<128x64xf32, #tpu.memory_space<vmem>>)
    %dma_wait3A_391 = arith.constant 12 : i32
    %dma_wait3A_392 = arith.constant 256 : i32
    %dma_wait3A_393 = arith.constant 0 : i32
    %dma_wait3A_394 = tpu.memref_slice %arg8[%dma_wait3A_392, %dma_wait3A_393] : memref<640x64xf32, #tpu.memory_space<vmem>> -> memref<128x64xf32, #tpu.memory_space<vmem>>
    %dma_wait3A_395 = arith.constant 0 : i32
    %dma_wait3A_396 = tpu.memref_slice %arg5[%dma_wait3A_391, %dma_wait3A_395] : memref<50x128xi32, #tpu.memory_space<vmem>> -> memref<1x128xi32, #tpu.memory_space<vmem>>
    %dma_wait3A_397 = tpu.memref_squeeze %dma_wait3A_396 : memref<1x128xi32, #tpu.memory_space<vmem>> -> memref<128xi32, #tpu.memory_space<vmem>>
    %dma_wait3A_398 = arith.constant 0 : i32
    %dma_wait3A_399 = arith.constant 0 : i32
    %dma_wait3A_400 = tpu.memref_slice %arg3[%dma_wait3A_398, %dma_wait3A_399] : memref<100000x64xf32, #tpu.memory_space<hbm>> -> memref<100000x64xf32, #tpu.memory_space<hbm>>
    tpu.wait_indirect_dma semaphore(%arg11 : memref<!tpu.dma_semaphore, #tpu.memory_space<semaphore_mem>>) src(%dma_wait3A_400 : memref<100000x64xf32, #tpu.memory_space<hbm>>) dst(%dma_wait3A_394 : memref<128x64xf32, #tpu.memory_space<vmem>>)
    %dma_wait3A_401 = arith.constant 13 : i32
    %dma_wait3A_402 = arith.constant 384 : i32
    %dma_wait3A_403 = arith.constant 0 : i32
    %dma_wait3A_404 = tpu.memref_slice %arg8[%dma_wait3A_402, %dma_wait3A_403] : memref<640x64xf32, #tpu.memory_space<vmem>> -> memref<128x64xf32, #tpu.memory_space<vmem>>
    %dma_wait3A_405 = arith.constant 0 : i32
    %dma_wait3A_406 = tpu.memref_slice %arg5[%dma_wait3A_401, %dma_wait3A_405] : memref<50x128xi32, #tpu.memory_space<vmem>> -> memref<1x128xi32, #tpu.memory_space<vmem>>
    %dma_wait3A_407 = tpu.memref_squeeze %dma_wait3A_406 : memref<1x128xi32, #tpu.memory_space<vmem>> -> memref<128xi32, #tpu.memory_space<vmem>>
    %dma_wait3A_408 = arith.constant 0 : i32
    %dma_wait3A_409 = arith.constant 0 : i32
    %dma_wait3A_410 = tpu.memref_slice %arg3[%dma_wait3A_408, %dma_wait3A_409] : memref<100000x64xf32, #tpu.memory_space<hbm>> -> memref<100000x64xf32, #tpu.memory_space<hbm>>
    tpu.wait_indirect_dma semaphore(%arg11 : memref<!tpu.dma_semaphore, #tpu.memory_space<semaphore_mem>>) src(%dma_wait3A_410 : memref<100000x64xf32, #tpu.memory_space<hbm>>) dst(%dma_wait3A_404 : memref<128x64xf32, #tpu.memory_space<vmem>>)
    %dma_wait3A_411 = arith.constant 14 : i32
    %dma_wait3A_412 = arith.constant 512 : i32
    %dma_wait3A_413 = arith.constant 0 : i32
    %dma_wait3A_414 = tpu.memref_slice %arg8[%dma_wait3A_412, %dma_wait3A_413] : memref<640x64xf32, #tpu.memory_space<vmem>> -> memref<128x64xf32, #tpu.memory_space<vmem>>
    %dma_wait3A_415 = arith.constant 0 : i32
    %dma_wait3A_416 = tpu.memref_slice %arg5[%dma_wait3A_411, %dma_wait3A_415] : memref<50x128xi32, #tpu.memory_space<vmem>> -> memref<1x128xi32, #tpu.memory_space<vmem>>
    %dma_wait3A_417 = tpu.memref_squeeze %dma_wait3A_416 : memref<1x128xi32, #tpu.memory_space<vmem>> -> memref<128xi32, #tpu.memory_space<vmem>>
    %dma_wait3A_418 = arith.constant 0 : i32
    %dma_wait3A_419 = arith.constant 0 : i32
    %dma_wait3A_420 = tpu.memref_slice %arg3[%dma_wait3A_418, %dma_wait3A_419] : memref<100000x64xf32, #tpu.memory_space<hbm>> -> memref<100000x64xf32, #tpu.memory_space<hbm>>
    tpu.wait_indirect_dma semaphore(%arg11 : memref<!tpu.dma_semaphore, #tpu.memory_space<semaphore_mem>>) src(%dma_wait3A_420 : memref<100000x64xf32, #tpu.memory_space<hbm>>) dst(%dma_wait3A_414 : memref<128x64xf32, #tpu.memory_space<vmem>>)
    %add3A_421 = arith.constant 1280 : i32
    %add3A_422 = arith.addi %mul3A_2, %add3A_421 : i32
    %dma_start3A_423 = arith.constant 0 : i32
    %dma_start3A_424 = tpu.memref_slice %arg4[%add3A_422, %dma_start3A_423] : memref<204800x64xf32, #tpu.memory_space<hbm>> -> memref<640x64xf32, #tpu.memory_space<hbm>>
    %dma_start3A_425 = arith.constant 0 : i32
    %dma_start3A_426 = tpu.memref_slice %arg4[%add3A_422, %dma_start3A_425] : memref<204800x64xf32, #tpu.memory_space<hbm>> -> memref<640x64xf32, #tpu.memory_space<hbm>>
    tpu.enqueue_dma source(%arg8 : memref<640x64xf32, #tpu.memory_space<vmem>>) target(%dma_start3A_426 : memref<640x64xf32, #tpu.memory_space<hbm>>) target_semaphore(%arg14 : memref<!tpu.dma_semaphore, #tpu.memory_space<semaphore_mem>>)
    %dma_wait3A_427 = arith.constant 0 : i32
    %dma_wait3A_428 = tpu.memref_slice %arg4[%add3A_422, %dma_wait3A_427] : memref<204800x64xf32, #tpu.memory_space<hbm>> -> memref<640x64xf32, #tpu.memory_space<hbm>>
    %dma_wait3A_429 = arith.constant 0 : i32
    %dma_wait3A_430 = tpu.memref_slice %arg4[%add3A_422, %dma_wait3A_429] : memref<204800x64xf32, #tpu.memory_space<hbm>> -> memref<640x64xf32, #tpu.memory_space<hbm>>
    tpu.wait_dma2 semaphore(%arg14 : memref<!tpu.dma_semaphore, #tpu.memory_space<semaphore_mem>>) src(%arg8 : memref<640x64xf32, #tpu.memory_space<vmem>>) dst(%dma_wait3A_430 : memref<640x64xf32, #tpu.memory_space<hbm>>)
    %dma_start3A_431 = arith.constant 25 : i32
    %dma_start3A_432 = arith.constant 0 : i32
    %dma_start3A_433 = arith.constant 0 : i32
    %dma_start3A_434 = tpu.memref_slice %arg8[%dma_start3A_432, %dma_start3A_433] : memref<640x64xf32, #tpu.memory_space<vmem>> -> memref<128x64xf32, #tpu.memory_space<vmem>>
    %dma_start3A_435 = arith.constant 0 : i32
    %dma_start3A_436 = tpu.memref_slice %arg5[%dma_start3A_431, %dma_start3A_435] : memref<50x128xi32, #tpu.memory_space<vmem>> -> memref<1x128xi32, #tpu.memory_space<vmem>>
    %dma_start3A_437 = tpu.memref_squeeze %dma_start3A_436 : memref<1x128xi32, #tpu.memory_space<vmem>> -> memref<128xi32, #tpu.memory_space<vmem>>
    %dma_start3A_438 = arith.constant 0 : i32
    %dma_start3A_439 = arith.constant 0 : i32
    %dma_start3A_440 = tpu.memref_slice %arg3[%dma_start3A_438, %dma_start3A_439] : memref<100000x64xf32, #tpu.memory_space<hbm>> -> memref<100000x64xf32, #tpu.memory_space<hbm>>
    tpu.enqueue_indirect_dma source(%dma_start3A_440 : memref<100000x64xf32, #tpu.memory_space<hbm>>) target(%dma_start3A_434 : memref<128x64xf32, #tpu.memory_space<vmem>>) offsets(%dma_start3A_437 : memref<128xi32, #tpu.memory_space<vmem>>) semaphore(%arg11 : memref<!tpu.dma_semaphore, #tpu.memory_space<semaphore_mem>>)
    %dma_start3A_441 = arith.constant 26 : i32
    %dma_start3A_442 = arith.constant 128 : i32
    %dma_start3A_443 = arith.constant 0 : i32
    %dma_start3A_444 = tpu.memref_slice %arg8[%dma_start3A_442, %dma_start3A_443] : memref<640x64xf32, #tpu.memory_space<vmem>> -> memref<128x64xf32, #tpu.memory_space<vmem>>
    %dma_start3A_445 = arith.constant 0 : i32
    %dma_start3A_446 = tpu.memref_slice %arg5[%dma_start3A_441, %dma_start3A_445] : memref<50x128xi32, #tpu.memory_space<vmem>> -> memref<1x128xi32, #tpu.memory_space<vmem>>
    %dma_start3A_447 = tpu.memref_squeeze %dma_start3A_446 : memref<1x128xi32, #tpu.memory_space<vmem>> -> memref<128xi32, #tpu.memory_space<vmem>>
    %dma_start3A_448 = arith.constant 0 : i32
    %dma_start3A_449 = arith.constant 0 : i32
    %dma_start3A_450 = tpu.memref_slice %arg3[%dma_start3A_448, %dma_start3A_449] : memref<100000x64xf32, #tpu.memory_space<hbm>> -> memref<100000x64xf32, #tpu.memory_space<hbm>>
    tpu.enqueue_indirect_dma source(%dma_start3A_450 : memref<100000x64xf32, #tpu.memory_space<hbm>>) target(%dma_start3A_444 : memref<128x64xf32, #tpu.memory_space<vmem>>) offsets(%dma_start3A_447 : memref<128xi32, #tpu.memory_space<vmem>>) semaphore(%arg11 : memref<!tpu.dma_semaphore, #tpu.memory_space<semaphore_mem>>)
    %dma_start3A_451 = arith.constant 27 : i32
    %dma_start3A_452 = arith.constant 256 : i32
    %dma_start3A_453 = arith.constant 0 : i32
    %dma_start3A_454 = tpu.memref_slice %arg8[%dma_start3A_452, %dma_start3A_453] : memref<640x64xf32, #tpu.memory_space<vmem>> -> memref<128x64xf32, #tpu.memory_space<vmem>>
    %dma_start3A_455 = arith.constant 0 : i32
    %dma_start3A_456 = tpu.memref_slice %arg5[%dma_start3A_451, %dma_start3A_455] : memref<50x128xi32, #tpu.memory_space<vmem>> -> memref<1x128xi32, #tpu.memory_space<vmem>>
    %dma_start3A_457 = tpu.memref_squeeze %dma_start3A_456 : memref<1x128xi32, #tpu.memory_space<vmem>> -> memref<128xi32, #tpu.memory_space<vmem>>
    %dma_start3A_458 = arith.constant 0 : i32
    %dma_start3A_459 = arith.constant 0 : i32
    %dma_start3A_460 = tpu.memref_slice %arg3[%dma_start3A_458, %dma_start3A_459] : memref<100000x64xf32, #tpu.memory_space<hbm>> -> memref<100000x64xf32, #tpu.memory_space<hbm>>
    tpu.enqueue_indirect_dma source(%dma_start3A_460 : memref<100000x64xf32, #tpu.memory_space<hbm>>) target(%dma_start3A_454 : memref<128x64xf32, #tpu.memory_space<vmem>>) offsets(%dma_start3A_457 : memref<128xi32, #tpu.memory_space<vmem>>) semaphore(%arg11 : memref<!tpu.dma_semaphore, #tpu.memory_space<semaphore_mem>>)
    %dma_start3A_461 = arith.constant 28 : i32
    %dma_start3A_462 = arith.constant 384 : i32
    %dma_start3A_463 = arith.constant 0 : i32
    %dma_start3A_464 = tpu.memref_slice %arg8[%dma_start3A_462, %dma_start3A_463] : memref<640x64xf32, #tpu.memory_space<vmem>> -> memref<128x64xf32, #tpu.memory_space<vmem>>
    %dma_start3A_465 = arith.constant 0 : i32
    %dma_start3A_466 = tpu.memref_slice %arg5[%dma_start3A_461, %dma_start3A_465] : memref<50x128xi32, #tpu.memory_space<vmem>> -> memref<1x128xi32, #tpu.memory_space<vmem>>
    %dma_start3A_467 = tpu.memref_squeeze %dma_start3A_466 : memref<1x128xi32, #tpu.memory_space<vmem>> -> memref<128xi32, #tpu.memory_space<vmem>>
    %dma_start3A_468 = arith.constant 0 : i32
    %dma_start3A_469 = arith.constant 0 : i32
    %dma_start3A_470 = tpu.memref_slice %arg3[%dma_start3A_468, %dma_start3A_469] : memref<100000x64xf32, #tpu.memory_space<hbm>> -> memref<100000x64xf32, #tpu.memory_space<hbm>>
    tpu.enqueue_indirect_dma source(%dma_start3A_470 : memref<100000x64xf32, #tpu.memory_space<hbm>>) target(%dma_start3A_464 : memref<128x64xf32, #tpu.memory_space<vmem>>) offsets(%dma_start3A_467 : memref<128xi32, #tpu.memory_space<vmem>>) semaphore(%arg11 : memref<!tpu.dma_semaphore, #tpu.memory_space<semaphore_mem>>)
    %dma_start3A_471 = arith.constant 29 : i32
    %dma_start3A_472 = arith.constant 512 : i32
    %dma_start3A_473 = arith.constant 0 : i32
    %dma_start3A_474 = tpu.memref_slice %arg8[%dma_start3A_472, %dma_start3A_473] : memref<640x64xf32, #tpu.memory_space<vmem>> -> memref<128x64xf32, #tpu.memory_space<vmem>>
    %dma_start3A_475 = arith.constant 0 : i32
    %dma_start3A_476 = tpu.memref_slice %arg5[%dma_start3A_471, %dma_start3A_475] : memref<50x128xi32, #tpu.memory_space<vmem>> -> memref<1x128xi32, #tpu.memory_space<vmem>>
    %dma_start3A_477 = tpu.memref_squeeze %dma_start3A_476 : memref<1x128xi32, #tpu.memory_space<vmem>> -> memref<128xi32, #tpu.memory_space<vmem>>
    %dma_start3A_478 = arith.constant 0 : i32
    %dma_start3A_479 = arith.constant 0 : i32
    %dma_start3A_480 = tpu.memref_slice %arg3[%dma_start3A_478, %dma_start3A_479] : memref<100000x64xf32, #tpu.memory_space<hbm>> -> memref<100000x64xf32, #tpu.memory_space<hbm>>
    tpu.enqueue_indirect_dma source(%dma_start3A_480 : memref<100000x64xf32, #tpu.memory_space<hbm>>) target(%dma_start3A_474 : memref<128x64xf32, #tpu.memory_space<vmem>>) offsets(%dma_start3A_477 : memref<128xi32, #tpu.memory_space<vmem>>) semaphore(%arg11 : memref<!tpu.dma_semaphore, #tpu.memory_space<semaphore_mem>>)
    %dma_wait3A_481 = arith.constant 15 : i32
    %dma_wait3A_482 = arith.constant 0 : i32
    %dma_wait3A_483 = arith.constant 0 : i32
    %dma_wait3A_484 = tpu.memref_slice %arg6[%dma_wait3A_482, %dma_wait3A_483] : memref<640x64xf32, #tpu.memory_space<vmem>> -> memref<128x64xf32, #tpu.memory_space<vmem>>
    %dma_wait3A_485 = arith.constant 0 : i32
    %dma_wait3A_486 = tpu.memref_slice %arg5[%dma_wait3A_481, %dma_wait3A_485] : memref<50x128xi32, #tpu.memory_space<vmem>> -> memref<1x128xi32, #tpu.memory_space<vmem>>
    %dma_wait3A_487 = tpu.memref_squeeze %dma_wait3A_486 : memref<1x128xi32, #tpu.memory_space<vmem>> -> memref<128xi32, #tpu.memory_space<vmem>>
    %dma_wait3A_488 = arith.constant 0 : i32
    %dma_wait3A_489 = arith.constant 0 : i32
    %dma_wait3A_490 = tpu.memref_slice %arg3[%dma_wait3A_488, %dma_wait3A_489] : memref<100000x64xf32, #tpu.memory_space<hbm>> -> memref<100000x64xf32, #tpu.memory_space<hbm>>
    tpu.wait_indirect_dma semaphore(%arg9 : memref<!tpu.dma_semaphore, #tpu.memory_space<semaphore_mem>>) src(%dma_wait3A_490 : memref<100000x64xf32, #tpu.memory_space<hbm>>) dst(%dma_wait3A_484 : memref<128x64xf32, #tpu.memory_space<vmem>>)
    %dma_wait3A_491 = arith.constant 16 : i32
    %dma_wait3A_492 = arith.constant 128 : i32
    %dma_wait3A_493 = arith.constant 0 : i32
    %dma_wait3A_494 = tpu.memref_slice %arg6[%dma_wait3A_492, %dma_wait3A_493] : memref<640x64xf32, #tpu.memory_space<vmem>> -> memref<128x64xf32, #tpu.memory_space<vmem>>
    %dma_wait3A_495 = arith.constant 0 : i32
    %dma_wait3A_496 = tpu.memref_slice %arg5[%dma_wait3A_491, %dma_wait3A_495] : memref<50x128xi32, #tpu.memory_space<vmem>> -> memref<1x128xi32, #tpu.memory_space<vmem>>
    %dma_wait3A_497 = tpu.memref_squeeze %dma_wait3A_496 : memref<1x128xi32, #tpu.memory_space<vmem>> -> memref<128xi32, #tpu.memory_space<vmem>>
    %dma_wait3A_498 = arith.constant 0 : i32
    %dma_wait3A_499 = arith.constant 0 : i32
    %dma_wait3A_500 = tpu.memref_slice %arg3[%dma_wait3A_498, %dma_wait3A_499] : memref<100000x64xf32, #tpu.memory_space<hbm>> -> memref<100000x64xf32, #tpu.memory_space<hbm>>
    tpu.wait_indirect_dma semaphore(%arg9 : memref<!tpu.dma_semaphore, #tpu.memory_space<semaphore_mem>>) src(%dma_wait3A_500 : memref<100000x64xf32, #tpu.memory_space<hbm>>) dst(%dma_wait3A_494 : memref<128x64xf32, #tpu.memory_space<vmem>>)
    %dma_wait3A_501 = arith.constant 17 : i32
    %dma_wait3A_502 = arith.constant 256 : i32
    %dma_wait3A_503 = arith.constant 0 : i32
    %dma_wait3A_504 = tpu.memref_slice %arg6[%dma_wait3A_502, %dma_wait3A_503] : memref<640x64xf32, #tpu.memory_space<vmem>> -> memref<128x64xf32, #tpu.memory_space<vmem>>
    %dma_wait3A_505 = arith.constant 0 : i32
    %dma_wait3A_506 = tpu.memref_slice %arg5[%dma_wait3A_501, %dma_wait3A_505] : memref<50x128xi32, #tpu.memory_space<vmem>> -> memref<1x128xi32, #tpu.memory_space<vmem>>
    %dma_wait3A_507 = tpu.memref_squeeze %dma_wait3A_506 : memref<1x128xi32, #tpu.memory_space<vmem>> -> memref<128xi32, #tpu.memory_space<vmem>>
    %dma_wait3A_508 = arith.constant 0 : i32
    %dma_wait3A_509 = arith.constant 0 : i32
    %dma_wait3A_510 = tpu.memref_slice %arg3[%dma_wait3A_508, %dma_wait3A_509] : memref<100000x64xf32, #tpu.memory_space<hbm>> -> memref<100000x64xf32, #tpu.memory_space<hbm>>
    tpu.wait_indirect_dma semaphore(%arg9 : memref<!tpu.dma_semaphore, #tpu.memory_space<semaphore_mem>>) src(%dma_wait3A_510 : memref<100000x64xf32, #tpu.memory_space<hbm>>) dst(%dma_wait3A_504 : memref<128x64xf32, #tpu.memory_space<vmem>>)
    %dma_wait3A_511 = arith.constant 18 : i32
    %dma_wait3A_512 = arith.constant 384 : i32
    %dma_wait3A_513 = arith.constant 0 : i32
    %dma_wait3A_514 = tpu.memref_slice %arg6[%dma_wait3A_512, %dma_wait3A_513] : memref<640x64xf32, #tpu.memory_space<vmem>> -> memref<128x64xf32, #tpu.memory_space<vmem>>
    %dma_wait3A_515 = arith.constant 0 : i32
    %dma_wait3A_516 = tpu.memref_slice %arg5[%dma_wait3A_511, %dma_wait3A_515] : memref<50x128xi32, #tpu.memory_space<vmem>> -> memref<1x128xi32, #tpu.memory_space<vmem>>
    %dma_wait3A_517 = tpu.memref_squeeze %dma_wait3A_516 : memref<1x128xi32, #tpu.memory_space<vmem>> -> memref<128xi32, #tpu.memory_space<vmem>>
    %dma_wait3A_518 = arith.constant 0 : i32
    %dma_wait3A_519 = arith.constant 0 : i32
    %dma_wait3A_520 = tpu.memref_slice %arg3[%dma_wait3A_518, %dma_wait3A_519] : memref<100000x64xf32, #tpu.memory_space<hbm>> -> memref<100000x64xf32, #tpu.memory_space<hbm>>
    tpu.wait_indirect_dma semaphore(%arg9 : memref<!tpu.dma_semaphore, #tpu.memory_space<semaphore_mem>>) src(%dma_wait3A_520 : memref<100000x64xf32, #tpu.memory_space<hbm>>) dst(%dma_wait3A_514 : memref<128x64xf32, #tpu.memory_space<vmem>>)
    %dma_wait3A_521 = arith.constant 19 : i32
    %dma_wait3A_522 = arith.constant 512 : i32
    %dma_wait3A_523 = arith.constant 0 : i32
    %dma_wait3A_524 = tpu.memref_slice %arg6[%dma_wait3A_522, %dma_wait3A_523] : memref<640x64xf32, #tpu.memory_space<vmem>> -> memref<128x64xf32, #tpu.memory_space<vmem>>
    %dma_wait3A_525 = arith.constant 0 : i32
    %dma_wait3A_526 = tpu.memref_slice %arg5[%dma_wait3A_521, %dma_wait3A_525] : memref<50x128xi32, #tpu.memory_space<vmem>> -> memref<1x128xi32, #tpu.memory_space<vmem>>
    %dma_wait3A_527 = tpu.memref_squeeze %dma_wait3A_526 : memref<1x128xi32, #tpu.memory_space<vmem>> -> memref<128xi32, #tpu.memory_space<vmem>>
    %dma_wait3A_528 = arith.constant 0 : i32
    %dma_wait3A_529 = arith.constant 0 : i32
    %dma_wait3A_530 = tpu.memref_slice %arg3[%dma_wait3A_528, %dma_wait3A_529] : memref<100000x64xf32, #tpu.memory_space<hbm>> -> memref<100000x64xf32, #tpu.memory_space<hbm>>
    tpu.wait_indirect_dma semaphore(%arg9 : memref<!tpu.dma_semaphore, #tpu.memory_space<semaphore_mem>>) src(%dma_wait3A_530 : memref<100000x64xf32, #tpu.memory_space<hbm>>) dst(%dma_wait3A_524 : memref<128x64xf32, #tpu.memory_space<vmem>>)
    %add3A_531 = arith.constant 1920 : i32
    %add3A_532 = arith.addi %mul3A_2, %add3A_531 : i32
    %dma_start3A_533 = arith.constant 0 : i32
    %dma_start3A_534 = tpu.memref_slice %arg4[%add3A_532, %dma_start3A_533] : memref<204800x64xf32, #tpu.memory_space<hbm>> -> memref<640x64xf32, #tpu.memory_space<hbm>>
    %dma_start3A_535 = arith.constant 0 : i32
    %dma_start3A_536 = tpu.memref_slice %arg4[%add3A_532, %dma_start3A_535] : memref<204800x64xf32, #tpu.memory_space<hbm>> -> memref<640x64xf32, #tpu.memory_space<hbm>>
    tpu.enqueue_dma source(%arg6 : memref<640x64xf32, #tpu.memory_space<vmem>>) target(%dma_start3A_536 : memref<640x64xf32, #tpu.memory_space<hbm>>) target_semaphore(%arg12 : memref<!tpu.dma_semaphore, #tpu.memory_space<semaphore_mem>>)
    %dma_wait3A_537 = arith.constant 0 : i32
    %dma_wait3A_538 = tpu.memref_slice %arg4[%add3A_532, %dma_wait3A_537] : memref<204800x64xf32, #tpu.memory_space<hbm>> -> memref<640x64xf32, #tpu.memory_space<hbm>>
    %dma_wait3A_539 = arith.constant 0 : i32
    %dma_wait3A_540 = tpu.memref_slice %arg4[%add3A_532, %dma_wait3A_539] : memref<204800x64xf32, #tpu.memory_space<hbm>> -> memref<640x64xf32, #tpu.memory_space<hbm>>
    tpu.wait_dma2 semaphore(%arg12 : memref<!tpu.dma_semaphore, #tpu.memory_space<semaphore_mem>>) src(%arg6 : memref<640x64xf32, #tpu.memory_space<vmem>>) dst(%dma_wait3A_540 : memref<640x64xf32, #tpu.memory_space<hbm>>)
    %dma_start3A_541 = arith.constant 30 : i32
    %dma_start3A_542 = arith.constant 0 : i32
    %dma_start3A_543 = arith.constant 0 : i32
    %dma_start3A_544 = tpu.memref_slice %arg6[%dma_start3A_542, %dma_start3A_543] : memref<640x64xf32, #tpu.memory_space<vmem>> -> memref<128x64xf32, #tpu.memory_space<vmem>>
    %dma_start3A_545 = arith.constant 0 : i32
    %dma_start3A_546 = tpu.memref_slice %arg5[%dma_start3A_541, %dma_start3A_545] : memref<50x128xi32, #tpu.memory_space<vmem>> -> memref<1x128xi32, #tpu.memory_space<vmem>>
    %dma_start3A_547 = tpu.memref_squeeze %dma_start3A_546 : memref<1x128xi32, #tpu.memory_space<vmem>> -> memref<128xi32, #tpu.memory_space<vmem>>
    %dma_start3A_548 = arith.constant 0 : i32
    %dma_start3A_549 = arith.constant 0 : i32
    %dma_start3A_550 = tpu.memref_slice %arg3[%dma_start3A_548, %dma_start3A_549] : memref<100000x64xf32, #tpu.memory_space<hbm>> -> memref<100000x64xf32, #tpu.memory_space<hbm>>
    tpu.enqueue_indirect_dma source(%dma_start3A_550 : memref<100000x64xf32, #tpu.memory_space<hbm>>) target(%dma_start3A_544 : memref<128x64xf32, #tpu.memory_space<vmem>>) offsets(%dma_start3A_547 : memref<128xi32, #tpu.memory_space<vmem>>) semaphore(%arg9 : memref<!tpu.dma_semaphore, #tpu.memory_space<semaphore_mem>>)
    %dma_start3A_551 = arith.constant 31 : i32
    %dma_start3A_552 = arith.constant 128 : i32
    %dma_start3A_553 = arith.constant 0 : i32
    %dma_start3A_554 = tpu.memref_slice %arg6[%dma_start3A_552, %dma_start3A_553] : memref<640x64xf32, #tpu.memory_space<vmem>> -> memref<128x64xf32, #tpu.memory_space<vmem>>
    %dma_start3A_555 = arith.constant 0 : i32
    %dma_start3A_556 = tpu.memref_slice %arg5[%dma_start3A_551, %dma_start3A_555] : memref<50x128xi32, #tpu.memory_space<vmem>> -> memref<1x128xi32, #tpu.memory_space<vmem>>
    %dma_start3A_557 = tpu.memref_squeeze %dma_start3A_556 : memref<1x128xi32, #tpu.memory_space<vmem>> -> memref<128xi32, #tpu.memory_space<vmem>>
    %dma_start3A_558 = arith.constant 0 : i32
    %dma_start3A_559 = arith.constant 0 : i32
    %dma_start3A_560 = tpu.memref_slice %arg3[%dma_start3A_558, %dma_start3A_559] : memref<100000x64xf32, #tpu.memory_space<hbm>> -> memref<100000x64xf32, #tpu.memory_space<hbm>>
    tpu.enqueue_indirect_dma source(%dma_start3A_560 : memref<100000x64xf32, #tpu.memory_space<hbm>>) target(%dma_start3A_554 : memref<128x64xf32, #tpu.memory_space<vmem>>) offsets(%dma_start3A_557 : memref<128xi32, #tpu.memory_space<vmem>>) semaphore(%arg9 : memref<!tpu.dma_semaphore, #tpu.memory_space<semaphore_mem>>)
    %dma_start3A_561 = arith.constant 32 : i32
    %dma_start3A_562 = arith.constant 256 : i32
    %dma_start3A_563 = arith.constant 0 : i32
    %dma_start3A_564 = tpu.memref_slice %arg6[%dma_start3A_562, %dma_start3A_563] : memref<640x64xf32, #tpu.memory_space<vmem>> -> memref<128x64xf32, #tpu.memory_space<vmem>>
    %dma_start3A_565 = arith.constant 0 : i32
    %dma_start3A_566 = tpu.memref_slice %arg5[%dma_start3A_561, %dma_start3A_565] : memref<50x128xi32, #tpu.memory_space<vmem>> -> memref<1x128xi32, #tpu.memory_space<vmem>>
    %dma_start3A_567 = tpu.memref_squeeze %dma_start3A_566 : memref<1x128xi32, #tpu.memory_space<vmem>> -> memref<128xi32, #tpu.memory_space<vmem>>
    %dma_start3A_568 = arith.constant 0 : i32
    %dma_start3A_569 = arith.constant 0 : i32
    %dma_start3A_570 = tpu.memref_slice %arg3[%dma_start3A_568, %dma_start3A_569] : memref<100000x64xf32, #tpu.memory_space<hbm>> -> memref<100000x64xf32, #tpu.memory_space<hbm>>
    tpu.enqueue_indirect_dma source(%dma_start3A_570 : memref<100000x64xf32, #tpu.memory_space<hbm>>) target(%dma_start3A_564 : memref<128x64xf32, #tpu.memory_space<vmem>>) offsets(%dma_start3A_567 : memref<128xi32, #tpu.memory_space<vmem>>) semaphore(%arg9 : memref<!tpu.dma_semaphore, #tpu.memory_space<semaphore_mem>>)
    %dma_start3A_571 = arith.constant 33 : i32
    %dma_start3A_572 = arith.constant 384 : i32
    %dma_start3A_573 = arith.constant 0 : i32
    %dma_start3A_574 = tpu.memref_slice %arg6[%dma_start3A_572, %dma_start3A_573] : memref<640x64xf32, #tpu.memory_space<vmem>> -> memref<128x64xf32, #tpu.memory_space<vmem>>
    %dma_start3A_575 = arith.constant 0 : i32
    %dma_start3A_576 = tpu.memref_slice %arg5[%dma_start3A_571, %dma_start3A_575] : memref<50x128xi32, #tpu.memory_space<vmem>> -> memref<1x128xi32, #tpu.memory_space<vmem>>
    %dma_start3A_577 = tpu.memref_squeeze %dma_start3A_576 : memref<1x128xi32, #tpu.memory_space<vmem>> -> memref<128xi32, #tpu.memory_space<vmem>>
    %dma_start3A_578 = arith.constant 0 : i32
    %dma_start3A_579 = arith.constant 0 : i32
    %dma_start3A_580 = tpu.memref_slice %arg3[%dma_start3A_578, %dma_start3A_579] : memref<100000x64xf32, #tpu.memory_space<hbm>> -> memref<100000x64xf32, #tpu.memory_space<hbm>>
    tpu.enqueue_indirect_dma source(%dma_start3A_580 : memref<100000x64xf32, #tpu.memory_space<hbm>>) target(%dma_start3A_574 : memref<128x64xf32, #tpu.memory_space<vmem>>) offsets(%dma_start3A_577 : memref<128xi32, #tpu.memory_space<vmem>>) semaphore(%arg9 : memref<!tpu.dma_semaphore, #tpu.memory_space<semaphore_mem>>)
    %dma_start3A_581 = arith.constant 34 : i32
    %dma_start3A_582 = arith.constant 512 : i32
    %dma_start3A_583 = arith.constant 0 : i32
    %dma_start3A_584 = tpu.memref_slice %arg6[%dma_start3A_582, %dma_start3A_583] : memref<640x64xf32, #tpu.memory_space<vmem>> -> memref<128x64xf32, #tpu.memory_space<vmem>>
    %dma_start3A_585 = arith.constant 0 : i32
    %dma_start3A_586 = tpu.memref_slice %arg5[%dma_start3A_581, %dma_start3A_585] : memref<50x128xi32, #tpu.memory_space<vmem>> -> memref<1x128xi32, #tpu.memory_space<vmem>>
    %dma_start3A_587 = tpu.memref_squeeze %dma_start3A_586 : memref<1x128xi32, #tpu.memory_space<vmem>> -> memref<128xi32, #tpu.memory_space<vmem>>
    %dma_start3A_588 = arith.constant 0 : i32
    %dma_start3A_589 = arith.constant 0 : i32
    %dma_start3A_590 = tpu.memref_slice %arg3[%dma_start3A_588, %dma_start3A_589] : memref<100000x64xf32, #tpu.memory_space<hbm>> -> memref<100000x64xf32, #tpu.memory_space<hbm>>
    tpu.enqueue_indirect_dma source(%dma_start3A_590 : memref<100000x64xf32, #tpu.memory_space<hbm>>) target(%dma_start3A_584 : memref<128x64xf32, #tpu.memory_space<vmem>>) offsets(%dma_start3A_587 : memref<128xi32, #tpu.memory_space<vmem>>) semaphore(%arg9 : memref<!tpu.dma_semaphore, #tpu.memory_space<semaphore_mem>>)
    %dma_wait3A_591 = arith.constant 20 : i32
    %dma_wait3A_592 = arith.constant 0 : i32
    %dma_wait3A_593 = arith.constant 0 : i32
    %dma_wait3A_594 = tpu.memref_slice %arg7[%dma_wait3A_592, %dma_wait3A_593] : memref<640x64xf32, #tpu.memory_space<vmem>> -> memref<128x64xf32, #tpu.memory_space<vmem>>
    %dma_wait3A_595 = arith.constant 0 : i32
    %dma_wait3A_596 = tpu.memref_slice %arg5[%dma_wait3A_591, %dma_wait3A_595] : memref<50x128xi32, #tpu.memory_space<vmem>> -> memref<1x128xi32, #tpu.memory_space<vmem>>
    %dma_wait3A_597 = tpu.memref_squeeze %dma_wait3A_596 : memref<1x128xi32, #tpu.memory_space<vmem>> -> memref<128xi32, #tpu.memory_space<vmem>>
    %dma_wait3A_598 = arith.constant 0 : i32
    %dma_wait3A_599 = arith.constant 0 : i32
    %dma_wait3A_600 = tpu.memref_slice %arg3[%dma_wait3A_598, %dma_wait3A_599] : memref<100000x64xf32, #tpu.memory_space<hbm>> -> memref<100000x64xf32, #tpu.memory_space<hbm>>
    tpu.wait_indirect_dma semaphore(%arg10 : memref<!tpu.dma_semaphore, #tpu.memory_space<semaphore_mem>>) src(%dma_wait3A_600 : memref<100000x64xf32, #tpu.memory_space<hbm>>) dst(%dma_wait3A_594 : memref<128x64xf32, #tpu.memory_space<vmem>>)
    %dma_wait3A_601 = arith.constant 21 : i32
    %dma_wait3A_602 = arith.constant 128 : i32
    %dma_wait3A_603 = arith.constant 0 : i32
    %dma_wait3A_604 = tpu.memref_slice %arg7[%dma_wait3A_602, %dma_wait3A_603] : memref<640x64xf32, #tpu.memory_space<vmem>> -> memref<128x64xf32, #tpu.memory_space<vmem>>
    %dma_wait3A_605 = arith.constant 0 : i32
    %dma_wait3A_606 = tpu.memref_slice %arg5[%dma_wait3A_601, %dma_wait3A_605] : memref<50x128xi32, #tpu.memory_space<vmem>> -> memref<1x128xi32, #tpu.memory_space<vmem>>
    %dma_wait3A_607 = tpu.memref_squeeze %dma_wait3A_606 : memref<1x128xi32, #tpu.memory_space<vmem>> -> memref<128xi32, #tpu.memory_space<vmem>>
    %dma_wait3A_608 = arith.constant 0 : i32
    %dma_wait3A_609 = arith.constant 0 : i32
    %dma_wait3A_610 = tpu.memref_slice %arg3[%dma_wait3A_608, %dma_wait3A_609] : memref<100000x64xf32, #tpu.memory_space<hbm>> -> memref<100000x64xf32, #tpu.memory_space<hbm>>
    tpu.wait_indirect_dma semaphore(%arg10 : memref<!tpu.dma_semaphore, #tpu.memory_space<semaphore_mem>>) src(%dma_wait3A_610 : memref<100000x64xf32, #tpu.memory_space<hbm>>) dst(%dma_wait3A_604 : memref<128x64xf32, #tpu.memory_space<vmem>>)
    %dma_wait3A_611 = arith.constant 22 : i32
    %dma_wait3A_612 = arith.constant 256 : i32
    %dma_wait3A_613 = arith.constant 0 : i32
    %dma_wait3A_614 = tpu.memref_slice %arg7[%dma_wait3A_612, %dma_wait3A_613] : memref<640x64xf32, #tpu.memory_space<vmem>> -> memref<128x64xf32, #tpu.memory_space<vmem>>
    %dma_wait3A_615 = arith.constant 0 : i32
    %dma_wait3A_616 = tpu.memref_slice %arg5[%dma_wait3A_611, %dma_wait3A_615] : memref<50x128xi32, #tpu.memory_space<vmem>> -> memref<1x128xi32, #tpu.memory_space<vmem>>
    %dma_wait3A_617 = tpu.memref_squeeze %dma_wait3A_616 : memref<1x128xi32, #tpu.memory_space<vmem>> -> memref<128xi32, #tpu.memory_space<vmem>>
    %dma_wait3A_618 = arith.constant 0 : i32
    %dma_wait3A_619 = arith.constant 0 : i32
    %dma_wait3A_620 = tpu.memref_slice %arg3[%dma_wait3A_618, %dma_wait3A_619] : memref<100000x64xf32, #tpu.memory_space<hbm>> -> memref<100000x64xf32, #tpu.memory_space<hbm>>
    tpu.wait_indirect_dma semaphore(%arg10 : memref<!tpu.dma_semaphore, #tpu.memory_space<semaphore_mem>>) src(%dma_wait3A_620 : memref<100000x64xf32, #tpu.memory_space<hbm>>) dst(%dma_wait3A_614 : memref<128x64xf32, #tpu.memory_space<vmem>>)
    %dma_wait3A_621 = arith.constant 23 : i32
    %dma_wait3A_622 = arith.constant 384 : i32
    %dma_wait3A_623 = arith.constant 0 : i32
    %dma_wait3A_624 = tpu.memref_slice %arg7[%dma_wait3A_622, %dma_wait3A_623] : memref<640x64xf32, #tpu.memory_space<vmem>> -> memref<128x64xf32, #tpu.memory_space<vmem>>
    %dma_wait3A_625 = arith.constant 0 : i32
    %dma_wait3A_626 = tpu.memref_slice %arg5[%dma_wait3A_621, %dma_wait3A_625] : memref<50x128xi32, #tpu.memory_space<vmem>> -> memref<1x128xi32, #tpu.memory_space<vmem>>
    %dma_wait3A_627 = tpu.memref_squeeze %dma_wait3A_626 : memref<1x128xi32, #tpu.memory_space<vmem>> -> memref<128xi32, #tpu.memory_space<vmem>>
    %dma_wait3A_628 = arith.constant 0 : i32
    %dma_wait3A_629 = arith.constant 0 : i32
    %dma_wait3A_630 = tpu.memref_slice %arg3[%dma_wait3A_628, %dma_wait3A_629] : memref<100000x64xf32, #tpu.memory_space<hbm>> -> memref<100000x64xf32, #tpu.memory_space<hbm>>
    tpu.wait_indirect_dma semaphore(%arg10 : memref<!tpu.dma_semaphore, #tpu.memory_space<semaphore_mem>>) src(%dma_wait3A_630 : memref<100000x64xf32, #tpu.memory_space<hbm>>) dst(%dma_wait3A_624 : memref<128x64xf32, #tpu.memory_space<vmem>>)
    %dma_wait3A_631 = arith.constant 24 : i32
    %dma_wait3A_632 = arith.constant 512 : i32
    %dma_wait3A_633 = arith.constant 0 : i32
    %dma_wait3A_634 = tpu.memref_slice %arg7[%dma_wait3A_632, %dma_wait3A_633] : memref<640x64xf32, #tpu.memory_space<vmem>> -> memref<128x64xf32, #tpu.memory_space<vmem>>
    %dma_wait3A_635 = arith.constant 0 : i32
    %dma_wait3A_636 = tpu.memref_slice %arg5[%dma_wait3A_631, %dma_wait3A_635] : memref<50x128xi32, #tpu.memory_space<vmem>> -> memref<1x128xi32, #tpu.memory_space<vmem>>
    %dma_wait3A_637 = tpu.memref_squeeze %dma_wait3A_636 : memref<1x128xi32, #tpu.memory_space<vmem>> -> memref<128xi32, #tpu.memory_space<vmem>>
    %dma_wait3A_638 = arith.constant 0 : i32
    %dma_wait3A_639 = arith.constant 0 : i32
    %dma_wait3A_640 = tpu.memref_slice %arg3[%dma_wait3A_638, %dma_wait3A_639] : memref<100000x64xf32, #tpu.memory_space<hbm>> -> memref<100000x64xf32, #tpu.memory_space<hbm>>
    tpu.wait_indirect_dma semaphore(%arg10 : memref<!tpu.dma_semaphore, #tpu.memory_space<semaphore_mem>>) src(%dma_wait3A_640 : memref<100000x64xf32, #tpu.memory_space<hbm>>) dst(%dma_wait3A_634 : memref<128x64xf32, #tpu.memory_space<vmem>>)
    %add3A_641 = arith.constant 2560 : i32
    %add3A_642 = arith.addi %mul3A_2, %add3A_641 : i32
    %dma_start3A_643 = arith.constant 0 : i32
    %dma_start3A_644 = tpu.memref_slice %arg4[%add3A_642, %dma_start3A_643] : memref<204800x64xf32, #tpu.memory_space<hbm>> -> memref<640x64xf32, #tpu.memory_space<hbm>>
    %dma_start3A_645 = arith.constant 0 : i32
    %dma_start3A_646 = tpu.memref_slice %arg4[%add3A_642, %dma_start3A_645] : memref<204800x64xf32, #tpu.memory_space<hbm>> -> memref<640x64xf32, #tpu.memory_space<hbm>>
    tpu.enqueue_dma source(%arg7 : memref<640x64xf32, #tpu.memory_space<vmem>>) target(%dma_start3A_646 : memref<640x64xf32, #tpu.memory_space<hbm>>) target_semaphore(%arg13 : memref<!tpu.dma_semaphore, #tpu.memory_space<semaphore_mem>>)
    %dma_wait3A_647 = arith.constant 0 : i32
    %dma_wait3A_648 = tpu.memref_slice %arg4[%add3A_642, %dma_wait3A_647] : memref<204800x64xf32, #tpu.memory_space<hbm>> -> memref<640x64xf32, #tpu.memory_space<hbm>>
    %dma_wait3A_649 = arith.constant 0 : i32
    %dma_wait3A_650 = tpu.memref_slice %arg4[%add3A_642, %dma_wait3A_649] : memref<204800x64xf32, #tpu.memory_space<hbm>> -> memref<640x64xf32, #tpu.memory_space<hbm>>
    tpu.wait_dma2 semaphore(%arg13 : memref<!tpu.dma_semaphore, #tpu.memory_space<semaphore_mem>>) src(%arg7 : memref<640x64xf32, #tpu.memory_space<vmem>>) dst(%dma_wait3A_650 : memref<640x64xf32, #tpu.memory_space<hbm>>)
    %dma_start3A_651 = arith.constant 35 : i32
    %dma_start3A_652 = arith.constant 0 : i32
    %dma_start3A_653 = arith.constant 0 : i32
    %dma_start3A_654 = tpu.memref_slice %arg7[%dma_start3A_652, %dma_start3A_653] : memref<640x64xf32, #tpu.memory_space<vmem>> -> memref<128x64xf32, #tpu.memory_space<vmem>>
    %dma_start3A_655 = arith.constant 0 : i32
    %dma_start3A_656 = tpu.memref_slice %arg5[%dma_start3A_651, %dma_start3A_655] : memref<50x128xi32, #tpu.memory_space<vmem>> -> memref<1x128xi32, #tpu.memory_space<vmem>>
    %dma_start3A_657 = tpu.memref_squeeze %dma_start3A_656 : memref<1x128xi32, #tpu.memory_space<vmem>> -> memref<128xi32, #tpu.memory_space<vmem>>
    %dma_start3A_658 = arith.constant 0 : i32
    %dma_start3A_659 = arith.constant 0 : i32
    %dma_start3A_660 = tpu.memref_slice %arg3[%dma_start3A_658, %dma_start3A_659] : memref<100000x64xf32, #tpu.memory_space<hbm>> -> memref<100000x64xf32, #tpu.memory_space<hbm>>
    tpu.enqueue_indirect_dma source(%dma_start3A_660 : memref<100000x64xf32, #tpu.memory_space<hbm>>) target(%dma_start3A_654 : memref<128x64xf32, #tpu.memory_space<vmem>>) offsets(%dma_start3A_657 : memref<128xi32, #tpu.memory_space<vmem>>) semaphore(%arg10 : memref<!tpu.dma_semaphore, #tpu.memory_space<semaphore_mem>>)
    %dma_start3A_661 = arith.constant 36 : i32
    %dma_start3A_662 = arith.constant 128 : i32
    %dma_start3A_663 = arith.constant 0 : i32
    %dma_start3A_664 = tpu.memref_slice %arg7[%dma_start3A_662, %dma_start3A_663] : memref<640x64xf32, #tpu.memory_space<vmem>> -> memref<128x64xf32, #tpu.memory_space<vmem>>
    %dma_start3A_665 = arith.constant 0 : i32
    %dma_start3A_666 = tpu.memref_slice %arg5[%dma_start3A_661, %dma_start3A_665] : memref<50x128xi32, #tpu.memory_space<vmem>> -> memref<1x128xi32, #tpu.memory_space<vmem>>
    %dma_start3A_667 = tpu.memref_squeeze %dma_start3A_666 : memref<1x128xi32, #tpu.memory_space<vmem>> -> memref<128xi32, #tpu.memory_space<vmem>>
    %dma_start3A_668 = arith.constant 0 : i32
    %dma_start3A_669 = arith.constant 0 : i32
    %dma_start3A_670 = tpu.memref_slice %arg3[%dma_start3A_668, %dma_start3A_669] : memref<100000x64xf32, #tpu.memory_space<hbm>> -> memref<100000x64xf32, #tpu.memory_space<hbm>>
    tpu.enqueue_indirect_dma source(%dma_start3A_670 : memref<100000x64xf32, #tpu.memory_space<hbm>>) target(%dma_start3A_664 : memref<128x64xf32, #tpu.memory_space<vmem>>) offsets(%dma_start3A_667 : memref<128xi32, #tpu.memory_space<vmem>>) semaphore(%arg10 : memref<!tpu.dma_semaphore, #tpu.memory_space<semaphore_mem>>)
    %dma_start3A_671 = arith.constant 37 : i32
    %dma_start3A_672 = arith.constant 256 : i32
    %dma_start3A_673 = arith.constant 0 : i32
    %dma_start3A_674 = tpu.memref_slice %arg7[%dma_start3A_672, %dma_start3A_673] : memref<640x64xf32, #tpu.memory_space<vmem>> -> memref<128x64xf32, #tpu.memory_space<vmem>>
    %dma_start3A_675 = arith.constant 0 : i32
    %dma_start3A_676 = tpu.memref_slice %arg5[%dma_start3A_671, %dma_start3A_675] : memref<50x128xi32, #tpu.memory_space<vmem>> -> memref<1x128xi32, #tpu.memory_space<vmem>>
    %dma_start3A_677 = tpu.memref_squeeze %dma_start3A_676 : memref<1x128xi32, #tpu.memory_space<vmem>> -> memref<128xi32, #tpu.memory_space<vmem>>
    %dma_start3A_678 = arith.constant 0 : i32
    %dma_start3A_679 = arith.constant 0 : i32
    %dma_start3A_680 = tpu.memref_slice %arg3[%dma_start3A_678, %dma_start3A_679] : memref<100000x64xf32, #tpu.memory_space<hbm>> -> memref<100000x64xf32, #tpu.memory_space<hbm>>
    tpu.enqueue_indirect_dma source(%dma_start3A_680 : memref<100000x64xf32, #tpu.memory_space<hbm>>) target(%dma_start3A_674 : memref<128x64xf32, #tpu.memory_space<vmem>>) offsets(%dma_start3A_677 : memref<128xi32, #tpu.memory_space<vmem>>) semaphore(%arg10 : memref<!tpu.dma_semaphore, #tpu.memory_space<semaphore_mem>>)
    %dma_start3A_681 = arith.constant 38 : i32
    %dma_start3A_682 = arith.constant 384 : i32
    %dma_start3A_683 = arith.constant 0 : i32
    %dma_start3A_684 = tpu.memref_slice %arg7[%dma_start3A_682, %dma_start3A_683] : memref<640x64xf32, #tpu.memory_space<vmem>> -> memref<128x64xf32, #tpu.memory_space<vmem>>
    %dma_start3A_685 = arith.constant 0 : i32
    %dma_start3A_686 = tpu.memref_slice %arg5[%dma_start3A_681, %dma_start3A_685] : memref<50x128xi32, #tpu.memory_space<vmem>> -> memref<1x128xi32, #tpu.memory_space<vmem>>
    %dma_start3A_687 = tpu.memref_squeeze %dma_start3A_686 : memref<1x128xi32, #tpu.memory_space<vmem>> -> memref<128xi32, #tpu.memory_space<vmem>>
    %dma_start3A_688 = arith.constant 0 : i32
    %dma_start3A_689 = arith.constant 0 : i32
    %dma_start3A_690 = tpu.memref_slice %arg3[%dma_start3A_688, %dma_start3A_689] : memref<100000x64xf32, #tpu.memory_space<hbm>> -> memref<100000x64xf32, #tpu.memory_space<hbm>>
    tpu.enqueue_indirect_dma source(%dma_start3A_690 : memref<100000x64xf32, #tpu.memory_space<hbm>>) target(%dma_start3A_684 : memref<128x64xf32, #tpu.memory_space<vmem>>) offsets(%dma_start3A_687 : memref<128xi32, #tpu.memory_space<vmem>>) semaphore(%arg10 : memref<!tpu.dma_semaphore, #tpu.memory_space<semaphore_mem>>)
    %dma_start3A_691 = arith.constant 39 : i32
    %dma_start3A_692 = arith.constant 512 : i32
    %dma_start3A_693 = arith.constant 0 : i32
    %dma_start3A_694 = tpu.memref_slice %arg7[%dma_start3A_692, %dma_start3A_693] : memref<640x64xf32, #tpu.memory_space<vmem>> -> memref<128x64xf32, #tpu.memory_space<vmem>>
    %dma_start3A_695 = arith.constant 0 : i32
    %dma_start3A_696 = tpu.memref_slice %arg5[%dma_start3A_691, %dma_start3A_695] : memref<50x128xi32, #tpu.memory_space<vmem>> -> memref<1x128xi32, #tpu.memory_space<vmem>>
    %dma_start3A_697 = tpu.memref_squeeze %dma_start3A_696 : memref<1x128xi32, #tpu.memory_space<vmem>> -> memref<128xi32, #tpu.memory_space<vmem>>
    %dma_start3A_698 = arith.constant 0 : i32
    %dma_start3A_699 = arith.constant 0 : i32
    %dma_start3A_700 = tpu.memref_slice %arg3[%dma_start3A_698, %dma_start3A_699] : memref<100000x64xf32, #tpu.memory_space<hbm>> -> memref<100000x64xf32, #tpu.memory_space<hbm>>
    tpu.enqueue_indirect_dma source(%dma_start3A_700 : memref<100000x64xf32, #tpu.memory_space<hbm>>) target(%dma_start3A_694 : memref<128x64xf32, #tpu.memory_space<vmem>>) offsets(%dma_start3A_697 : memref<128xi32, #tpu.memory_space<vmem>>) semaphore(%arg10 : memref<!tpu.dma_semaphore, #tpu.memory_space<semaphore_mem>>)
    %dma_wait3A_701 = arith.constant 25 : i32
    %dma_wait3A_702 = arith.constant 0 : i32
    %dma_wait3A_703 = arith.constant 0 : i32
    %dma_wait3A_704 = tpu.memref_slice %arg8[%dma_wait3A_702, %dma_wait3A_703] : memref<640x64xf32, #tpu.memory_space<vmem>> -> memref<128x64xf32, #tpu.memory_space<vmem>>
    %dma_wait3A_705 = arith.constant 0 : i32
    %dma_wait3A_706 = tpu.memref_slice %arg5[%dma_wait3A_701, %dma_wait3A_705] : memref<50x128xi32, #tpu.memory_space<vmem>> -> memref<1x128xi32, #tpu.memory_space<vmem>>
    %dma_wait3A_707 = tpu.memref_squeeze %dma_wait3A_706 : memref<1x128xi32, #tpu.memory_space<vmem>> -> memref<128xi32, #tpu.memory_space<vmem>>
    %dma_wait3A_708 = arith.constant 0 : i32
    %dma_wait3A_709 = arith.constant 0 : i32
    %dma_wait3A_710 = tpu.memref_slice %arg3[%dma_wait3A_708, %dma_wait3A_709] : memref<100000x64xf32, #tpu.memory_space<hbm>> -> memref<100000x64xf32, #tpu.memory_space<hbm>>
    tpu.wait_indirect_dma semaphore(%arg11 : memref<!tpu.dma_semaphore, #tpu.memory_space<semaphore_mem>>) src(%dma_wait3A_710 : memref<100000x64xf32, #tpu.memory_space<hbm>>) dst(%dma_wait3A_704 : memref<128x64xf32, #tpu.memory_space<vmem>>)
    %dma_wait3A_711 = arith.constant 26 : i32
    %dma_wait3A_712 = arith.constant 128 : i32
    %dma_wait3A_713 = arith.constant 0 : i32
    %dma_wait3A_714 = tpu.memref_slice %arg8[%dma_wait3A_712, %dma_wait3A_713] : memref<640x64xf32, #tpu.memory_space<vmem>> -> memref<128x64xf32, #tpu.memory_space<vmem>>
    %dma_wait3A_715 = arith.constant 0 : i32
    %dma_wait3A_716 = tpu.memref_slice %arg5[%dma_wait3A_711, %dma_wait3A_715] : memref<50x128xi32, #tpu.memory_space<vmem>> -> memref<1x128xi32, #tpu.memory_space<vmem>>
    %dma_wait3A_717 = tpu.memref_squeeze %dma_wait3A_716 : memref<1x128xi32, #tpu.memory_space<vmem>> -> memref<128xi32, #tpu.memory_space<vmem>>
    %dma_wait3A_718 = arith.constant 0 : i32
    %dma_wait3A_719 = arith.constant 0 : i32
    %dma_wait3A_720 = tpu.memref_slice %arg3[%dma_wait3A_718, %dma_wait3A_719] : memref<100000x64xf32, #tpu.memory_space<hbm>> -> memref<100000x64xf32, #tpu.memory_space<hbm>>
    tpu.wait_indirect_dma semaphore(%arg11 : memref<!tpu.dma_semaphore, #tpu.memory_space<semaphore_mem>>) src(%dma_wait3A_720 : memref<100000x64xf32, #tpu.memory_space<hbm>>) dst(%dma_wait3A_714 : memref<128x64xf32, #tpu.memory_space<vmem>>)
    %dma_wait3A_721 = arith.constant 27 : i32
    %dma_wait3A_722 = arith.constant 256 : i32
    %dma_wait3A_723 = arith.constant 0 : i32
    %dma_wait3A_724 = tpu.memref_slice %arg8[%dma_wait3A_722, %dma_wait3A_723] : memref<640x64xf32, #tpu.memory_space<vmem>> -> memref<128x64xf32, #tpu.memory_space<vmem>>
    %dma_wait3A_725 = arith.constant 0 : i32
    %dma_wait3A_726 = tpu.memref_slice %arg5[%dma_wait3A_721, %dma_wait3A_725] : memref<50x128xi32, #tpu.memory_space<vmem>> -> memref<1x128xi32, #tpu.memory_space<vmem>>
    %dma_wait3A_727 = tpu.memref_squeeze %dma_wait3A_726 : memref<1x128xi32, #tpu.memory_space<vmem>> -> memref<128xi32, #tpu.memory_space<vmem>>
    %dma_wait3A_728 = arith.constant 0 : i32
    %dma_wait3A_729 = arith.constant 0 : i32
    %dma_wait3A_730 = tpu.memref_slice %arg3[%dma_wait3A_728, %dma_wait3A_729] : memref<100000x64xf32, #tpu.memory_space<hbm>> -> memref<100000x64xf32, #tpu.memory_space<hbm>>
    tpu.wait_indirect_dma semaphore(%arg11 : memref<!tpu.dma_semaphore, #tpu.memory_space<semaphore_mem>>) src(%dma_wait3A_730 : memref<100000x64xf32, #tpu.memory_space<hbm>>) dst(%dma_wait3A_724 : memref<128x64xf32, #tpu.memory_space<vmem>>)
    %dma_wait3A_731 = arith.constant 28 : i32
    %dma_wait3A_732 = arith.constant 384 : i32
    %dma_wait3A_733 = arith.constant 0 : i32
    %dma_wait3A_734 = tpu.memref_slice %arg8[%dma_wait3A_732, %dma_wait3A_733] : memref<640x64xf32, #tpu.memory_space<vmem>> -> memref<128x64xf32, #tpu.memory_space<vmem>>
    %dma_wait3A_735 = arith.constant 0 : i32
    %dma_wait3A_736 = tpu.memref_slice %arg5[%dma_wait3A_731, %dma_wait3A_735] : memref<50x128xi32, #tpu.memory_space<vmem>> -> memref<1x128xi32, #tpu.memory_space<vmem>>
    %dma_wait3A_737 = tpu.memref_squeeze %dma_wait3A_736 : memref<1x128xi32, #tpu.memory_space<vmem>> -> memref<128xi32, #tpu.memory_space<vmem>>
    %dma_wait3A_738 = arith.constant 0 : i32
    %dma_wait3A_739 = arith.constant 0 : i32
    %dma_wait3A_740 = tpu.memref_slice %arg3[%dma_wait3A_738, %dma_wait3A_739] : memref<100000x64xf32, #tpu.memory_space<hbm>> -> memref<100000x64xf32, #tpu.memory_space<hbm>>
    tpu.wait_indirect_dma semaphore(%arg11 : memref<!tpu.dma_semaphore, #tpu.memory_space<semaphore_mem>>) src(%dma_wait3A_740 : memref<100000x64xf32, #tpu.memory_space<hbm>>) dst(%dma_wait3A_734 : memref<128x64xf32, #tpu.memory_space<vmem>>)
    %dma_wait3A_741 = arith.constant 29 : i32
    %dma_wait3A_742 = arith.constant 512 : i32
    %dma_wait3A_743 = arith.constant 0 : i32
    %dma_wait3A_744 = tpu.memref_slice %arg8[%dma_wait3A_742, %dma_wait3A_743] : memref<640x64xf32, #tpu.memory_space<vmem>> -> memref<128x64xf32, #tpu.memory_space<vmem>>
    %dma_wait3A_745 = arith.constant 0 : i32
    %dma_wait3A_746 = tpu.memref_slice %arg5[%dma_wait3A_741, %dma_wait3A_745] : memref<50x128xi32, #tpu.memory_space<vmem>> -> memref<1x128xi32, #tpu.memory_space<vmem>>
    %dma_wait3A_747 = tpu.memref_squeeze %dma_wait3A_746 : memref<1x128xi32, #tpu.memory_space<vmem>> -> memref<128xi32, #tpu.memory_space<vmem>>
    %dma_wait3A_748 = arith.constant 0 : i32
    %dma_wait3A_749 = arith.constant 0 : i32
    %dma_wait3A_750 = tpu.memref_slice %arg3[%dma_wait3A_748, %dma_wait3A_749] : memref<100000x64xf32, #tpu.memory_space<hbm>> -> memref<100000x64xf32, #tpu.memory_space<hbm>>
    tpu.wait_indirect_dma semaphore(%arg11 : memref<!tpu.dma_semaphore, #tpu.memory_space<semaphore_mem>>) src(%dma_wait3A_750 : memref<100000x64xf32, #tpu.memory_space<hbm>>) dst(%dma_wait3A_744 : memref<128x64xf32, #tpu.memory_space<vmem>>)
    %add3A_751 = arith.constant 3200 : i32
    %add3A_752 = arith.addi %mul3A_2, %add3A_751 : i32
    %dma_start3A_753 = arith.constant 0 : i32
    %dma_start3A_754 = tpu.memref_slice %arg4[%add3A_752, %dma_start3A_753] : memref<204800x64xf32, #tpu.memory_space<hbm>> -> memref<640x64xf32, #tpu.memory_space<hbm>>
    %dma_start3A_755 = arith.constant 0 : i32
    %dma_start3A_756 = tpu.memref_slice %arg4[%add3A_752, %dma_start3A_755] : memref<204800x64xf32, #tpu.memory_space<hbm>> -> memref<640x64xf32, #tpu.memory_space<hbm>>
    tpu.enqueue_dma source(%arg8 : memref<640x64xf32, #tpu.memory_space<vmem>>) target(%dma_start3A_756 : memref<640x64xf32, #tpu.memory_space<hbm>>) target_semaphore(%arg14 : memref<!tpu.dma_semaphore, #tpu.memory_space<semaphore_mem>>)
    %dma_wait3A_757 = arith.constant 0 : i32
    %dma_wait3A_758 = tpu.memref_slice %arg4[%add3A_752, %dma_wait3A_757] : memref<204800x64xf32, #tpu.memory_space<hbm>> -> memref<640x64xf32, #tpu.memory_space<hbm>>
    %dma_wait3A_759 = arith.constant 0 : i32
    %dma_wait3A_760 = tpu.memref_slice %arg4[%add3A_752, %dma_wait3A_759] : memref<204800x64xf32, #tpu.memory_space<hbm>> -> memref<640x64xf32, #tpu.memory_space<hbm>>
    tpu.wait_dma2 semaphore(%arg14 : memref<!tpu.dma_semaphore, #tpu.memory_space<semaphore_mem>>) src(%arg8 : memref<640x64xf32, #tpu.memory_space<vmem>>) dst(%dma_wait3A_760 : memref<640x64xf32, #tpu.memory_space<hbm>>)
    %dma_start3A_761 = arith.constant 40 : i32
    %dma_start3A_762 = arith.constant 0 : i32
    %dma_start3A_763 = arith.constant 0 : i32
    %dma_start3A_764 = tpu.memref_slice %arg8[%dma_start3A_762, %dma_start3A_763] : memref<640x64xf32, #tpu.memory_space<vmem>> -> memref<128x64xf32, #tpu.memory_space<vmem>>
    %dma_start3A_765 = arith.constant 0 : i32
    %dma_start3A_766 = tpu.memref_slice %arg5[%dma_start3A_761, %dma_start3A_765] : memref<50x128xi32, #tpu.memory_space<vmem>> -> memref<1x128xi32, #tpu.memory_space<vmem>>
    %dma_start3A_767 = tpu.memref_squeeze %dma_start3A_766 : memref<1x128xi32, #tpu.memory_space<vmem>> -> memref<128xi32, #tpu.memory_space<vmem>>
    %dma_start3A_768 = arith.constant 0 : i32
    %dma_start3A_769 = arith.constant 0 : i32
    %dma_start3A_770 = tpu.memref_slice %arg3[%dma_start3A_768, %dma_start3A_769] : memref<100000x64xf32, #tpu.memory_space<hbm>> -> memref<100000x64xf32, #tpu.memory_space<hbm>>
    tpu.enqueue_indirect_dma source(%dma_start3A_770 : memref<100000x64xf32, #tpu.memory_space<hbm>>) target(%dma_start3A_764 : memref<128x64xf32, #tpu.memory_space<vmem>>) offsets(%dma_start3A_767 : memref<128xi32, #tpu.memory_space<vmem>>) semaphore(%arg11 : memref<!tpu.dma_semaphore, #tpu.memory_space<semaphore_mem>>)
    %dma_start3A_771 = arith.constant 41 : i32
    %dma_start3A_772 = arith.constant 128 : i32
    %dma_start3A_773 = arith.constant 0 : i32
    %dma_start3A_774 = tpu.memref_slice %arg8[%dma_start3A_772, %dma_start3A_773] : memref<640x64xf32, #tpu.memory_space<vmem>> -> memref<128x64xf32, #tpu.memory_space<vmem>>
    %dma_start3A_775 = arith.constant 0 : i32
    %dma_start3A_776 = tpu.memref_slice %arg5[%dma_start3A_771, %dma_start3A_775] : memref<50x128xi32, #tpu.memory_space<vmem>> -> memref<1x128xi32, #tpu.memory_space<vmem>>
    %dma_start3A_777 = tpu.memref_squeeze %dma_start3A_776 : memref<1x128xi32, #tpu.memory_space<vmem>> -> memref<128xi32, #tpu.memory_space<vmem>>
    %dma_start3A_778 = arith.constant 0 : i32
    %dma_start3A_779 = arith.constant 0 : i32
    %dma_start3A_780 = tpu.memref_slice %arg3[%dma_start3A_778, %dma_start3A_779] : memref<100000x64xf32, #tpu.memory_space<hbm>> -> memref<100000x64xf32, #tpu.memory_space<hbm>>
    tpu.enqueue_indirect_dma source(%dma_start3A_780 : memref<100000x64xf32, #tpu.memory_space<hbm>>) target(%dma_start3A_774 : memref<128x64xf32, #tpu.memory_space<vmem>>) offsets(%dma_start3A_777 : memref<128xi32, #tpu.memory_space<vmem>>) semaphore(%arg11 : memref<!tpu.dma_semaphore, #tpu.memory_space<semaphore_mem>>)
    %dma_start3A_781 = arith.constant 42 : i32
    %dma_start3A_782 = arith.constant 256 : i32
    %dma_start3A_783 = arith.constant 0 : i32
    %dma_start3A_784 = tpu.memref_slice %arg8[%dma_start3A_782, %dma_start3A_783] : memref<640x64xf32, #tpu.memory_space<vmem>> -> memref<128x64xf32, #tpu.memory_space<vmem>>
    %dma_start3A_785 = arith.constant 0 : i32
    %dma_start3A_786 = tpu.memref_slice %arg5[%dma_start3A_781, %dma_start3A_785] : memref<50x128xi32, #tpu.memory_space<vmem>> -> memref<1x128xi32, #tpu.memory_space<vmem>>
    %dma_start3A_787 = tpu.memref_squeeze %dma_start3A_786 : memref<1x128xi32, #tpu.memory_space<vmem>> -> memref<128xi32, #tpu.memory_space<vmem>>
    %dma_start3A_788 = arith.constant 0 : i32
    %dma_start3A_789 = arith.constant 0 : i32
    %dma_start3A_790 = tpu.memref_slice %arg3[%dma_start3A_788, %dma_start3A_789] : memref<100000x64xf32, #tpu.memory_space<hbm>> -> memref<100000x64xf32, #tpu.memory_space<hbm>>
    tpu.enqueue_indirect_dma source(%dma_start3A_790 : memref<100000x64xf32, #tpu.memory_space<hbm>>) target(%dma_start3A_784 : memref<128x64xf32, #tpu.memory_space<vmem>>) offsets(%dma_start3A_787 : memref<128xi32, #tpu.memory_space<vmem>>) semaphore(%arg11 : memref<!tpu.dma_semaphore, #tpu.memory_space<semaphore_mem>>)
    %dma_start3A_791 = arith.constant 43 : i32
    %dma_start3A_792 = arith.constant 384 : i32
    %dma_start3A_793 = arith.constant 0 : i32
    %dma_start3A_794 = tpu.memref_slice %arg8[%dma_start3A_792, %dma_start3A_793] : memref<640x64xf32, #tpu.memory_space<vmem>> -> memref<128x64xf32, #tpu.memory_space<vmem>>
    %dma_start3A_795 = arith.constant 0 : i32
    %dma_start3A_796 = tpu.memref_slice %arg5[%dma_start3A_791, %dma_start3A_795] : memref<50x128xi32, #tpu.memory_space<vmem>> -> memref<1x128xi32, #tpu.memory_space<vmem>>
    %dma_start3A_797 = tpu.memref_squeeze %dma_start3A_796 : memref<1x128xi32, #tpu.memory_space<vmem>> -> memref<128xi32, #tpu.memory_space<vmem>>
    %dma_start3A_798 = arith.constant 0 : i32
    %dma_start3A_799 = arith.constant 0 : i32
    %dma_start3A_800 = tpu.memref_slice %arg3[%dma_start3A_798, %dma_start3A_799] : memref<100000x64xf32, #tpu.memory_space<hbm>> -> memref<100000x64xf32, #tpu.memory_space<hbm>>
    tpu.enqueue_indirect_dma source(%dma_start3A_800 : memref<100000x64xf32, #tpu.memory_space<hbm>>) target(%dma_start3A_794 : memref<128x64xf32, #tpu.memory_space<vmem>>) offsets(%dma_start3A_797 : memref<128xi32, #tpu.memory_space<vmem>>) semaphore(%arg11 : memref<!tpu.dma_semaphore, #tpu.memory_space<semaphore_mem>>)
    %dma_start3A_801 = arith.constant 44 : i32
    %dma_start3A_802 = arith.constant 512 : i32
    %dma_start3A_803 = arith.constant 0 : i32
    %dma_start3A_804 = tpu.memref_slice %arg8[%dma_start3A_802, %dma_start3A_803] : memref<640x64xf32, #tpu.memory_space<vmem>> -> memref<128x64xf32, #tpu.memory_space<vmem>>
    %dma_start3A_805 = arith.constant 0 : i32
    %dma_start3A_806 = tpu.memref_slice %arg5[%dma_start3A_801, %dma_start3A_805] : memref<50x128xi32, #tpu.memory_space<vmem>> -> memref<1x128xi32, #tpu.memory_space<vmem>>
    %dma_start3A_807 = tpu.memref_squeeze %dma_start3A_806 : memref<1x128xi32, #tpu.memory_space<vmem>> -> memref<128xi32, #tpu.memory_space<vmem>>
    %dma_start3A_808 = arith.constant 0 : i32
    %dma_start3A_809 = arith.constant 0 : i32
    %dma_start3A_810 = tpu.memref_slice %arg3[%dma_start3A_808, %dma_start3A_809] : memref<100000x64xf32, #tpu.memory_space<hbm>> -> memref<100000x64xf32, #tpu.memory_space<hbm>>
    tpu.enqueue_indirect_dma source(%dma_start3A_810 : memref<100000x64xf32, #tpu.memory_space<hbm>>) target(%dma_start3A_804 : memref<128x64xf32, #tpu.memory_space<vmem>>) offsets(%dma_start3A_807 : memref<128xi32, #tpu.memory_space<vmem>>) semaphore(%arg11 : memref<!tpu.dma_semaphore, #tpu.memory_space<semaphore_mem>>)
    %dma_wait3A_811 = arith.constant 30 : i32
    %dma_wait3A_812 = arith.constant 0 : i32
    %dma_wait3A_813 = arith.constant 0 : i32
    %dma_wait3A_814 = tpu.memref_slice %arg6[%dma_wait3A_812, %dma_wait3A_813] : memref<640x64xf32, #tpu.memory_space<vmem>> -> memref<128x64xf32, #tpu.memory_space<vmem>>
    %dma_wait3A_815 = arith.constant 0 : i32
    %dma_wait3A_816 = tpu.memref_slice %arg5[%dma_wait3A_811, %dma_wait3A_815] : memref<50x128xi32, #tpu.memory_space<vmem>> -> memref<1x128xi32, #tpu.memory_space<vmem>>
    %dma_wait3A_817 = tpu.memref_squeeze %dma_wait3A_816 : memref<1x128xi32, #tpu.memory_space<vmem>> -> memref<128xi32, #tpu.memory_space<vmem>>
    %dma_wait3A_818 = arith.constant 0 : i32
    %dma_wait3A_819 = arith.constant 0 : i32
    %dma_wait3A_820 = tpu.memref_slice %arg3[%dma_wait3A_818, %dma_wait3A_819] : memref<100000x64xf32, #tpu.memory_space<hbm>> -> memref<100000x64xf32, #tpu.memory_space<hbm>>
    tpu.wait_indirect_dma semaphore(%arg9 : memref<!tpu.dma_semaphore, #tpu.memory_space<semaphore_mem>>) src(%dma_wait3A_820 : memref<100000x64xf32, #tpu.memory_space<hbm>>) dst(%dma_wait3A_814 : memref<128x64xf32, #tpu.memory_space<vmem>>)
    %dma_wait3A_821 = arith.constant 31 : i32
    %dma_wait3A_822 = arith.constant 128 : i32
    %dma_wait3A_823 = arith.constant 0 : i32
    %dma_wait3A_824 = tpu.memref_slice %arg6[%dma_wait3A_822, %dma_wait3A_823] : memref<640x64xf32, #tpu.memory_space<vmem>> -> memref<128x64xf32, #tpu.memory_space<vmem>>
    %dma_wait3A_825 = arith.constant 0 : i32
    %dma_wait3A_826 = tpu.memref_slice %arg5[%dma_wait3A_821, %dma_wait3A_825] : memref<50x128xi32, #tpu.memory_space<vmem>> -> memref<1x128xi32, #tpu.memory_space<vmem>>
    %dma_wait3A_827 = tpu.memref_squeeze %dma_wait3A_826 : memref<1x128xi32, #tpu.memory_space<vmem>> -> memref<128xi32, #tpu.memory_space<vmem>>
    %dma_wait3A_828 = arith.constant 0 : i32
    %dma_wait3A_829 = arith.constant 0 : i32
    %dma_wait3A_830 = tpu.memref_slice %arg3[%dma_wait3A_828, %dma_wait3A_829] : memref<100000x64xf32, #tpu.memory_space<hbm>> -> memref<100000x64xf32, #tpu.memory_space<hbm>>
    tpu.wait_indirect_dma semaphore(%arg9 : memref<!tpu.dma_semaphore, #tpu.memory_space<semaphore_mem>>) src(%dma_wait3A_830 : memref<100000x64xf32, #tpu.memory_space<hbm>>) dst(%dma_wait3A_824 : memref<128x64xf32, #tpu.memory_space<vmem>>)
    %dma_wait3A_831 = arith.constant 32 : i32
    %dma_wait3A_832 = arith.constant 256 : i32
    %dma_wait3A_833 = arith.constant 0 : i32
    %dma_wait3A_834 = tpu.memref_slice %arg6[%dma_wait3A_832, %dma_wait3A_833] : memref<640x64xf32, #tpu.memory_space<vmem>> -> memref<128x64xf32, #tpu.memory_space<vmem>>
    %dma_wait3A_835 = arith.constant 0 : i32
    %dma_wait3A_836 = tpu.memref_slice %arg5[%dma_wait3A_831, %dma_wait3A_835] : memref<50x128xi32, #tpu.memory_space<vmem>> -> memref<1x128xi32, #tpu.memory_space<vmem>>
    %dma_wait3A_837 = tpu.memref_squeeze %dma_wait3A_836 : memref<1x128xi32, #tpu.memory_space<vmem>> -> memref<128xi32, #tpu.memory_space<vmem>>
    %dma_wait3A_838 = arith.constant 0 : i32
    %dma_wait3A_839 = arith.constant 0 : i32
    %dma_wait3A_840 = tpu.memref_slice %arg3[%dma_wait3A_838, %dma_wait3A_839] : memref<100000x64xf32, #tpu.memory_space<hbm>> -> memref<100000x64xf32, #tpu.memory_space<hbm>>
    tpu.wait_indirect_dma semaphore(%arg9 : memref<!tpu.dma_semaphore, #tpu.memory_space<semaphore_mem>>) src(%dma_wait3A_840 : memref<100000x64xf32, #tpu.memory_space<hbm>>) dst(%dma_wait3A_834 : memref<128x64xf32, #tpu.memory_space<vmem>>)
    %dma_wait3A_841 = arith.constant 33 : i32
    %dma_wait3A_842 = arith.constant 384 : i32
    %dma_wait3A_843 = arith.constant 0 : i32
    %dma_wait3A_844 = tpu.memref_slice %arg6[%dma_wait3A_842, %dma_wait3A_843] : memref<640x64xf32, #tpu.memory_space<vmem>> -> memref<128x64xf32, #tpu.memory_space<vmem>>
    %dma_wait3A_845 = arith.constant 0 : i32
    %dma_wait3A_846 = tpu.memref_slice %arg5[%dma_wait3A_841, %dma_wait3A_845] : memref<50x128xi32, #tpu.memory_space<vmem>> -> memref<1x128xi32, #tpu.memory_space<vmem>>
    %dma_wait3A_847 = tpu.memref_squeeze %dma_wait3A_846 : memref<1x128xi32, #tpu.memory_space<vmem>> -> memref<128xi32, #tpu.memory_space<vmem>>
    %dma_wait3A_848 = arith.constant 0 : i32
    %dma_wait3A_849 = arith.constant 0 : i32
    %dma_wait3A_850 = tpu.memref_slice %arg3[%dma_wait3A_848, %dma_wait3A_849] : memref<100000x64xf32, #tpu.memory_space<hbm>> -> memref<100000x64xf32, #tpu.memory_space<hbm>>
    tpu.wait_indirect_dma semaphore(%arg9 : memref<!tpu.dma_semaphore, #tpu.memory_space<semaphore_mem>>) src(%dma_wait3A_850 : memref<100000x64xf32, #tpu.memory_space<hbm>>) dst(%dma_wait3A_844 : memref<128x64xf32, #tpu.memory_space<vmem>>)
    %dma_wait3A_851 = arith.constant 34 : i32
    %dma_wait3A_852 = arith.constant 512 : i32
    %dma_wait3A_853 = arith.constant 0 : i32
    %dma_wait3A_854 = tpu.memref_slice %arg6[%dma_wait3A_852, %dma_wait3A_853] : memref<640x64xf32, #tpu.memory_space<vmem>> -> memref<128x64xf32, #tpu.memory_space<vmem>>
    %dma_wait3A_855 = arith.constant 0 : i32
    %dma_wait3A_856 = tpu.memref_slice %arg5[%dma_wait3A_851, %dma_wait3A_855] : memref<50x128xi32, #tpu.memory_space<vmem>> -> memref<1x128xi32, #tpu.memory_space<vmem>>
    %dma_wait3A_857 = tpu.memref_squeeze %dma_wait3A_856 : memref<1x128xi32, #tpu.memory_space<vmem>> -> memref<128xi32, #tpu.memory_space<vmem>>
    %dma_wait3A_858 = arith.constant 0 : i32
    %dma_wait3A_859 = arith.constant 0 : i32
    %dma_wait3A_860 = tpu.memref_slice %arg3[%dma_wait3A_858, %dma_wait3A_859] : memref<100000x64xf32, #tpu.memory_space<hbm>> -> memref<100000x64xf32, #tpu.memory_space<hbm>>
    tpu.wait_indirect_dma semaphore(%arg9 : memref<!tpu.dma_semaphore, #tpu.memory_space<semaphore_mem>>) src(%dma_wait3A_860 : memref<100000x64xf32, #tpu.memory_space<hbm>>) dst(%dma_wait3A_854 : memref<128x64xf32, #tpu.memory_space<vmem>>)
    %add3A_861 = arith.constant 3840 : i32
    %add3A_862 = arith.addi %mul3A_2, %add3A_861 : i32
    %dma_start3A_863 = arith.constant 0 : i32
    %dma_start3A_864 = tpu.memref_slice %arg4[%add3A_862, %dma_start3A_863] : memref<204800x64xf32, #tpu.memory_space<hbm>> -> memref<640x64xf32, #tpu.memory_space<hbm>>
    %dma_start3A_865 = arith.constant 0 : i32
    %dma_start3A_866 = tpu.memref_slice %arg4[%add3A_862, %dma_start3A_865] : memref<204800x64xf32, #tpu.memory_space<hbm>> -> memref<640x64xf32, #tpu.memory_space<hbm>>
    tpu.enqueue_dma source(%arg6 : memref<640x64xf32, #tpu.memory_space<vmem>>) target(%dma_start3A_866 : memref<640x64xf32, #tpu.memory_space<hbm>>) target_semaphore(%arg12 : memref<!tpu.dma_semaphore, #tpu.memory_space<semaphore_mem>>)
    %dma_wait3A_867 = arith.constant 0 : i32
    %dma_wait3A_868 = tpu.memref_slice %arg4[%add3A_862, %dma_wait3A_867] : memref<204800x64xf32, #tpu.memory_space<hbm>> -> memref<640x64xf32, #tpu.memory_space<hbm>>
    %dma_wait3A_869 = arith.constant 0 : i32
    %dma_wait3A_870 = tpu.memref_slice %arg4[%add3A_862, %dma_wait3A_869] : memref<204800x64xf32, #tpu.memory_space<hbm>> -> memref<640x64xf32, #tpu.memory_space<hbm>>
    tpu.wait_dma2 semaphore(%arg12 : memref<!tpu.dma_semaphore, #tpu.memory_space<semaphore_mem>>) src(%arg6 : memref<640x64xf32, #tpu.memory_space<vmem>>) dst(%dma_wait3A_870 : memref<640x64xf32, #tpu.memory_space<hbm>>)
    %dma_start3A_871 = arith.constant 45 : i32
    %dma_start3A_872 = arith.constant 0 : i32
    %dma_start3A_873 = arith.constant 0 : i32
    %dma_start3A_874 = tpu.memref_slice %arg6[%dma_start3A_872, %dma_start3A_873] : memref<640x64xf32, #tpu.memory_space<vmem>> -> memref<128x64xf32, #tpu.memory_space<vmem>>
    %dma_start3A_875 = arith.constant 0 : i32
    %dma_start3A_876 = tpu.memref_slice %arg5[%dma_start3A_871, %dma_start3A_875] : memref<50x128xi32, #tpu.memory_space<vmem>> -> memref<1x128xi32, #tpu.memory_space<vmem>>
    %dma_start3A_877 = tpu.memref_squeeze %dma_start3A_876 : memref<1x128xi32, #tpu.memory_space<vmem>> -> memref<128xi32, #tpu.memory_space<vmem>>
    %dma_start3A_878 = arith.constant 0 : i32
    %dma_start3A_879 = arith.constant 0 : i32
    %dma_start3A_880 = tpu.memref_slice %arg3[%dma_start3A_878, %dma_start3A_879] : memref<100000x64xf32, #tpu.memory_space<hbm>> -> memref<100000x64xf32, #tpu.memory_space<hbm>>
    tpu.enqueue_indirect_dma source(%dma_start3A_880 : memref<100000x64xf32, #tpu.memory_space<hbm>>) target(%dma_start3A_874 : memref<128x64xf32, #tpu.memory_space<vmem>>) offsets(%dma_start3A_877 : memref<128xi32, #tpu.memory_space<vmem>>) semaphore(%arg9 : memref<!tpu.dma_semaphore, #tpu.memory_space<semaphore_mem>>)
    %dma_start3A_881 = arith.constant 46 : i32
    %dma_start3A_882 = arith.constant 128 : i32
    %dma_start3A_883 = arith.constant 0 : i32
    %dma_start3A_884 = tpu.memref_slice %arg6[%dma_start3A_882, %dma_start3A_883] : memref<640x64xf32, #tpu.memory_space<vmem>> -> memref<128x64xf32, #tpu.memory_space<vmem>>
    %dma_start3A_885 = arith.constant 0 : i32
    %dma_start3A_886 = tpu.memref_slice %arg5[%dma_start3A_881, %dma_start3A_885] : memref<50x128xi32, #tpu.memory_space<vmem>> -> memref<1x128xi32, #tpu.memory_space<vmem>>
    %dma_start3A_887 = tpu.memref_squeeze %dma_start3A_886 : memref<1x128xi32, #tpu.memory_space<vmem>> -> memref<128xi32, #tpu.memory_space<vmem>>
    %dma_start3A_888 = arith.constant 0 : i32
    %dma_start3A_889 = arith.constant 0 : i32
    %dma_start3A_890 = tpu.memref_slice %arg3[%dma_start3A_888, %dma_start3A_889] : memref<100000x64xf32, #tpu.memory_space<hbm>> -> memref<100000x64xf32, #tpu.memory_space<hbm>>
    tpu.enqueue_indirect_dma source(%dma_start3A_890 : memref<100000x64xf32, #tpu.memory_space<hbm>>) target(%dma_start3A_884 : memref<128x64xf32, #tpu.memory_space<vmem>>) offsets(%dma_start3A_887 : memref<128xi32, #tpu.memory_space<vmem>>) semaphore(%arg9 : memref<!tpu.dma_semaphore, #tpu.memory_space<semaphore_mem>>)
    %dma_start3A_891 = arith.constant 47 : i32
    %dma_start3A_892 = arith.constant 256 : i32
    %dma_start3A_893 = arith.constant 0 : i32
    %dma_start3A_894 = tpu.memref_slice %arg6[%dma_start3A_892, %dma_start3A_893] : memref<640x64xf32, #tpu.memory_space<vmem>> -> memref<128x64xf32, #tpu.memory_space<vmem>>
    %dma_start3A_895 = arith.constant 0 : i32
    %dma_start3A_896 = tpu.memref_slice %arg5[%dma_start3A_891, %dma_start3A_895] : memref<50x128xi32, #tpu.memory_space<vmem>> -> memref<1x128xi32, #tpu.memory_space<vmem>>
    %dma_start3A_897 = tpu.memref_squeeze %dma_start3A_896 : memref<1x128xi32, #tpu.memory_space<vmem>> -> memref<128xi32, #tpu.memory_space<vmem>>
    %dma_start3A_898 = arith.constant 0 : i32
    %dma_start3A_899 = arith.constant 0 : i32
    %dma_start3A_900 = tpu.memref_slice %arg3[%dma_start3A_898, %dma_start3A_899] : memref<100000x64xf32, #tpu.memory_space<hbm>> -> memref<100000x64xf32, #tpu.memory_space<hbm>>
    tpu.enqueue_indirect_dma source(%dma_start3A_900 : memref<100000x64xf32, #tpu.memory_space<hbm>>) target(%dma_start3A_894 : memref<128x64xf32, #tpu.memory_space<vmem>>) offsets(%dma_start3A_897 : memref<128xi32, #tpu.memory_space<vmem>>) semaphore(%arg9 : memref<!tpu.dma_semaphore, #tpu.memory_space<semaphore_mem>>)
    %dma_start3A_901 = arith.constant 48 : i32
    %dma_start3A_902 = arith.constant 384 : i32
    %dma_start3A_903 = arith.constant 0 : i32
    %dma_start3A_904 = tpu.memref_slice %arg6[%dma_start3A_902, %dma_start3A_903] : memref<640x64xf32, #tpu.memory_space<vmem>> -> memref<128x64xf32, #tpu.memory_space<vmem>>
    %dma_start3A_905 = arith.constant 0 : i32
    %dma_start3A_906 = tpu.memref_slice %arg5[%dma_start3A_901, %dma_start3A_905] : memref<50x128xi32, #tpu.memory_space<vmem>> -> memref<1x128xi32, #tpu.memory_space<vmem>>
    %dma_start3A_907 = tpu.memref_squeeze %dma_start3A_906 : memref<1x128xi32, #tpu.memory_space<vmem>> -> memref<128xi32, #tpu.memory_space<vmem>>
    %dma_start3A_908 = arith.constant 0 : i32
    %dma_start3A_909 = arith.constant 0 : i32
    %dma_start3A_910 = tpu.memref_slice %arg3[%dma_start3A_908, %dma_start3A_909] : memref<100000x64xf32, #tpu.memory_space<hbm>> -> memref<100000x64xf32, #tpu.memory_space<hbm>>
    tpu.enqueue_indirect_dma source(%dma_start3A_910 : memref<100000x64xf32, #tpu.memory_space<hbm>>) target(%dma_start3A_904 : memref<128x64xf32, #tpu.memory_space<vmem>>) offsets(%dma_start3A_907 : memref<128xi32, #tpu.memory_space<vmem>>) semaphore(%arg9 : memref<!tpu.dma_semaphore, #tpu.memory_space<semaphore_mem>>)
    %dma_start3A_911 = arith.constant 49 : i32
    %dma_start3A_912 = arith.constant 512 : i32
    %dma_start3A_913 = arith.constant 0 : i32
    %dma_start3A_914 = tpu.memref_slice %arg6[%dma_start3A_912, %dma_start3A_913] : memref<640x64xf32, #tpu.memory_space<vmem>> -> memref<128x64xf32, #tpu.memory_space<vmem>>
    %dma_start3A_915 = arith.constant 0 : i32
    %dma_start3A_916 = tpu.memref_slice %arg5[%dma_start3A_911, %dma_start3A_915] : memref<50x128xi32, #tpu.memory_space<vmem>> -> memref<1x128xi32, #tpu.memory_space<vmem>>
    %dma_start3A_917 = tpu.memref_squeeze %dma_start3A_916 : memref<1x128xi32, #tpu.memory_space<vmem>> -> memref<128xi32, #tpu.memory_space<vmem>>
    %dma_start3A_918 = arith.constant 0 : i32
    %dma_start3A_919 = arith.constant 0 : i32
    %dma_start3A_920 = tpu.memref_slice %arg3[%dma_start3A_918, %dma_start3A_919] : memref<100000x64xf32, #tpu.memory_space<hbm>> -> memref<100000x64xf32, #tpu.memory_space<hbm>>
    tpu.enqueue_indirect_dma source(%dma_start3A_920 : memref<100000x64xf32, #tpu.memory_space<hbm>>) target(%dma_start3A_914 : memref<128x64xf32, #tpu.memory_space<vmem>>) offsets(%dma_start3A_917 : memref<128xi32, #tpu.memory_space<vmem>>) semaphore(%arg9 : memref<!tpu.dma_semaphore, #tpu.memory_space<semaphore_mem>>)
    %dma_wait3A_921 = arith.constant 35 : i32
    %dma_wait3A_922 = arith.constant 0 : i32
    %dma_wait3A_923 = arith.constant 0 : i32
    %dma_wait3A_924 = tpu.memref_slice %arg7[%dma_wait3A_922, %dma_wait3A_923] : memref<640x64xf32, #tpu.memory_space<vmem>> -> memref<128x64xf32, #tpu.memory_space<vmem>>
    %dma_wait3A_925 = arith.constant 0 : i32
    %dma_wait3A_926 = tpu.memref_slice %arg5[%dma_wait3A_921, %dma_wait3A_925] : memref<50x128xi32, #tpu.memory_space<vmem>> -> memref<1x128xi32, #tpu.memory_space<vmem>>
    %dma_wait3A_927 = tpu.memref_squeeze %dma_wait3A_926 : memref<1x128xi32, #tpu.memory_space<vmem>> -> memref<128xi32, #tpu.memory_space<vmem>>
    %dma_wait3A_928 = arith.constant 0 : i32
    %dma_wait3A_929 = arith.constant 0 : i32
    %dma_wait3A_930 = tpu.memref_slice %arg3[%dma_wait3A_928, %dma_wait3A_929] : memref<100000x64xf32, #tpu.memory_space<hbm>> -> memref<100000x64xf32, #tpu.memory_space<hbm>>
    tpu.wait_indirect_dma semaphore(%arg10 : memref<!tpu.dma_semaphore, #tpu.memory_space<semaphore_mem>>) src(%dma_wait3A_930 : memref<100000x64xf32, #tpu.memory_space<hbm>>) dst(%dma_wait3A_924 : memref<128x64xf32, #tpu.memory_space<vmem>>)
    %dma_wait3A_931 = arith.constant 36 : i32
    %dma_wait3A_932 = arith.constant 128 : i32
    %dma_wait3A_933 = arith.constant 0 : i32
    %dma_wait3A_934 = tpu.memref_slice %arg7[%dma_wait3A_932, %dma_wait3A_933] : memref<640x64xf32, #tpu.memory_space<vmem>> -> memref<128x64xf32, #tpu.memory_space<vmem>>
    %dma_wait3A_935 = arith.constant 0 : i32
    %dma_wait3A_936 = tpu.memref_slice %arg5[%dma_wait3A_931, %dma_wait3A_935] : memref<50x128xi32, #tpu.memory_space<vmem>> -> memref<1x128xi32, #tpu.memory_space<vmem>>
    %dma_wait3A_937 = tpu.memref_squeeze %dma_wait3A_936 : memref<1x128xi32, #tpu.memory_space<vmem>> -> memref<128xi32, #tpu.memory_space<vmem>>
    %dma_wait3A_938 = arith.constant 0 : i32
    %dma_wait3A_939 = arith.constant 0 : i32
    %dma_wait3A_940 = tpu.memref_slice %arg3[%dma_wait3A_938, %dma_wait3A_939] : memref<100000x64xf32, #tpu.memory_space<hbm>> -> memref<100000x64xf32, #tpu.memory_space<hbm>>
    tpu.wait_indirect_dma semaphore(%arg10 : memref<!tpu.dma_semaphore, #tpu.memory_space<semaphore_mem>>) src(%dma_wait3A_940 : memref<100000x64xf32, #tpu.memory_space<hbm>>) dst(%dma_wait3A_934 : memref<128x64xf32, #tpu.memory_space<vmem>>)
    %dma_wait3A_941 = arith.constant 37 : i32
    %dma_wait3A_942 = arith.constant 256 : i32
    %dma_wait3A_943 = arith.constant 0 : i32
    %dma_wait3A_944 = tpu.memref_slice %arg7[%dma_wait3A_942, %dma_wait3A_943] : memref<640x64xf32, #tpu.memory_space<vmem>> -> memref<128x64xf32, #tpu.memory_space<vmem>>
    %dma_wait3A_945 = arith.constant 0 : i32
    %dma_wait3A_946 = tpu.memref_slice %arg5[%dma_wait3A_941, %dma_wait3A_945] : memref<50x128xi32, #tpu.memory_space<vmem>> -> memref<1x128xi32, #tpu.memory_space<vmem>>
    %dma_wait3A_947 = tpu.memref_squeeze %dma_wait3A_946 : memref<1x128xi32, #tpu.memory_space<vmem>> -> memref<128xi32, #tpu.memory_space<vmem>>
    %dma_wait3A_948 = arith.constant 0 : i32
    %dma_wait3A_949 = arith.constant 0 : i32
    %dma_wait3A_950 = tpu.memref_slice %arg3[%dma_wait3A_948, %dma_wait3A_949] : memref<100000x64xf32, #tpu.memory_space<hbm>> -> memref<100000x64xf32, #tpu.memory_space<hbm>>
    tpu.wait_indirect_dma semaphore(%arg10 : memref<!tpu.dma_semaphore, #tpu.memory_space<semaphore_mem>>) src(%dma_wait3A_950 : memref<100000x64xf32, #tpu.memory_space<hbm>>) dst(%dma_wait3A_944 : memref<128x64xf32, #tpu.memory_space<vmem>>)
    %dma_wait3A_951 = arith.constant 38 : i32
    %dma_wait3A_952 = arith.constant 384 : i32
    %dma_wait3A_953 = arith.constant 0 : i32
    %dma_wait3A_954 = tpu.memref_slice %arg7[%dma_wait3A_952, %dma_wait3A_953] : memref<640x64xf32, #tpu.memory_space<vmem>> -> memref<128x64xf32, #tpu.memory_space<vmem>>
    %dma_wait3A_955 = arith.constant 0 : i32
    %dma_wait3A_956 = tpu.memref_slice %arg5[%dma_wait3A_951, %dma_wait3A_955] : memref<50x128xi32, #tpu.memory_space<vmem>> -> memref<1x128xi32, #tpu.memory_space<vmem>>
    %dma_wait3A_957 = tpu.memref_squeeze %dma_wait3A_956 : memref<1x128xi32, #tpu.memory_space<vmem>> -> memref<128xi32, #tpu.memory_space<vmem>>
    %dma_wait3A_958 = arith.constant 0 : i32
    %dma_wait3A_959 = arith.constant 0 : i32
    %dma_wait3A_960 = tpu.memref_slice %arg3[%dma_wait3A_958, %dma_wait3A_959] : memref<100000x64xf32, #tpu.memory_space<hbm>> -> memref<100000x64xf32, #tpu.memory_space<hbm>>
    tpu.wait_indirect_dma semaphore(%arg10 : memref<!tpu.dma_semaphore, #tpu.memory_space<semaphore_mem>>) src(%dma_wait3A_960 : memref<100000x64xf32, #tpu.memory_space<hbm>>) dst(%dma_wait3A_954 : memref<128x64xf32, #tpu.memory_space<vmem>>)
    %dma_wait3A_961 = arith.constant 39 : i32
    %dma_wait3A_962 = arith.constant 512 : i32
    %dma_wait3A_963 = arith.constant 0 : i32
    %dma_wait3A_964 = tpu.memref_slice %arg7[%dma_wait3A_962, %dma_wait3A_963] : memref<640x64xf32, #tpu.memory_space<vmem>> -> memref<128x64xf32, #tpu.memory_space<vmem>>
    %dma_wait3A_965 = arith.constant 0 : i32
    %dma_wait3A_966 = tpu.memref_slice %arg5[%dma_wait3A_961, %dma_wait3A_965] : memref<50x128xi32, #tpu.memory_space<vmem>> -> memref<1x128xi32, #tpu.memory_space<vmem>>
    %dma_wait3A_967 = tpu.memref_squeeze %dma_wait3A_966 : memref<1x128xi32, #tpu.memory_space<vmem>> -> memref<128xi32, #tpu.memory_space<vmem>>
    %dma_wait3A_968 = arith.constant 0 : i32
    %dma_wait3A_969 = arith.constant 0 : i32
    %dma_wait3A_970 = tpu.memref_slice %arg3[%dma_wait3A_968, %dma_wait3A_969] : memref<100000x64xf32, #tpu.memory_space<hbm>> -> memref<100000x64xf32, #tpu.memory_space<hbm>>
    tpu.wait_indirect_dma semaphore(%arg10 : memref<!tpu.dma_semaphore, #tpu.memory_space<semaphore_mem>>) src(%dma_wait3A_970 : memref<100000x64xf32, #tpu.memory_space<hbm>>) dst(%dma_wait3A_964 : memref<128x64xf32, #tpu.memory_space<vmem>>)
    %add3A_971 = arith.constant 4480 : i32
    %add3A_972 = arith.addi %mul3A_2, %add3A_971 : i32
    %dma_start3A_973 = arith.constant 0 : i32
    %dma_start3A_974 = tpu.memref_slice %arg4[%add3A_972, %dma_start3A_973] : memref<204800x64xf32, #tpu.memory_space<hbm>> -> memref<640x64xf32, #tpu.memory_space<hbm>>
    %dma_start3A_975 = arith.constant 0 : i32
    %dma_start3A_976 = tpu.memref_slice %arg4[%add3A_972, %dma_start3A_975] : memref<204800x64xf32, #tpu.memory_space<hbm>> -> memref<640x64xf32, #tpu.memory_space<hbm>>
    tpu.enqueue_dma source(%arg7 : memref<640x64xf32, #tpu.memory_space<vmem>>) target(%dma_start3A_976 : memref<640x64xf32, #tpu.memory_space<hbm>>) target_semaphore(%arg13 : memref<!tpu.dma_semaphore, #tpu.memory_space<semaphore_mem>>)
    %dma_wait3A_977 = arith.constant 40 : i32
    %dma_wait3A_978 = arith.constant 0 : i32
    %dma_wait3A_979 = arith.constant 0 : i32
    %dma_wait3A_980 = tpu.memref_slice %arg8[%dma_wait3A_978, %dma_wait3A_979] : memref<640x64xf32, #tpu.memory_space<vmem>> -> memref<128x64xf32, #tpu.memory_space<vmem>>
    %dma_wait3A_981 = arith.constant 0 : i32
    %dma_wait3A_982 = tpu.memref_slice %arg5[%dma_wait3A_977, %dma_wait3A_981] : memref<50x128xi32, #tpu.memory_space<vmem>> -> memref<1x128xi32, #tpu.memory_space<vmem>>
    %dma_wait3A_983 = tpu.memref_squeeze %dma_wait3A_982 : memref<1x128xi32, #tpu.memory_space<vmem>> -> memref<128xi32, #tpu.memory_space<vmem>>
    %dma_wait3A_984 = arith.constant 0 : i32
    %dma_wait3A_985 = arith.constant 0 : i32
    %dma_wait3A_986 = tpu.memref_slice %arg3[%dma_wait3A_984, %dma_wait3A_985] : memref<100000x64xf32, #tpu.memory_space<hbm>> -> memref<100000x64xf32, #tpu.memory_space<hbm>>
    tpu.wait_indirect_dma semaphore(%arg11 : memref<!tpu.dma_semaphore, #tpu.memory_space<semaphore_mem>>) src(%dma_wait3A_986 : memref<100000x64xf32, #tpu.memory_space<hbm>>) dst(%dma_wait3A_980 : memref<128x64xf32, #tpu.memory_space<vmem>>)
    %dma_wait3A_987 = arith.constant 41 : i32
    %dma_wait3A_988 = arith.constant 128 : i32
    %dma_wait3A_989 = arith.constant 0 : i32
    %dma_wait3A_990 = tpu.memref_slice %arg8[%dma_wait3A_988, %dma_wait3A_989] : memref<640x64xf32, #tpu.memory_space<vmem>> -> memref<128x64xf32, #tpu.memory_space<vmem>>
    %dma_wait3A_991 = arith.constant 0 : i32
    %dma_wait3A_992 = tpu.memref_slice %arg5[%dma_wait3A_987, %dma_wait3A_991] : memref<50x128xi32, #tpu.memory_space<vmem>> -> memref<1x128xi32, #tpu.memory_space<vmem>>
    %dma_wait3A_993 = tpu.memref_squeeze %dma_wait3A_992 : memref<1x128xi32, #tpu.memory_space<vmem>> -> memref<128xi32, #tpu.memory_space<vmem>>
    %dma_wait3A_994 = arith.constant 0 : i32
    %dma_wait3A_995 = arith.constant 0 : i32
    %dma_wait3A_996 = tpu.memref_slice %arg3[%dma_wait3A_994, %dma_wait3A_995] : memref<100000x64xf32, #tpu.memory_space<hbm>> -> memref<100000x64xf32, #tpu.memory_space<hbm>>
    tpu.wait_indirect_dma semaphore(%arg11 : memref<!tpu.dma_semaphore, #tpu.memory_space<semaphore_mem>>) src(%dma_wait3A_996 : memref<100000x64xf32, #tpu.memory_space<hbm>>) dst(%dma_wait3A_990 : memref<128x64xf32, #tpu.memory_space<vmem>>)
    %dma_wait3A_997 = arith.constant 42 : i32
    %dma_wait3A_998 = arith.constant 256 : i32
    %dma_wait3A_999 = arith.constant 0 : i32
    %dma_wait3A_1000 = tpu.memref_slice %arg8[%dma_wait3A_998, %dma_wait3A_999] : memref<640x64xf32, #tpu.memory_space<vmem>> -> memref<128x64xf32, #tpu.memory_space<vmem>>
    %dma_wait3A_1001 = arith.constant 0 : i32
    %dma_wait3A_1002 = tpu.memref_slice %arg5[%dma_wait3A_997, %dma_wait3A_1001] : memref<50x128xi32, #tpu.memory_space<vmem>> -> memref<1x128xi32, #tpu.memory_space<vmem>>
    %dma_wait3A_1003 = tpu.memref_squeeze %dma_wait3A_1002 : memref<1x128xi32, #tpu.memory_space<vmem>> -> memref<128xi32, #tpu.memory_space<vmem>>
    %dma_wait3A_1004 = arith.constant 0 : i32
    %dma_wait3A_1005 = arith.constant 0 : i32
    %dma_wait3A_1006 = tpu.memref_slice %arg3[%dma_wait3A_1004, %dma_wait3A_1005] : memref<100000x64xf32, #tpu.memory_space<hbm>> -> memref<100000x64xf32, #tpu.memory_space<hbm>>
    tpu.wait_indirect_dma semaphore(%arg11 : memref<!tpu.dma_semaphore, #tpu.memory_space<semaphore_mem>>) src(%dma_wait3A_1006 : memref<100000x64xf32, #tpu.memory_space<hbm>>) dst(%dma_wait3A_1000 : memref<128x64xf32, #tpu.memory_space<vmem>>)
    %dma_wait3A_1007 = arith.constant 43 : i32
    %dma_wait3A_1008 = arith.constant 384 : i32
    %dma_wait3A_1009 = arith.constant 0 : i32
    %dma_wait3A_1010 = tpu.memref_slice %arg8[%dma_wait3A_1008, %dma_wait3A_1009] : memref<640x64xf32, #tpu.memory_space<vmem>> -> memref<128x64xf32, #tpu.memory_space<vmem>>
    %dma_wait3A_1011 = arith.constant 0 : i32
    %dma_wait3A_1012 = tpu.memref_slice %arg5[%dma_wait3A_1007, %dma_wait3A_1011] : memref<50x128xi32, #tpu.memory_space<vmem>> -> memref<1x128xi32, #tpu.memory_space<vmem>>
    %dma_wait3A_1013 = tpu.memref_squeeze %dma_wait3A_1012 : memref<1x128xi32, #tpu.memory_space<vmem>> -> memref<128xi32, #tpu.memory_space<vmem>>
    %dma_wait3A_1014 = arith.constant 0 : i32
    %dma_wait3A_1015 = arith.constant 0 : i32
    %dma_wait3A_1016 = tpu.memref_slice %arg3[%dma_wait3A_1014, %dma_wait3A_1015] : memref<100000x64xf32, #tpu.memory_space<hbm>> -> memref<100000x64xf32, #tpu.memory_space<hbm>>
    tpu.wait_indirect_dma semaphore(%arg11 : memref<!tpu.dma_semaphore, #tpu.memory_space<semaphore_mem>>) src(%dma_wait3A_1016 : memref<100000x64xf32, #tpu.memory_space<hbm>>) dst(%dma_wait3A_1010 : memref<128x64xf32, #tpu.memory_space<vmem>>)
    %dma_wait3A_1017 = arith.constant 44 : i32
    %dma_wait3A_1018 = arith.constant 512 : i32
    %dma_wait3A_1019 = arith.constant 0 : i32
    %dma_wait3A_1020 = tpu.memref_slice %arg8[%dma_wait3A_1018, %dma_wait3A_1019] : memref<640x64xf32, #tpu.memory_space<vmem>> -> memref<128x64xf32, #tpu.memory_space<vmem>>
    %dma_wait3A_1021 = arith.constant 0 : i32
    %dma_wait3A_1022 = tpu.memref_slice %arg5[%dma_wait3A_1017, %dma_wait3A_1021] : memref<50x128xi32, #tpu.memory_space<vmem>> -> memref<1x128xi32, #tpu.memory_space<vmem>>
    %dma_wait3A_1023 = tpu.memref_squeeze %dma_wait3A_1022 : memref<1x128xi32, #tpu.memory_space<vmem>> -> memref<128xi32, #tpu.memory_space<vmem>>
    %dma_wait3A_1024 = arith.constant 0 : i32
    %dma_wait3A_1025 = arith.constant 0 : i32
    %dma_wait3A_1026 = tpu.memref_slice %arg3[%dma_wait3A_1024, %dma_wait3A_1025] : memref<100000x64xf32, #tpu.memory_space<hbm>> -> memref<100000x64xf32, #tpu.memory_space<hbm>>
    tpu.wait_indirect_dma semaphore(%arg11 : memref<!tpu.dma_semaphore, #tpu.memory_space<semaphore_mem>>) src(%dma_wait3A_1026 : memref<100000x64xf32, #tpu.memory_space<hbm>>) dst(%dma_wait3A_1020 : memref<128x64xf32, #tpu.memory_space<vmem>>)
    %add3A_1027 = arith.constant 5120 : i32
    %add3A_1028 = arith.addi %mul3A_2, %add3A_1027 : i32
    %dma_start3A_1029 = arith.constant 0 : i32
    %dma_start3A_1030 = tpu.memref_slice %arg4[%add3A_1028, %dma_start3A_1029] : memref<204800x64xf32, #tpu.memory_space<hbm>> -> memref<640x64xf32, #tpu.memory_space<hbm>>
    %dma_start3A_1031 = arith.constant 0 : i32
    %dma_start3A_1032 = tpu.memref_slice %arg4[%add3A_1028, %dma_start3A_1031] : memref<204800x64xf32, #tpu.memory_space<hbm>> -> memref<640x64xf32, #tpu.memory_space<hbm>>
    tpu.enqueue_dma source(%arg8 : memref<640x64xf32, #tpu.memory_space<vmem>>) target(%dma_start3A_1032 : memref<640x64xf32, #tpu.memory_space<hbm>>) target_semaphore(%arg14 : memref<!tpu.dma_semaphore, #tpu.memory_space<semaphore_mem>>)
    %dma_wait3A_1033 = arith.constant 45 : i32
    %dma_wait3A_1034 = arith.constant 0 : i32
    %dma_wait3A_1035 = arith.constant 0 : i32
    %dma_wait3A_1036 = tpu.memref_slice %arg6[%dma_wait3A_1034, %dma_wait3A_1035] : memref<640x64xf32, #tpu.memory_space<vmem>> -> memref<128x64xf32, #tpu.memory_space<vmem>>
    %dma_wait3A_1037 = arith.constant 0 : i32
    %dma_wait3A_1038 = tpu.memref_slice %arg5[%dma_wait3A_1033, %dma_wait3A_1037] : memref<50x128xi32, #tpu.memory_space<vmem>> -> memref<1x128xi32, #tpu.memory_space<vmem>>
    %dma_wait3A_1039 = tpu.memref_squeeze %dma_wait3A_1038 : memref<1x128xi32, #tpu.memory_space<vmem>> -> memref<128xi32, #tpu.memory_space<vmem>>
    %dma_wait3A_1040 = arith.constant 0 : i32
    %dma_wait3A_1041 = arith.constant 0 : i32
    %dma_wait3A_1042 = tpu.memref_slice %arg3[%dma_wait3A_1040, %dma_wait3A_1041] : memref<100000x64xf32, #tpu.memory_space<hbm>> -> memref<100000x64xf32, #tpu.memory_space<hbm>>
    tpu.wait_indirect_dma semaphore(%arg9 : memref<!tpu.dma_semaphore, #tpu.memory_space<semaphore_mem>>) src(%dma_wait3A_1042 : memref<100000x64xf32, #tpu.memory_space<hbm>>) dst(%dma_wait3A_1036 : memref<128x64xf32, #tpu.memory_space<vmem>>)
    %dma_wait3A_1043 = arith.constant 46 : i32
    %dma_wait3A_1044 = arith.constant 128 : i32
    %dma_wait3A_1045 = arith.constant 0 : i32
    %dma_wait3A_1046 = tpu.memref_slice %arg6[%dma_wait3A_1044, %dma_wait3A_1045] : memref<640x64xf32, #tpu.memory_space<vmem>> -> memref<128x64xf32, #tpu.memory_space<vmem>>
    %dma_wait3A_1047 = arith.constant 0 : i32
    %dma_wait3A_1048 = tpu.memref_slice %arg5[%dma_wait3A_1043, %dma_wait3A_1047] : memref<50x128xi32, #tpu.memory_space<vmem>> -> memref<1x128xi32, #tpu.memory_space<vmem>>
    %dma_wait3A_1049 = tpu.memref_squeeze %dma_wait3A_1048 : memref<1x128xi32, #tpu.memory_space<vmem>> -> memref<128xi32, #tpu.memory_space<vmem>>
    %dma_wait3A_1050 = arith.constant 0 : i32
    %dma_wait3A_1051 = arith.constant 0 : i32
    %dma_wait3A_1052 = tpu.memref_slice %arg3[%dma_wait3A_1050, %dma_wait3A_1051] : memref<100000x64xf32, #tpu.memory_space<hbm>> -> memref<100000x64xf32, #tpu.memory_space<hbm>>
    tpu.wait_indirect_dma semaphore(%arg9 : memref<!tpu.dma_semaphore, #tpu.memory_space<semaphore_mem>>) src(%dma_wait3A_1052 : memref<100000x64xf32, #tpu.memory_space<hbm>>) dst(%dma_wait3A_1046 : memref<128x64xf32, #tpu.memory_space<vmem>>)
    %dma_wait3A_1053 = arith.constant 47 : i32
    %dma_wait3A_1054 = arith.constant 256 : i32
    %dma_wait3A_1055 = arith.constant 0 : i32
    %dma_wait3A_1056 = tpu.memref_slice %arg6[%dma_wait3A_1054, %dma_wait3A_1055] : memref<640x64xf32, #tpu.memory_space<vmem>> -> memref<128x64xf32, #tpu.memory_space<vmem>>
    %dma_wait3A_1057 = arith.constant 0 : i32
    %dma_wait3A_1058 = tpu.memref_slice %arg5[%dma_wait3A_1053, %dma_wait3A_1057] : memref<50x128xi32, #tpu.memory_space<vmem>> -> memref<1x128xi32, #tpu.memory_space<vmem>>
    %dma_wait3A_1059 = tpu.memref_squeeze %dma_wait3A_1058 : memref<1x128xi32, #tpu.memory_space<vmem>> -> memref<128xi32, #tpu.memory_space<vmem>>
    %dma_wait3A_1060 = arith.constant 0 : i32
    %dma_wait3A_1061 = arith.constant 0 : i32
    %dma_wait3A_1062 = tpu.memref_slice %arg3[%dma_wait3A_1060, %dma_wait3A_1061] : memref<100000x64xf32, #tpu.memory_space<hbm>> -> memref<100000x64xf32, #tpu.memory_space<hbm>>
    tpu.wait_indirect_dma semaphore(%arg9 : memref<!tpu.dma_semaphore, #tpu.memory_space<semaphore_mem>>) src(%dma_wait3A_1062 : memref<100000x64xf32, #tpu.memory_space<hbm>>) dst(%dma_wait3A_1056 : memref<128x64xf32, #tpu.memory_space<vmem>>)
    %dma_wait3A_1063 = arith.constant 48 : i32
    %dma_wait3A_1064 = arith.constant 384 : i32
    %dma_wait3A_1065 = arith.constant 0 : i32
    %dma_wait3A_1066 = tpu.memref_slice %arg6[%dma_wait3A_1064, %dma_wait3A_1065] : memref<640x64xf32, #tpu.memory_space<vmem>> -> memref<128x64xf32, #tpu.memory_space<vmem>>
    %dma_wait3A_1067 = arith.constant 0 : i32
    %dma_wait3A_1068 = tpu.memref_slice %arg5[%dma_wait3A_1063, %dma_wait3A_1067] : memref<50x128xi32, #tpu.memory_space<vmem>> -> memref<1x128xi32, #tpu.memory_space<vmem>>
    %dma_wait3A_1069 = tpu.memref_squeeze %dma_wait3A_1068 : memref<1x128xi32, #tpu.memory_space<vmem>> -> memref<128xi32, #tpu.memory_space<vmem>>
    %dma_wait3A_1070 = arith.constant 0 : i32
    %dma_wait3A_1071 = arith.constant 0 : i32
    %dma_wait3A_1072 = tpu.memref_slice %arg3[%dma_wait3A_1070, %dma_wait3A_1071] : memref<100000x64xf32, #tpu.memory_space<hbm>> -> memref<100000x64xf32, #tpu.memory_space<hbm>>
    tpu.wait_indirect_dma semaphore(%arg9 : memref<!tpu.dma_semaphore, #tpu.memory_space<semaphore_mem>>) src(%dma_wait3A_1072 : memref<100000x64xf32, #tpu.memory_space<hbm>>) dst(%dma_wait3A_1066 : memref<128x64xf32, #tpu.memory_space<vmem>>)
    %dma_wait3A_1073 = arith.constant 49 : i32
    %dma_wait3A_1074 = arith.constant 512 : i32
    %dma_wait3A_1075 = arith.constant 0 : i32
    %dma_wait3A_1076 = tpu.memref_slice %arg6[%dma_wait3A_1074, %dma_wait3A_1075] : memref<640x64xf32, #tpu.memory_space<vmem>> -> memref<128x64xf32, #tpu.memory_space<vmem>>
    %dma_wait3A_1077 = arith.constant 0 : i32
    %dma_wait3A_1078 = tpu.memref_slice %arg5[%dma_wait3A_1073, %dma_wait3A_1077] : memref<50x128xi32, #tpu.memory_space<vmem>> -> memref<1x128xi32, #tpu.memory_space<vmem>>
    %dma_wait3A_1079 = tpu.memref_squeeze %dma_wait3A_1078 : memref<1x128xi32, #tpu.memory_space<vmem>> -> memref<128xi32, #tpu.memory_space<vmem>>
    %dma_wait3A_1080 = arith.constant 0 : i32
    %dma_wait3A_1081 = arith.constant 0 : i32
    %dma_wait3A_1082 = tpu.memref_slice %arg3[%dma_wait3A_1080, %dma_wait3A_1081] : memref<100000x64xf32, #tpu.memory_space<hbm>> -> memref<100000x64xf32, #tpu.memory_space<hbm>>
    tpu.wait_indirect_dma semaphore(%arg9 : memref<!tpu.dma_semaphore, #tpu.memory_space<semaphore_mem>>) src(%dma_wait3A_1082 : memref<100000x64xf32, #tpu.memory_space<hbm>>) dst(%dma_wait3A_1076 : memref<128x64xf32, #tpu.memory_space<vmem>>)
    %add3A_1083 = arith.constant 5760 : i32
    %add3A_1084 = arith.addi %mul3A_2, %add3A_1083 : i32
    %dma_start3A_1085 = arith.constant 0 : i32
    %dma_start3A_1086 = tpu.memref_slice %arg4[%add3A_1084, %dma_start3A_1085] : memref<204800x64xf32, #tpu.memory_space<hbm>> -> memref<640x64xf32, #tpu.memory_space<hbm>>
    %dma_start3A_1087 = arith.constant 0 : i32
    %dma_start3A_1088 = tpu.memref_slice %arg4[%add3A_1084, %dma_start3A_1087] : memref<204800x64xf32, #tpu.memory_space<hbm>> -> memref<640x64xf32, #tpu.memory_space<hbm>>
    tpu.enqueue_dma source(%arg6 : memref<640x64xf32, #tpu.memory_space<vmem>>) target(%dma_start3A_1088 : memref<640x64xf32, #tpu.memory_space<hbm>>) target_semaphore(%arg12 : memref<!tpu.dma_semaphore, #tpu.memory_space<semaphore_mem>>)
    %dma_wait3A_1089 = arith.constant 0 : i32
    %dma_wait3A_1090 = tpu.memref_slice %arg4[%add3A_1084, %dma_wait3A_1089] : memref<204800x64xf32, #tpu.memory_space<hbm>> -> memref<640x64xf32, #tpu.memory_space<hbm>>
    %dma_wait3A_1091 = arith.constant 0 : i32
    %dma_wait3A_1092 = tpu.memref_slice %arg4[%add3A_1084, %dma_wait3A_1091] : memref<204800x64xf32, #tpu.memory_space<hbm>> -> memref<640x64xf32, #tpu.memory_space<hbm>>
    tpu.wait_dma2 semaphore(%arg12 : memref<!tpu.dma_semaphore, #tpu.memory_space<semaphore_mem>>) src(%arg6 : memref<640x64xf32, #tpu.memory_space<vmem>>) dst(%dma_wait3A_1092 : memref<640x64xf32, #tpu.memory_space<hbm>>)
    %dma_wait3A_1093 = arith.constant 0 : i32
    %dma_wait3A_1094 = tpu.memref_slice %arg4[%add3A_972, %dma_wait3A_1093] : memref<204800x64xf32, #tpu.memory_space<hbm>> -> memref<640x64xf32, #tpu.memory_space<hbm>>
    %dma_wait3A_1095 = arith.constant 0 : i32
    %dma_wait3A_1096 = tpu.memref_slice %arg4[%add3A_972, %dma_wait3A_1095] : memref<204800x64xf32, #tpu.memory_space<hbm>> -> memref<640x64xf32, #tpu.memory_space<hbm>>
    tpu.wait_dma2 semaphore(%arg13 : memref<!tpu.dma_semaphore, #tpu.memory_space<semaphore_mem>>) src(%arg7 : memref<640x64xf32, #tpu.memory_space<vmem>>) dst(%dma_wait3A_1096 : memref<640x64xf32, #tpu.memory_space<hbm>>)
    %dma_wait3A_1097 = arith.constant 0 : i32
    %dma_wait3A_1098 = tpu.memref_slice %arg4[%add3A_1028, %dma_wait3A_1097] : memref<204800x64xf32, #tpu.memory_space<hbm>> -> memref<640x64xf32, #tpu.memory_space<hbm>>
    %dma_wait3A_1099 = arith.constant 0 : i32
    %dma_wait3A_1100 = tpu.memref_slice %arg4[%add3A_1028, %dma_wait3A_1099] : memref<204800x64xf32, #tpu.memory_space<hbm>> -> memref<640x64xf32, #tpu.memory_space<hbm>>
    tpu.wait_dma2 semaphore(%arg14 : memref<!tpu.dma_semaphore, #tpu.memory_space<semaphore_mem>>) src(%arg8 : memref<640x64xf32, #tpu.memory_space<vmem>>) dst(%dma_wait3A_1100 : memref<640x64xf32, #tpu.memory_space<hbm>>)
    return
  }
}

</mosaic_0001>

<sc_bundles>
// kernel: _embed_sc.3.cloned.1.call-start
scs
__scs_entry_jumppad:
0x0: {  	(pc) =	sbr.rel $0x88, $3  }
0x1: {  	(tag) =	ssettag $0x0;
	lr =	simm.s32 $0x1  }
0x2: {  	[smem:$0x3F9F] =	sst lr;
	_ =	strace $0xD0000000  }
0x3: {  	_ = 	snop  }
0x4: {  	_ = 	snop  }
0x5: {  	_ = 	snop  }
0x6: {  	_ = 	snop  }
0x7: {  	_ = 	snop  }
__scs_overlays_trampoline_lowered:
0x8: {  	[smem:$0x3FAE] =	sst s0  }
0x9: {  	[smem:$0x3FAF] =	sst s1  }
0xa: {  	[smem:$0x3FB0] =	sst s2  }
0xb: {  	[smem:$0x3FB1] =	sst s3  }
0xc: {  	[smem:$0x3FB2] =	sst s4  }
0xd: {  	[smem:$0x3FB3] =	sst s5  }
0xe: {  	[smem:$0x3FB4] =	sst s6  }
0xf: {  	[smem:$0x3FB5] =	sst s7  }
0x10: {  	[smem:$0x3FB6] =	sst s8  }
0x11: {  	[smem:$0x3FB7] =	sst s9;
	s0 =	simm.s32 @!p0 $0x0  }
0x12: {  	s1 =	sld [smem:$0x3F9D];
	s0 =	simm.s32 @p0 $0x1  }
0x13: {  	[smem:$0x3FB8] =	sst s0;
	s0 =	simm.s32 @!p1 $0x0  }
0x14: {  	s2 =	sld [smem:$0x3F9C];
	s0 =	simm.s32 @p1 $0x1  }
0x15: {  	[smem:$0x3FB9] =	sst s0;
	s0 =	simm.s32 @!p2 $0x0  }
0x16: {  	s3 =	sld [smem:$0x3FDB];
	s0 =	simm.s32 @p2 $0x1  }
0x17: {  	s4 =	simm.s32 $0x1BF5;
	[smem:$0x3FBB] =	sst s0  }
0x18: {  	s0 =	sld [smem:$0x3F9E];
	_ =	swait.ge [sflag:s4], $0x0  }
0x19: {  	s7 =	sld [smem:$0x3F9F]  }
0x1a: {  	s8 =	sadd.s32 $0xFFFFE003, lr  }
0x1b: {  	s9 =	sadd.s32 $0xFFFFFEF7, lr;
	s5 =	simm.s32 $0xFFFFFFFF;
	p2 =	slt.u32 s8, $0xFFFFF086  }
0x1c: {  	p1 =	slt.u32 s9, $0xF7A;
	s5 =	simm.s32 @!p2 $0x0  }
0x1d: {  	s5 =	simm.s32 @p1 $0x1;
	p0 =	seq.s32 s7, s2  }
0x1e: {  	s7 =	smul.u32 @!p0 $0xF7A, s2;
	p2 =	seq.s32 @!p0 s5, $0x0  }
0x1f: {  	s9 =	smul.u32 $0xF7A, s1;
	s8 =	simm.s32 @!p0 $0x1BF5;
	p2 =	por !p2, p0  }
0x20: {  	[sflag:s8] =	ssyncset.s32 @!p0 $0xFFFFF086;
	s6 =	sadd.s32 @!p0 s3, s7;
	s7 =	simm.s32 @!p0 $0x108  }
0x21: {  	s3 =	sadd.s32 s3, s9;
	s6 =	sadd.s32 @!p0 $0x88, s6;
	s7 =	simm.s32 @p2 $0x1082  }
0x22: {  	[simem:s7], [sflag:s8] =	dma.local @!p0 [hbm:s6], $0xF7A  }
0x23: {  	s9 =	sor.u32 $0xD0000000, s2;
	s6 =	simm.s32 $0x108;
	_ =	swait.ge @!p0 [sflag:s8], $0x0  }
0x24: {  	s3 =	sadd.s32 $0x88, s3;
	s6 =	simm.s32 @!p1 $0x1082;
	[sflag:s4] =	ssyncset.s32 $0xFFFFF086  }
0x25: {  	[simem:s6], [sflag:s4] =	dma.local [hbm:s3], $0xF7A  }
0x26: {  	[smem:$0x3F9F] =	sst s1;
	(tag) =	ssettag s2;
	_ =	strace s9  }
0x27: {  	s1 =	sld [smem:$0x3FAF]  }
0x28: {  	s2 =	sld [smem:$0x3FB0]  }
0x29: {  	s4 =	sld [smem:$0x3FB2]  }
0x2a: {  	p0 =	seq.s32 s5, $0x0;
	s5 =	sld [smem:$0x3FB3]  }
0x2b: {  	s6 =	sld [smem:$0x3FB4]  }
0x2c: {  	s7 =	sld [smem:$0x3FB5]  }
0x2d: {  	s3 =	simm.s32 $0x108;
	s8 =	sld [smem:$0x3FB6]  }
0x2e: {  	s3 =	simm.s32 @!p0 $0x1082;
	s9 =	sld [smem:$0x3FB7]  }
0x2f: {  	lr =	sadd.s32 s0, s3;
	s0 =	sld [smem:$0x3FAE]  }
0x30: {  	s3 =	sld [smem:$0x3FB1]  }
0x31: {  	[smem:$0x3FBA] =	sst s10  }
0x32: {  	s10 =	sld [smem:$0x3FB8];
	_ =	sdelay $0x3  }
0x33: {  	p0 =	seq.s32 s10, $0x1;
	s10 =	sld [smem:$0x3FBA];
	_ =	sdelay $0x3  }
0x34: {  	[smem:$0x3FBA] =	sst s10  }
0x35: {  	s10 =	sld [smem:$0x3FB9];
	_ =	sdelay $0x3  }
0x36: {  	p1 =	seq.s32 s10, $0x1;
	s10 =	sld [smem:$0x3FBA];
	_ =	sdelay $0x3  }
0x37: {  	[smem:$0x3FBA] =	sst s10  }
0x38: {  	s10 =	sld [smem:$0x3FBB]  }
0x39: {  	_ = 	snop;
	(pc) =	sbr.ind lr, $3  }
0x3a: {  	_ = 	snop  }
0x3b: {  	_ = 	snop  }
0x3c: {  	p2 =	seq.s32 s10, $0x1;
	s10 =	sld [smem:$0x3FBA]  }
0x3d: {  	_ =	shalt  }
0x3e: {  	_ =	shalt  }
0x3f: {  	_ =	shalt  }
0x40: {  	_ =	shalt  }
0x41: {  	_ =	shalt  }
0x42: {  	_ =	shalt  }
0x43: {  	_ =	shalt  }
0x44: {  	_ =	shalt  }
0x45: {  	_ =	shalt  }
0x46: {  	_ =	shalt  }
0x47: {  	_ =	shalt  }
0x48: {  	_ =	shalt  }
0x49: {  	_ =	shalt  }
0x4a: {  	_ =	shalt  }
0x4b: {  	_ =	shalt  }
0x4c: {  	_ =	shalt  }
0x4d: {  	_ =	shalt  }
0x4e: {  	_ =	shalt  }
0x4f: {  	_ =	shalt  }
0x50: {  	_ =	shalt  }
0x51: {  	_ =	shalt  }
0x52: {  	_ =	shalt  }
0x53: {  	_ =	shalt  }
0x54: {  	_ =	shalt  }
0x55: {  	_ =	shalt  }
0x56: {  	_ =	shalt  }
0x57: {  	_ =	shalt  }
0x58: {  	_ =	shalt  }
0x59: {  	_ =	shalt  }
0x5a: {  	_ =	shalt  }
0x5b: {  	_ =	shalt  }
0x5c: {  	_ =	shalt  }
0x5d: {  	_ =	shalt  }
0x5e: {  	_ =	shalt  }
0x5f: {  	_ =	shalt  }
0x60: {  	_ =	shalt  }
0x61: {  	_ =	shalt  }
0x62: {  	_ =	shalt  }
0x63: {  	_ =	shalt  }
0x64: {  	_ =	shalt  }
0x65: {  	_ =	shalt  }
0x66: {  	_ =	shalt  }
0x67: {  	_ =	shalt  }
0x68: {  	_ =	shalt  }
0x69: {  	_ =	shalt  }
0x6a: {  	_ =	shalt  }
0x6b: {  	_ =	shalt  }
0x6c: {  	_ =	shalt  }
0x6d: {  	_ =	shalt  }
0x6e: {  	_ =	shalt  }
0x6f: {  	_ =	shalt  }
0x70: {  	_ =	shalt  }
0x71: {  	_ =	shalt  }
0x72: {  	_ =	shalt  }
0x73: {  	_ =	shalt  }
0x74: {  	_ =	shalt  }
0x75: {  	_ =	shalt  }
0x76: {  	_ =	shalt  }
0x77: {  	_ =	shalt  }
0x78: {  	_ =	shalt  }
0x79: {  	_ =	shalt  }
0x7a: {  	_ =	shalt  }
0x7b: {  	_ =	shalt  }
0x7c: {  	_ =	shalt  }
0x7d: {  	_ =	shalt  }
0x7e: {  	_ =	shalt  }
0x7f: {  	_ =	shalt  }
0x80: {  	_ =	shalt  }
0x81: {  	_ =	shalt  }
0x82: {  	_ =	shalt  }
0x83: {  	_ =	shalt  }
0x84: {  	_ =	shalt  }
0x85: {  	_ =	shalt  }
0x86: {  	_ =	shalt  }
0x87: {  	_ =	shalt  }
.Lfunc_end0:
.L_simem_size_0:
called_computation.1_lowered:
.L_overlay_start_0:
0x88: {  	s2 =	sld [smem:$0x3FD9]  }
0x89: {  	s3 =	sld [smem:$0x3FFE];
	_ =	sdelay $0x1  }
0x8a: {  	s1 =	srdreg.scid  }
0x8b: {  	s0 =	sand.u32 $0x1, s1  }
0x8c: {  	s17 =	sshll.u32 s0, $0xA;
	s2 =	sadd.s32 s3, s2  }
0x8d: {  	s2 =	sadd.s32 s2, s17  }
0x8e: {  	[smem:$0x3FC6] =	sst s2  }
0x8f: {  	_ = 	snop  }
0x90: {  	s2 =	sld [smem:$0x3FD0];
	(tm) =	ssettm $0x1  }
0x91: {  	s18 =	sld [smem:$0x3FFB];
	_ =	sdelay $0x3  }
0x92: {  	_ =	strace s18  }
0x93: {  	s3 =	sld [smem:$0x3FFC];
	_ =	sdelay $0x3  }
0x94: {  	_ =	strace s3  }
0x95: {  	s3 =	sld [smem:$0x3FFD];
	_ =	sdelay $0x3  }
0x96: {  	_ =	strace s3  }
0x97: {  	_ =	strace $0x8FFFFFFF  }
0x98: {  	s19 =	sld [smem:$0x3FDB];
	_ =	sdelay $0x1  }
0x99: {  	s4 =	simm.s32 $_scs_section_size  }
0x9a: {  	s5 =	simm.s32 $_size__tile_overlayer_lowered;
	s6 =	simm.s32 $_tile_overlayer_lowered  }
0x9b: {  	s22 =	simm.s32 $0x1BFF;
	s21 =	sshll.u32 s6, $0x1;
	s3 =	sadd.s32 s4, s19  }
0x9c: {  	s7 =	simm.s32 $0x0;
	s20 =	sshll.u32 s5, $0x1;
	s5 =	sadd.s32 s21, s3  }
0x9d: {  	[timem:s7], [sflag:s22] =	dma.local [hbm:s5], s20  }
0x9e: {  	_ =	swait.ge [sflag:s22], s20  }
0x9f: {  	s4 =	ssub.s32 $0x0, s20;
	[sflag:s22] =	ssyncset.done $0x0  }
0xa0: {  	[sflag:s22] =	ssyncadd.s32 s4;
	_ =	sdelay $0x1  }
0xa1: {  	s23 =	simm.s32 $0x1B8B  }
0xa2: {  	_ =	swait.ge [sflag:s23], $0x1  }
0xa3: {  	[sflag:s23] =	ssyncset.done $0x0  }
0xa4: {  	s25 =	simm.s32 $0x1B8E;
	s24 =	sld [smem:$0x3FFE];
	[sflag:s23] =	ssyncadd.s32 $0xFFFFFFFF  }
0xa5: {  	s26 =	simm.s32 $execute0_lowered;
	[smem:$0x3FD2] =	sst s25  }
0xa6: {  	s5 =	sshll.u32 s26, $0x1;
	_ =	strace $0x80000046;
	[dreg:$0x1] =	wrdreg $0xFFFFFFFF  }
0xa7: {  	s28 =	simm.s32 $_size_execute0_lowered;
	s3 =	sadd.s32 s3, s5;
	[dreg:$0x0] =	wrdreg $0x0  }
0xa8: {  	s5 =	sshll.u32 s28, $0x1;
	[dreg:$0x2] =	wrdreg s3  }
0xa9: {  	[dreg:$0x3] =	wrdreg s5  }
0xaa: {  	[dreg:$0x4] =	wrdreg $0xC0  }
0xab: {  	_ =	task [dreg:s7], $0x5FFFF  }
0xac: {  	[dreg:$0x1] =	wrdreg $0xFFFFFFFF  }
0xad: {  	[dreg:$0x0] =	wrdreg $0x60  }
0xae: {  	[dreg:$0x2] =	wrdreg s24  }
0xaf: {  	[dreg:$0x3] =	wrdreg s2  }
0xb0: {  	[dreg:$0x4] =	wrdreg $0x9  }
0xb1: {  	_ =	task.clear_ibuf [dreg:s7], $0x5FFFF;
	_ =	strace $0x90000046  }
0xb2: {  	s29 =	simm.s32 $0x9;
	_ =	strace $0x80000048  }
0xb3: {  	_ =	swait.ge [sflag:s29], $0x1  }
0xb4: {  	[sflag:s29] =	ssyncadd.s32 $0xFFFFFFFF  }
0xb5: {  	_ =	strace $0x90000048  }
0xb6: {  	_ =	sfence  }
0xb7: {  	s30 =	sld [smem:$0x0];
	_ =	sdelay $0x2  }
0xb8: {  	s31 =	sshll.u32 s1, $0xD;
	s1 =	sshrl.u32 s1, $0x2  }
0xb9: {  	s3 =	sand.u32 $0x4000, s31;
	s1 =	sadd.s32 s1, s30  }
0xba: {  	s0 =	sor.u32 s3, s0;
	s1 =	sshll.u32 s1, $0x11  }
0xbb: {  	s0 =	sor.u32 s1, s0  }
0xbc: {  	s0 =	sadd.s32 $0x8F2B, s0  }
0xbd: {  	[sflag:s0] =	ssyncadd.remote.s32 $0x1  }
0xbe: {  	_ =	sfence.sel $0xFFFF  }
0xbf: {  	[dreg:$0x0] =	wrdreg $0xFFFFFFFF;
	(pc) =	sbr.abs _section_cstart, $3  }
0xc0: {  	[dreg:$0x1] =	wrdreg $0xFFFFFFFF  }
0xc1: {  	_ =	task.clear_ibuf [dreg:s7], $0x2FFFF;
	_ =	strace $0x9FFFFFFF  }
0xc2: {  	(tm) =	ssettm $0x7FFFFFFF  }
0xc3: {  	_ =	shalt  }
tec
execute0_lowered:
.L_overlay_start_1:
0x0: {  	(tag) =	ssettag $0x1  }
0x1: {  	s3 =	rddreg [dreg:$0x0]  }
0x2: {  	s4 =	rddreg [dreg:$0x1];
	s2 =	simm.s32 $0x0  }
0x3: {  	s11 =	simm.s32 $0x100;
	[smem:$0x7FF] =	sst s2  }
0x4: {  	s12 =	simm.s32 $0x180;
	_ =	strace $0x80000047;
	[dreg:$0xe] =	wrdreg s11  }
0x5: {  	s13 =	simm.s32 $0x200;
	[dreg:$0xf] =	wrdreg s12  }
0x6: {  	s14 =	simm.s32 $0x280;
	[dreg:$0x10] =	wrdreg s13  }
0x7: {  	s15 =	simm.s32 $0x300;
	[dreg:$0x11] =	wrdreg s14  }
0x8: {  	s16 =	simm.s32 $0x380;
	[dreg:$0x12] =	wrdreg s15  }
0x9: {  	s17 =	simm.s32 $0x400;
	[dreg:$0x13] =	wrdreg s16  }
0xa: {  	s0 =	srdreg.scid;
	s18 =	simm.s32 $0x480;
	[dreg:$0x14] =	wrdreg s17  }
0xb: {  	s19 =	stileid.u32;
	s20 =	simm.s32 $0x500;
	[dreg:$0x15] =	wrdreg s18  }
0xc: {  	s21 =	simm.s32 $0x580;
	s22 =	simm.s32 $0x600;
	[dreg:$0x16] =	wrdreg s20  }
0xd: {  	s1 =	sand.u32 $0x1, s0;
	s23 =	sshll.u32 s19, $0x1;
	[dreg:$0x17] =	wrdreg s21  }
0xe: {  	s0 =	sor.u32 s1, s23;
	[dreg:$0x18] =	wrdreg s22;
	s23 =	simm.s32 $0x680  }
0xf: {  	s11 =	simm.s32 $0xB80;
	[dreg:$0x19] =	wrdreg s23  }
0x10: {  	s12 =	simm.s32 $0xC00;
	[smem:$0x7E7] =	sst s11  }
0x11: {  	s13 =	simm.s32 $0xC80;
	[smem:$0x7E8] =	sst s12  }
0x12: {  	s14 =	simm.s32 $0xD00;
	[smem:$0x7E9] =	sst s13  }
0x13: {  	s15 =	simm.s32 $0xD80;
	[smem:$0x7EA] =	sst s14  }
0x14: {  	s16 =	simm.s32 $0xE00;
	[smem:$0x7EB] =	sst s15  }
0x15: {  	s17 =	simm.s32 $0xE80;
	[smem:$0x7EC] =	sst s16  }
0x16: {  	s18 =	simm.s32 $0xF00;
	[smem:$0x7ED] =	sst s17  }
0x17: {  	s20 =	simm.s32 $0xF80;
	[smem:$0x7EE] =	sst s18  }
0x18: {  	s21 =	simm.s32 $0x1000;
	[smem:$0x7EF] =	sst s20  }
0x19: {  	s22 =	simm.s32 $0x1080;
	[smem:$0x7F0] =	sst s21  }
0x1a: {  	[smem:$0x7F1] =	sst s22;
	s23 =	simm.s32 $0x1100  }
0x1b: {  	s11 =	simm.s32 $0x1400;
	[smem:$0x7F2] =	sst s23  }
0x1c: {  	s16 =	simm.s32 $0x1480;
	[smem:$0x7F8] =	sst s11  }
0x1d: {  	s17 =	simm.s32 $0x1500;
	[smem:$0x7F9] =	sst s16  }
0x1e: {  	s5 =	smul.u32 $0x320, s0;
	s20 =	simm.s32 $0x1580;
	[smem:$0x7FA] =	sst s17  }
0x1f: {  	s6 =	smul.u32 $0x64000, s0;
	s21 =	simm.s32 $0x1600;
	[smem:$0x7FB] =	sst s20  }
0x20: {  	s0 =	smul.u32 $0xC800, s0;
	s22 =	simm.s32 $0x1680;
	[smem:$0x7FC] =	sst s21  }
0x21: {  	[smem:$0x7FD] =	sst s22  }
0x22: {  	s5 =	sadd.s32 s5, s3;
	s6 =	sshrl.u32 s6, $0x3;
	s0 =	sadd.s32 s4, s0  }
0x23: {  	s5 =	sadd.s32 $0x800, s5;
	s4 =	sadd.s32 s4, s6;
	[dreg:$0x4] =	wrdreg s0  }
0x24: {  	[dreg:$0x3] =	wrdreg s5;
	s24 =	sadd.s32 $0x1400, s4  }
0x25: {  	s31 =	simm.s32 $0x7;
	s25 =	sadd.s32 $0x2800, s4;
	[dreg:$0x5] =	wrdreg s24  }
0x26: {  	s28 =	simm.s32 $0xF900;
	s26 =	sadd.s32 $0x3C00, s4;
	[dreg:$0x6] =	wrdreg s25  }
0x27: {  	s29 =	simm.s32 $0x11900;
	s5 =	sadd.s32 $0x5000, s4;
	[dreg:$0x7] =	wrdreg s26  }
0x28: {  	s30 =	simm.s32 $0x13900;
	s6 =	sadd.s32 $0x6400, s4;
	[dreg:$0x8] =	wrdreg s5  }
0x29: {  	p0 =	por $0x0, $0x0;
	s7 =	sadd.s32 $0x7800, s4;
	[dreg:$0x9] =	wrdreg s6  }
0x2a: {  	s1 =	ssub.s32 $0x2, s1;
	s8 =	sadd.s32 $0x8C00, s4;
	[dreg:$0xa] =	wrdreg s7  }
0x2b: {  	s12 =	simm.s32 $0x3900;
	s9 =	sadd.s32 $0xA000, s4;
	[dreg:$0xb] =	wrdreg s8  }
0x2c: {  	s13 =	simm.s32 $0x5900;
	s10 =	sadd.s32 $0xB400, s4;
	[dreg:$0xc] =	wrdreg s9  }
0x2d: {  	s14 =	simm.s32 $0x7900;
	s4 =	simm.s32 $0x880;
	[dreg:$0xd] =	wrdreg s10  }
0x2e: {  	s15 =	simm.s32 $0x9900;
	s18 =	simm.s32 $0x17900;
	[dreg:$0x1d] =	wrdreg s4  }
0x2f: {  	s23 =	simm.s32 $0x19900;
	s24 =	simm.s32 $0x700;
	s0 =	rddreg [dreg:$0x3]  }
0x30: {  	s17 =	simm.s32 $0x2;
	s25 =	simm.s32 $0x780;
	[dreg:$0x1a] =	wrdreg s24  }
0x31: {  	s16 =	simm.s32 $0x3;
	s26 =	simm.s32 $0x800;
	[dreg:$0x1b] =	wrdreg s25  }
0x32: {  	s11 =	simm.s32 $0x6;
	s5 =	simm.s32 $0x900;
	[dreg:$0x1c] =	wrdreg s26  }
0x33: {  	s21 =	simm.s32 $0x1780;
	s6 =	simm.s32 $0x980;
	[dreg:$0x1e] =	wrdreg s5  }
0x34: {  	s22 =	simm.s32 $0x1800;
	s7 =	simm.s32 $0xA00;
	[dreg:$0x1f] =	wrdreg s6  }
0x35: {  	s20 =	simm.s32 $0x1880;
	s8 =	simm.s32 $0xA80;
	[smem:$0x7E4] =	sst s7  }
0x36: {  	s4 =	sadd.s32 $0x6C00, s3;
	s9 =	simm.s32 $0xB00;
	[smem:$0x7E5] =	sst s8  }
0x37: {  	s10 =	sshrl.u32 s1, $0x1;
	s3 =	simm.s32 $0x1900;
	[smem:$0x7E6] =	sst s9  }
0x38: {  	s1 =	ssub.s32 s1, s10;
	s8 =	simm.s32 $0x80;
	s24 =	simm.s32 $0x1180  }
0x39: {  	s25 =	simm.s32 $0x1200;
	s1 =	smax.u32 s1, $0x1;
	[smem:$0x7F3] =	sst s24  }
0x3a: {  	s5 =	simm.s32 $0x1280;
	[smem:$0x7F4] =	sst s25;
	p1 =	sne.s32 s1, $0x1  }
.Ltmp0:
0x3b: {  	s6 =	simm.s32 $0x1300;
	[smem:$0x7F5] =	sst s5;
	(pc) =	sbr.rel @!p1 .LBB2_1-.Ltmp0, $4  }
0x3c: {  	s9 =	simm.s32 $0xB900;
	s10 =	simm.s32 $0x1380;
	[smem:$0x7F6] =	sst s6  }
0x3d: {  	s26 =	simm.s32 $0xD900;
	s7 =	simm.s32 $0x15900;
	[smem:$0x7F7] =	sst s10  }
0x3e: {  	s24 =	simm.s32 $0x1B900;
	s25 =	simm.s32 $0x1D900;
	s6 =	simm.s32 $0x1  }
0x3f: {  	s5 =	simm.s32 $0x4;
	s10 =	simm.s32 $0x5;
	s1 =	sadd.s32 $0xFFFFFFFF, s1  }
0x40: {  	[tilespmem:s2], [sflag:$0x7] =	stream.linear.gather [hbm4b:s0+s2], $0x1900, $0x38;
	[tilespmem:$0x1F900] =	vst v63  }
0x41: {  	_ =	swait.ge [sflag:s31], $0x1900  }
0x42: {  	[sflag:s31] =	ssyncset.done $0x0  }
0x43: {  	[sflag:s31] =	ssyncadd.s32 $0xFFFFE700  }
0x44: {  	[tilespmem:s3], [sflag:$0x1] =	stream.indirect.gather [hbm4b:s4+s8], $0x40, s2, s8, $0xb8;
	[tilespmem:$0x1F900] =	vst v63  }
0x45: {  	_ = 	snop  }
0x46: {  	[tilespmem:s12], [sflag:$0x1] =	stream.indirect.gather [hbm4b:s4+s8], $0x40, s8, s8, $0xb8;
	[tilespmem:$0x1F900] =	vst v63  }
0x47: {  	s0 =	rddreg [dreg:$0xe]  }
0x48: {  	[tilespmem:s13], [sflag:$0x1] =	stream.indirect.gather [hbm4b:s4+s8], $0x40, s0, s8, $0xb8;
	[tilespmem:$0x1F900] =	vst v63  }
0x49: {  	s19 =	smov.u32 s1;
	s1 =	rddreg [dreg:$0xf]  }
0x4a: {  	[tilespmem:s14], [sflag:$0x1] =	stream.indirect.gather [hbm4b:s4+s8], $0x40, s1, s8, $0xb8;
	[tilespmem:$0x1F900] =	vst v63  }
0x4b: {  	s0 =	rddreg [dreg:$0x10]  }
0x4c: {  	[tilespmem:s15], [sflag:$0x1] =	stream.indirect.gather [hbm4b:s4+s8], $0x40, s0, s8, $0xb8;
	[tilespmem:$0x1F900] =	vst v63  }
0x4d: {  	s1 =	rddreg [dreg:$0x11]  }
0x4e: {  	[tilespmem:s9], [sflag:$0x2] =	stream.indirect.gather [hbm4b:s4+s8], $0x40, s1, s8, $0xb8;
	[tilespmem:$0x1F900] =	vst v63  }
0x4f: {  	s0 =	rddreg [dreg:$0x12]  }
0x50: {  	[tilespmem:s26], [sflag:$0x2] =	stream.indirect.gather [hbm4b:s4+s8], $0x40, s0, s8, $0xb8;
	[tilespmem:$0x1F900] =	vst v63  }
0x51: {  	s1 =	rddreg [dreg:$0x13]  }
0x52: {  	[tilespmem:s28], [sflag:$0x2] =	stream.indirect.gather [hbm4b:s4+s8], $0x40, s1, s8, $0xb8;
	[tilespmem:$0x1F900] =	vst v63  }
0x53: {  	s0 =	rddreg [dreg:$0x14]  }
0x54: {  	[tilespmem:s29], [sflag:$0x2] =	stream.indirect.gather [hbm4b:s4+s8], $0x40, s0, s8, $0xb8;
	[tilespmem:$0x1F900] =	vst v63  }
0x55: {  	s1 =	rddreg [dreg:$0x15]  }
0x56: {  	[tilespmem:s30], [sflag:$0x2] =	stream.indirect.gather [hbm4b:s4+s8], $0x40, s1, s8, $0xb8;
	[tilespmem:$0x1F900] =	vst v63  }
0x57: {  	s0 =	rddreg [dreg:$0x16]  }
0x58: {  	[tilespmem:s7], [sflag:$0x3] =	stream.indirect.gather [hbm4b:s4+s8], $0x40, s0, s8, $0xb8;
	[tilespmem:$0x1F900] =	vst v63  }
0x59: {  	s1 =	rddreg [dreg:$0x17]  }
0x5a: {  	[tilespmem:s18], [sflag:$0x3] =	stream.indirect.gather [hbm4b:s4+s8], $0x40, s1, s8, $0xb8;
	[tilespmem:$0x1F900] =	vst v63  }
0x5b: {  	s0 =	rddreg [dreg:$0x18]  }
0x5c: {  	[tilespmem:s23], [sflag:$0x3] =	stream.indirect.gather [hbm4b:s4+s8], $0x40, s0, s8, $0xb8;
	[tilespmem:$0x1F900] =	vst v63  }
0x5d: {  	s1 =	rddreg [dreg:$0x19]  }
0x5e: {  	[tilespmem:s24], [sflag:$0x3] =	stream.indirect.gather [hbm4b:s4+s8], $0x40, s1, s8, $0xb8;
	[tilespmem:$0x1F900] =	vst v63  }
0x5f: {  	s0 =	rddreg [dreg:$0x1a]  }
0x60: {  	[tilespmem:s25], [sflag:$0x3] =	stream.indirect.gather [hbm4b:s4+s8], $0x40, s0, s8, $0xb8;
	[tilespmem:$0x1F900] =	vst v63  }
0x61: {  	_ =	swait.ge [sflag:s6], $0x2000  }
0x62: {  	[sflag:s6] =	ssyncset.done $0x0  }
0x63: {  	[sflag:s6] =	ssyncadd.s32 $0xFFFFE000  }
0x64: {  	_ =	swait.ge [sflag:s6], $0x2000  }
0x65: {  	[sflag:s6] =	ssyncset.done $0x0  }
0x66: {  	[sflag:s6] =	ssyncadd.s32 $0xFFFFE000  }
0x67: {  	_ =	swait.ge [sflag:s6], $0x2000  }
0x68: {  	[sflag:s6] =	ssyncset.done $0x0  }
0x69: {  	[sflag:s6] =	ssyncadd.s32 $0xFFFFE000  }
0x6a: {  	_ =	swait.ge [sflag:s6], $0x2000  }
0x6b: {  	[sflag:s6] =	ssyncset.done $0x0  }
0x6c: {  	[sflag:s6] =	ssyncadd.s32 $0xFFFFE000  }
0x6d: {  	_ =	swait.ge [sflag:s6], $0x2000  }
0x6e: {  	[sflag:s6] =	ssyncset.done $0x0  }
0x6f: {  	s1 =	rddreg [dreg:$0x4];
	[sflag:s6] =	ssyncadd.s32 $0xFFFFE000  }
0x70: {  	[hbm4b:s1+s2] =	stream.linear.scatter [tilespmem:s3], [sflag:$0x4], $0xA000, $0x38;
	[tilespmem:$0x1F900] =	vst v63  }
0x71: {  	_ =	swait.ge [sflag:s5], $0xA000  }
0x72: {  	[sflag:s5] =	ssyncset.done $0x0  }
0x73: {  	s0 =	rddreg [dreg:$0x1b];
	[sflag:s5] =	ssyncadd.s32 $0xFFFF6000  }
0x74: {  	[tilespmem:s3], [sflag:$0x1] =	stream.indirect.gather [hbm4b:s4+s8], $0x40, s0, s8, $0xb8;
	[tilespmem:$0x1F900] =	vst v63  }
0x75: {  	s1 =	rddreg [dreg:$0x1c]  }
0x76: {  	[tilespmem:s12], [sflag:$0x1] =	stream.indirect.gather [hbm4b:s4+s8], $0x40, s1, s8, $0xb8;
	[tilespmem:$0x1F900] =	vst v63  }
0x77: {  	s0 =	rddreg [dreg:$0x1d]  }
0x78: {  	[tilespmem:s13], [sflag:$0x1] =	stream.indirect.gather [hbm4b:s4+s8], $0x40, s0, s8, $0xb8;
	[tilespmem:$0x1F900] =	vst v63  }
0x79: {  	s1 =	rddreg [dreg:$0x1e]  }
0x7a: {  	[tilespmem:s14], [sflag:$0x1] =	stream.indirect.gather [hbm4b:s4+s8], $0x40, s1, s8, $0xb8;
	[tilespmem:$0x1F900] =	vst v63  }
0x7b: {  	s0 =	rddreg [dreg:$0x1f]  }
0x7c: {  	[tilespmem:s15], [sflag:$0x1] =	stream.indirect.gather [hbm4b:s4+s8], $0x40, s0, s8, $0xb8;
	[tilespmem:$0x1F900] =	vst v63  }
0x7d: {  	_ =	swait.ge [sflag:s17], $0x2000  }
0x7e: {  	[sflag:s17] =	ssyncset.done $0x0  }
0x7f: {  	[sflag:s17] =	ssyncadd.s32 $0xFFFFE000  }
0x80: {  	_ =	swait.ge [sflag:s17], $0x2000  }
0x81: {  	[sflag:s17] =	ssyncset.done $0x0  }
0x82: {  	[sflag:s17] =	ssyncadd.s32 $0xFFFFE000  }
0x83: {  	_ =	swait.ge [sflag:s17], $0x2000  }
0x84: {  	[sflag:s17] =	ssyncset.done $0x0  }
0x85: {  	[sflag:s17] =	ssyncadd.s32 $0xFFFFE000  }
0x86: {  	_ =	swait.ge [sflag:s17], $0x2000  }
0x87: {  	[sflag:s17] =	ssyncset.done $0x0  }
0x88: {  	[sflag:s17] =	ssyncadd.s32 $0xFFFFE000  }
0x89: {  	_ =	swait.ge [sflag:s17], $0x2000  }
0x8a: {  	[sflag:s17] =	ssyncset.done $0x0  }
0x8b: {  	s1 =	rddreg [dreg:$0x5];
	[sflag:s17] =	ssyncadd.s32 $0xFFFFE000  }
0x8c: {  	[hbm4b:s1+s2] =	stream.linear.scatter [tilespmem:s9], [sflag:$0x5], $0xA000, $0x38;
	[tilespmem:$0x1F900] =	vst v63  }
0x8d: {  	_ =	swait.ge [sflag:s10], $0xA000  }
0x8e: {  	s0 =	sld [smem:$0x7E4]  }
0x8f: {  	[sflag:s10] =	ssyncset.done $0x0  }
0x90: {  	s1 =	sld [smem:$0x7E5];
	[sflag:s10] =	ssyncadd.s32 $0xFFFF6000  }
0x91: {  	[tilespmem:s9], [sflag:$0x2] =	stream.indirect.gather [hbm4b:s4+s8], $0x40, s0, s8, $0xb8;
	[tilespmem:$0x1F900] =	vst v63  }
0x92: {  	s0 =	sld [smem:$0x7E6]  }
0x93: {  	[tilespmem:s26], [sflag:$0x2] =	stream.indirect.gather [hbm4b:s4+s8], $0x40, s1, s8, $0xb8;
	[tilespmem:$0x1F900] =	vst v63  }
0x94: {  	s1 =	sld [smem:$0x7E7]  }
0x95: {  	[tilespmem:s28], [sflag:$0x2] =	stream.indirect.gather [hbm4b:s4+s8], $0x40, s0, s8, $0xb8;
	[tilespmem:$0x1F900] =	vst v63  }
0x96: {  	s0 =	sld [smem:$0x7E8]  }
0x97: {  	[tilespmem:s29], [sflag:$0x2] =	stream.indirect.gather [hbm4b:s4+s8], $0x40, s1, s8, $0xb8;
	[tilespmem:$0x1F900] =	vst v63  }
0x98: {  	_ = 	snop  }
0x99: {  	[tilespmem:s30], [sflag:$0x2] =	stream.indirect.gather [hbm4b:s4+s8], $0x40, s0, s8, $0xb8;
	[tilespmem:$0x1F900] =	vst v63  }
0x9a: {  	_ =	swait.ge [sflag:s16], $0x2000  }
0x9b: {  	[sflag:s16] =	ssyncset.done $0x0  }
0x9c: {  	[sflag:s16] =	ssyncadd.s32 $0xFFFFE000  }
0x9d: {  	_ =	swait.ge [sflag:s16], $0x2000  }
0x9e: {  	[sflag:s16] =	ssyncset.done $0x0  }
0x9f: {  	[sflag:s16] =	ssyncadd.s32 $0xFFFFE000  }
0xa0: {  	_ =	swait.ge [sflag:s16], $0x2000  }
0xa1: {  	[sflag:s16] =	ssyncset.done $0x0  }
0xa2: {  	[sflag:s16] =	ssyncadd.s32 $0xFFFFE000  }
0xa3: {  	_ =	swait.ge [sflag:s16], $0x2000  }
0xa4: {  	[sflag:s16] =	ssyncset.done $0x0  }
0xa5: {  	[sflag:s16] =	ssyncadd.s32 $0xFFFFE000  }
0xa6: {  	_ =	swait.ge [sflag:s16], $0x2000  }
0xa7: {  	[sflag:s16] =	ssyncset.done $0x0  }
0xa8: {  	s1 =	rddreg [dreg:$0x6];
	[sflag:s16] =	ssyncadd.s32 $0xFFFFE000  }
0xa9: {  	[hbm4b:s1+s2] =	stream.linear.scatter [tilespmem:s7], [sflag:$0x6], $0xA000, $0x38;
	[tilespmem:$0x1F900] =	vst v63  }
0xaa: {  	_ =	swait.ge [sflag:s11], $0xA000  }
0xab: {  	s0 =	sld [smem:$0x7E9]  }
0xac: {  	[sflag:s11] =	ssyncset.done $0x0  }
0xad: {  	s1 =	sld [smem:$0x7EA];
	[sflag:s11] =	ssyncadd.s32 $0xFFFF6000  }
0xae: {  	[tilespmem:s7], [sflag:$0x3] =	stream.indirect.gather [hbm4b:s4+s8], $0x40, s0, s8, $0xb8;
	[tilespmem:$0x1F900] =	vst v63  }
0xaf: {  	s0 =	sld [smem:$0x7EB]  }
0xb0: {  	[tilespmem:s18], [sflag:$0x3] =	stream.indirect.gather [hbm4b:s4+s8], $0x40, s1, s8, $0xb8;
	[tilespmem:$0x1F900] =	vst v63  }
0xb1: {  	s1 =	sld [smem:$0x7EC]  }
0xb2: {  	[tilespmem:s23], [sflag:$0x3] =	stream.indirect.gather [hbm4b:s4+s8], $0x40, s0, s8, $0xb8;
	[tilespmem:$0x1F900] =	vst v63  }
0xb3: {  	s0 =	sld [smem:$0x7ED]  }
0xb4: {  	[tilespmem:s24], [sflag:$0x3] =	stream.indirect.gather [hbm4b:s4+s8], $0x40, s1, s8, $0xb8;
	[tilespmem:$0x1F900] =	vst v63  }
0xb5: {  	_ = 	snop  }
0xb6: {  	[tilespmem:s25], [sflag:$0x3] =	stream.indirect.gather [hbm4b:s4+s8], $0x40, s0, s8, $0xb8;
	[tilespmem:$0x1F900] =	vst v63  }
0xb7: {  	_ =	swait.ge [sflag:s6], $0x2000  }
0xb8: {  	[sflag:s6] =	ssyncset.done $0x0  }
0xb9: {  	[sflag:s6] =	ssyncadd.s32 $0xFFFFE000  }
0xba: {  	_ =	swait.ge [sflag:s6], $0x2000  }
0xbb: {  	[sflag:s6] =	ssyncset.done $0x0  }
0xbc: {  	[sflag:s6] =	ssyncadd.s32 $0xFFFFE000  }
0xbd: {  	_ =	swait.ge [sflag:s6], $0x2000  }
0xbe: {  	[sflag:s6] =	ssyncset.done $0x0  }
0xbf: {  	[sflag:s6] =	ssyncadd.s32 $0xFFFFE000  }
0xc0: {  	_ =	swait.ge [sflag:s6], $0x2000  }
0xc1: {  	[sflag:s6] =	ssyncset.done $0x0  }
0xc2: {  	[sflag:s6] =	ssyncadd.s32 $0xFFFFE000  }
0xc3: {  	_ =	swait.ge [sflag:s6], $0x2000  }
0xc4: {  	[sflag:s6] =	ssyncset.done $0x0  }
0xc5: {  	s1 =	rddreg [dreg:$0x7];
	[sflag:s6] =	ssyncadd.s32 $0xFFFFE000  }
0xc6: {  	[hbm4b:s1+s2] =	stream.linear.scatter [tilespmem:s3], [sflag:$0x4], $0xA000, $0x38;
	[tilespmem:$0x1F900] =	vst v63  }
0xc7: {  	_ =	swait.ge [sflag:s5], $0xA000  }
0xc8: {  	s0 =	sld [smem:$0x7EE]  }
0xc9: {  	[sflag:s5] =	ssyncset.done $0x0  }
0xca: {  	s1 =	sld [smem:$0x7EF];
	[sflag:s5] =	ssyncadd.s32 $0xFFFF6000  }
0xcb: {  	[tilespmem:s3], [sflag:$0x1] =	stream.indirect.gather [hbm4b:s4+s8], $0x40, s0, s8, $0xb8;
	[tilespmem:$0x1F900] =	vst v63  }
0xcc: {  	s0 =	sld [smem:$0x7F0]  }
0xcd: {  	[tilespmem:s12], [sflag:$0x1] =	stream.indirect.gather [hbm4b:s4+s8], $0x40, s1, s8, $0xb8;
	[tilespmem:$0x1F900] =	vst v63  }
0xce: {  	s1 =	sld [smem:$0x7F1]  }
0xcf: {  	[tilespmem:s13], [sflag:$0x1] =	stream.indirect.gather [hbm4b:s4+s8], $0x40, s0, s8, $0xb8;
	[tilespmem:$0x1F900] =	vst v63  }
0xd0: {  	s0 =	sld [smem:$0x7F2]  }
0xd1: {  	[tilespmem:s14], [sflag:$0x1] =	stream.indirect.gather [hbm4b:s4+s8], $0x40, s1, s8, $0xb8;
	[tilespmem:$0x1F900] =	vst v63  }
0xd2: {  	_ = 	snop  }
0xd3: {  	[tilespmem:s15], [sflag:$0x1] =	stream.indirect.gather [hbm4b:s4+s8], $0x40, s0, s8, $0xb8;
	[tilespmem:$0x1F900] =	vst v63  }
0xd4: {  	_ =	swait.ge [sflag:s17], $0x2000  }
0xd5: {  	[sflag:s17] =	ssyncset.done $0x0  }
0xd6: {  	[sflag:s17] =	ssyncadd.s32 $0xFFFFE000  }
0xd7: {  	_ =	swait.ge [sflag:s17], $0x2000  }
0xd8: {  	[sflag:s17] =	ssyncset.done $0x0  }
0xd9: {  	[sflag:s17] =	ssyncadd.s32 $0xFFFFE000  }
0xda: {  	_ =	swait.ge [sflag:s17], $0x2000  }
0xdb: {  	[sflag:s17] =	ssyncset.done $0x0  }
0xdc: {  	[sflag:s17] =	ssyncadd.s32 $0xFFFFE000  }
0xdd: {  	_ =	swait.ge [sflag:s17], $0x2000  }
0xde: {  	[sflag:s17] =	ssyncset.done $0x0  }
0xdf: {  	[sflag:s17] =	ssyncadd.s32 $0xFFFFE000  }
0xe0: {  	_ =	swait.ge [sflag:s17], $0x2000  }
0xe1: {  	[sflag:s17] =	ssyncset.done $0x0  }
0xe2: {  	s1 =	rddreg [dreg:$0x8];
	[sflag:s17] =	ssyncadd.s32 $0xFFFFE000  }
0xe3: {  	[hbm4b:s1+s2] =	stream.linear.scatter [tilespmem:s9], [sflag:$0x5], $0xA000, $0x38;
	[tilespmem:$0x1F900] =	vst v63  }
0xe4: {  	_ =	swait.ge [sflag:s10], $0xA000  }
0xe5: {  	s0 =	sld [smem:$0x7F3]  }
0xe6: {  	[sflag:s10] =	ssyncset.done $0x0  }
0xe7: {  	s1 =	sld [smem:$0x7F4];
	[sflag:s10] =	ssyncadd.s32 $0xFFFF6000  }
0xe8: {  	[tilespmem:s9], [sflag:$0x2] =	stream.indirect.gather [hbm4b:s4+s8], $0x40, s0, s8, $0xb8;
	[tilespmem:$0x1F900] =	vst v63  }
0xe9: {  	s0 =	sld [smem:$0x7F5]  }
0xea: {  	[tilespmem:s26], [sflag:$0x2] =	stream.indirect.gather [hbm4b:s4+s8], $0x40, s1, s8, $0xb8;
	[tilespmem:$0x1F900] =	vst v63  }
0xeb: {  	s1 =	sld [smem:$0x7F6]  }
0xec: {  	[tilespmem:s28], [sflag:$0x2] =	stream.indirect.gather [hbm4b:s4+s8], $0x40, s0, s8, $0xb8;
	[tilespmem:$0x1F900] =	vst v63  }
0xed: {  	s0 =	sld [smem:$0x7F7]  }
0xee: {  	[tilespmem:s29], [sflag:$0x2] =	stream.indirect.gather [hbm4b:s4+s8], $0x40, s1, s8, $0xb8;
	[tilespmem:$0x1F900] =	vst v63  }
0xef: {  	_ = 	snop  }
0xf0: {  	[tilespmem:s30], [sflag:$0x2] =	stream.indirect.gather [hbm4b:s4+s8], $0x40, s0, s8, $0xb8;
	[tilespmem:$0x1F900] =	vst v63  }
0xf1: {  	_ =	swait.ge [sflag:s16], $0x2000  }
0xf2: {  	[sflag:s16] =	ssyncset.done $0x0  }
0xf3: {  	[sflag:s16] =	ssyncadd.s32 $0xFFFFE000  }
0xf4: {  	_ =	swait.ge [sflag:s16], $0x2000  }
0xf5: {  	[sflag:s16] =	ssyncset.done $0x0  }
0xf6: {  	[sflag:s16] =	ssyncadd.s32 $0xFFFFE000  }
0xf7: {  	_ =	swait.ge [sflag:s16], $0x2000  }
0xf8: {  	[sflag:s16] =	ssyncset.done $0x0  }
0xf9: {  	[sflag:s16] =	ssyncadd.s32 $0xFFFFE000  }
0xfa: {  	_ =	swait.ge [sflag:s16], $0x2000  }
0xfb: {  	[sflag:s16] =	ssyncset.done $0x0  }
0xfc: {  	[sflag:s16] =	ssyncadd.s32 $0xFFFFE000  }
0xfd: {  	_ =	swait.ge [sflag:s16], $0x2000  }
0xfe: {  	[sflag:s16] =	ssyncset.done $0x0  }
0xff: {  	s1 =	rddreg [dreg:$0x9];
	[sflag:s16] =	ssyncadd.s32 $0xFFFFE000  }
0x100: {  	[hbm4b:s1+s2] =	stream.linear.scatter [tilespmem:s7], [sflag:$0x6], $0xA000, $0x38;
	[tilespmem:$0x1F900] =	vst v63  }
0x101: {  	_ =	swait.ge [sflag:s11], $0xA000  }
0x102: {  	s0 =	sld [smem:$0x7F8]  }
0x103: {  	[sflag:s11] =	ssyncset.done $0x0  }
0x104: {  	s1 =	sld [smem:$0x7F9];
	[sflag:s11] =	ssyncadd.s32 $0xFFFF6000  }
0x105: {  	[tilespmem:s7], [sflag:$0x3] =	stream.indirect.gather [hbm4b:s4+s8], $0x40, s0, s8, $0xb8;
	[tilespmem:$0x1F900] =	vst v63  }
0x106: {  	s0 =	sld [smem:$0x7FA]  }
0x107: {  	[tilespmem:s18], [sflag:$0x3] =	stream.indirect.gather [hbm4b:s4+s8], $0x40, s1, s8, $0xb8;
	[tilespmem:$0x1F900] =	vst v63  }
0x108: {  	s1 =	sld [smem:$0x7FB]  }
0x109: {  	[tilespmem:s23], [sflag:$0x3] =	stream.indirect.gather [hbm4b:s4+s8], $0x40, s0, s8, $0xb8;
	[tilespmem:$0x1F900] =	vst v63  }
0x10a: {  	s0 =	sld [smem:$0x7FC]  }
0x10b: {  	[tilespmem:s24], [sflag:$0x3] =	stream.indirect.gather [hbm4b:s4+s8], $0x40, s1, s8, $0xb8;
	[tilespmem:$0x1F900] =	vst v63  }
0x10c: {  	_ = 	snop  }
0x10d: {  	[tilespmem:s25], [sflag:$0x3] =	stream.indirect.gather [hbm4b:s4+s8], $0x40, s0, s8, $0xb8;
	[tilespmem:$0x1F900] =	vst v63  }
0x10e: {  	_ =	swait.ge [sflag:s6], $0x2000  }
0x10f: {  	[sflag:s6] =	ssyncset.done $0x0  }
0x110: {  	[sflag:s6] =	ssyncadd.s32 $0xFFFFE000  }
0x111: {  	_ =	swait.ge [sflag:s6], $0x2000  }
0x112: {  	[sflag:s6] =	ssyncset.done $0x0  }
0x113: {  	[sflag:s6] =	ssyncadd.s32 $0xFFFFE000  }
0x114: {  	_ =	swait.ge [sflag:s6], $0x2000  }
0x115: {  	[sflag:s6] =	ssyncset.done $0x0  }
0x116: {  	[sflag:s6] =	ssyncadd.s32 $0xFFFFE000  }
0x117: {  	_ =	swait.ge [sflag:s6], $0x2000  }
0x118: {  	[sflag:s6] =	ssyncset.done $0x0  }
0x119: {  	[sflag:s6] =	ssyncadd.s32 $0xFFFFE000  }
0x11a: {  	_ =	swait.ge [sflag:s6], $0x2000  }
0x11b: {  	[sflag:s6] =	ssyncset.done $0x0  }
0x11c: {  	s1 =	rddreg [dreg:$0xa];
	[sflag:s6] =	ssyncadd.s32 $0xFFFFE000  }
0x11d: {  	[hbm4b:s1+s2] =	stream.linear.scatter [tilespmem:s3], [sflag:$0x4], $0xA000, $0x38;
	[tilespmem:$0x1F900] =	vst v63  }
0x11e: {  	_ =	swait.ge [sflag:s5], $0xA000  }
0x11f: {  	s1 =	sld [smem:$0x7FD]  }
0x120: {  	[sflag:s5] =	ssyncset.done $0x0  }
0x121: {  	[sflag:s5] =	ssyncadd.s32 $0xFFFF6000  }
0x122: {  	[tilespmem:s3], [sflag:$0x1] =	stream.indirect.gather [hbm4b:s4+s8], $0x40, s1, s8, $0xb8;
	[tilespmem:$0x1F900] =	vst v63  }
0x123: {  	s1 =	simm.s32 $0x1700  }
0x124: {  	[tilespmem:s12], [sflag:$0x1] =	stream.indirect.gather [hbm4b:s4+s8], $0x40, s1, s8, $0xb8;
	[tilespmem:$0x1F900] =	vst v63  }
0x125: {  	_ = 	snop  }
0x126: {  	[tilespmem:s13], [sflag:$0x1] =	stream.indirect.gather [hbm4b:s4+s8], $0x40, s21, s8, $0xb8;
	[tilespmem:$0x1F900] =	vst v63  }
0x127: {  	_ = 	snop  }
0x128: {  	[tilespmem:s14], [sflag:$0x1] =	stream.indirect.gather [hbm4b:s4+s8], $0x40, s22, s8, $0xb8;
	[tilespmem:$0x1F900] =	vst v63  }
0x129: {  	_ = 	snop  }
0x12a: {  	[tilespmem:s15], [sflag:$0x1] =	stream.indirect.gather [hbm4b:s4+s8], $0x40, s20, s8, $0xb8;
	[tilespmem:$0x1F900] =	vst v63  }
0x12b: {  	_ =	swait.ge [sflag:s17], $0x2000  }
0x12c: {  	[sflag:s17] =	ssyncset.done $0x0  }
0x12d: {  	[sflag:s17] =	ssyncadd.s32 $0xFFFFE000  }
0x12e: {  	_ =	swait.ge [sflag:s17], $0x2000  }
0x12f: {  	[sflag:s17] =	ssyncset.done $0x0  }
0x130: {  	[sflag:s17] =	ssyncadd.s32 $0xFFFFE000  }
0x131: {  	_ =	swait.ge [sflag:s17], $0x2000  }
0x132: {  	[sflag:s17] =	ssyncset.done $0x0  }
0x133: {  	[sflag:s17] =	ssyncadd.s32 $0xFFFFE000  }
0x134: {  	_ =	swait.ge [sflag:s17], $0x2000  }
0x135: {  	[sflag:s17] =	ssyncset.done $0x0  }
0x136: {  	[sflag:s17] =	ssyncadd.s32 $0xFFFFE000  }
0x137: {  	_ =	swait.ge [sflag:s17], $0x2000  }
0x138: {  	[sflag:s17] =	ssyncset.done $0x0  }
0x139: {  	s1 =	rddreg [dreg:$0xb];
	[sflag:s17] =	ssyncadd.s32 $0xFFFFE000  }
0x13a: {  	[hbm4b:s1+s2] =	stream.linear.scatter [tilespmem:s9], [sflag:$0x5], $0xA000, $0x38;
	[tilespmem:$0x1F900] =	vst v63  }
0x13b: {  	_ =	swait.ge [sflag:s16], $0x2000  }
0x13c: {  	[sflag:s16] =	ssyncset.done $0x0  }
0x13d: {  	[sflag:s16] =	ssyncadd.s32 $0xFFFFE000  }
0x13e: {  	_ =	swait.ge [sflag:s16], $0x2000  }
0x13f: {  	[sflag:s16] =	ssyncset.done $0x0  }
0x140: {  	[sflag:s16] =	ssyncadd.s32 $0xFFFFE000  }
0x141: {  	_ =	swait.ge [sflag:s16], $0x2000  }
0x142: {  	[sflag:s16] =	ssyncset.done $0x0  }
0x143: {  	[sflag:s16] =	ssyncadd.s32 $0xFFFFE000  }
0x144: {  	_ =	swait.ge [sflag:s16], $0x2000  }
0x145: {  	[sflag:s16] =	ssyncset.done $0x0  }
0x146: {  	[sflag:s16] =	ssyncadd.s32 $0xFFFFE000  }
0x147: {  	_ =	swait.ge [sflag:s16], $0x2000  }
0x148: {  	[sflag:s16] =	ssyncset.done $0x0  }
0x149: {  	s1 =	rddreg [dreg:$0xc];
	[sflag:s16] =	ssyncadd.s32 $0xFFFFE000  }
0x14a: {  	[hbm4b:s1+s2] =	stream.linear.scatter [tilespmem:s7], [sflag:$0x6], $0xA000, $0x38;
	[tilespmem:$0x1F900] =	vst v63  }
0x14b: {  	_ =	swait.ge [sflag:s6], $0x2000  }
0x14c: {  	[sflag:s6] =	ssyncset.done $0x0  }
0x14d: {  	[sflag:s6] =	ssyncadd.s32 $0xFFFFE000  }
0x14e: {  	_ =	swait.ge [sflag:s6], $0x2000  }
0x14f: {  	[sflag:s6] =	ssyncset.done $0x0  }
0x150: {  	[sflag:s6] =	ssyncadd.s32 $0xFFFFE000  }
0x151: {  	_ =	swait.ge [sflag:s6], $0x2000  }
0x152: {  	[sflag:s6] =	ssyncset.done $0x0  }
0x153: {  	[sflag:s6] =	ssyncadd.s32 $0xFFFFE000  }
0x154: {  	_ =	swait.ge [sflag:s6], $0x2000  }
0x155: {  	[sflag:s6] =	ssyncset.done $0x0  }
0x156: {  	[sflag:s6] =	ssyncadd.s32 $0xFFFFE000  }
0x157: {  	_ =	swait.ge [sflag:s6], $0x2000  }
0x158: {  	[sflag:s6] =	ssyncset.done $0x0  }
0x159: {  	s1 =	rddreg [dreg:$0xd];
	[sflag:s6] =	ssyncadd.s32 $0xFFFFE000  }
0x15a: {  	[hbm4b:s1+s2] =	stream.linear.scatter [tilespmem:s3], [sflag:$0x4], $0xA000, $0x38;
	[tilespmem:$0x1F900] =	vst v63  }
0x15b: {  	_ =	swait.ge [sflag:s5], $0xA000  }
0x15c: {  	[sflag:s5] =	ssyncset.done $0x0  }
0x15d: {  	p1 =	sne.s32 s19, $0x1;
	[sflag:s5] =	ssyncadd.s32 $0xFFFF6000  }
.Ltmp1:
0x15e: {  	_ =	swait.ge [sflag:s10], $0xA000;
	(pc) =	sbr.rel @!p1 .LBB2_3-.Ltmp1, $4  }
0x15f: {  	[sflag:s10] =	ssyncset.done $0x0  }
0x160: {  	[sflag:s10] =	ssyncadd.s32 $0xFFFF6000  }
0x161: {  	p0 =	por $0x1, $0x1;
	_ =	swait.ge [sflag:s11], $0xA000  }
0x162: {  	s1 =	sadd.s32 $0xFFFFFFFF, s19;
	s0 =	rddreg [dreg:$0x3];
	[sflag:s11] =	ssyncset.done $0x0  }
.LBB2_4:
0x163: {  	[sflag:s11] =	ssyncadd.s32 $0xFFFF6000  }
0x164: {  	[tilespmem:s2], [sflag:$0x7] =	stream.linear.gather [hbm4b:s0+s2], $0x1900, $0x38;
	[tilespmem:$0x1F900] =	vst v63  }
0x165: {  	_ =	swait.ge [sflag:s31], $0x1900  }
0x166: {  	[sflag:s31] =	ssyncset.done $0x0  }
0x167: {  	[sflag:s31] =	ssyncadd.s32 $0xFFFFE700  }
0x168: {  	[tilespmem:s3], [sflag:$0x1] =	stream.indirect.gather [hbm4b:s4+s8], $0x40, s2, s8, $0xb8;
	[tilespmem:$0x1F900] =	vst v63  }
0x169: {  	_ = 	snop  }
0x16a: {  	[tilespmem:s12], [sflag:$0x1] =	stream.indirect.gather [hbm4b:s4+s8], $0x40, s8, s8, $0xb8;
	[tilespmem:$0x1F900] =	vst v63  }
0x16b: {  	s0 =	rddreg [dreg:$0xe]  }
0x16c: {  	[tilespmem:s13], [sflag:$0x1] =	stream.indirect.gather [hbm4b:s4+s8], $0x40, s0, s8, $0xb8;
	[tilespmem:$0x1F900] =	vst v63  }
0x16d: {  	s19 =	rddreg [dreg:$0xf]  }
0x16e: {  	[tilespmem:s14], [sflag:$0x1] =	stream.indirect.gather [hbm4b:s4+s8], $0x40, s19, s8, $0xb8;
	[tilespmem:$0x1F900] =	vst v63  }
0x16f: {  	s0 =	rddreg [dreg:$0x10]  }
0x170: {  	[tilespmem:s15], [sflag:$0x1] =	stream.indirect.gather [hbm4b:s4+s8], $0x40, s0, s8, $0xb8;
	[tilespmem:$0x1F900] =	vst v63  }
0x171: {  	s19 =	rddreg [dreg:$0x11]  }
0x172: {  	[tilespmem:s9], [sflag:$0x2] =	stream.indirect.gather [hbm4b:s4+s8], $0x40, s19, s8, $0xb8;
	[tilespmem:$0x1F900] =	vst v63  }
0x173: {  	s0 =	rddreg [dreg:$0x12]  }
0x174: {  	[tilespmem:s26], [sflag:$0x2] =	stream.indirect.gather [hbm4b:s4+s8], $0x40, s0, s8, $0xb8;
	[tilespmem:$0x1F900] =	vst v63  }
0x175: {  	s19 =	rddreg [dreg:$0x13]  }
0x176: {  	[tilespmem:s28], [sflag:$0x2] =	stream.indirect.gather [hbm4b:s4+s8], $0x40, s19, s8, $0xb8;
	[tilespmem:$0x1F900] =	vst v63  }
0x177: {  	s0 =	rddreg [dreg:$0x14]  }
0x178: {  	[tilespmem:s29], [sflag:$0x2] =	stream.indirect.gather [hbm4b:s4+s8], $0x40, s0, s8, $0xb8;
	[tilespmem:$0x1F900] =	vst v63  }
0x179: {  	s19 =	rddreg [dreg:$0x15]  }
0x17a: {  	[tilespmem:s30], [sflag:$0x2] =	stream.indirect.gather [hbm4b:s4+s8], $0x40, s19, s8, $0xb8;
	[tilespmem:$0x1F900] =	vst v63  }
0x17b: {  	s0 =	rddreg [dreg:$0x16]  }
0x17c: {  	[tilespmem:s7], [sflag:$0x3] =	stream.indirect.gather [hbm4b:s4+s8], $0x40, s0, s8, $0xb8;
	[tilespmem:$0x1F900] =	vst v63  }
0x17d: {  	s19 =	rddreg [dreg:$0x17]  }
0x17e: {  	[tilespmem:s18], [sflag:$0x3] =	stream.indirect.gather [hbm4b:s4+s8], $0x40, s19, s8, $0xb8;
	[tilespmem:$0x1F900] =	vst v63  }
0x17f: {  	s0 =	rddreg [dreg:$0x18]  }
0x180: {  	[tilespmem:s23], [sflag:$0x3] =	stream.indirect.gather [hbm4b:s4+s8], $0x40, s0, s8, $0xb8;
	[tilespmem:$0x1F900] =	vst v63  }
0x181: {  	s19 =	rddreg [dreg:$0x19]  }
0x182: {  	[tilespmem:s24], [sflag:$0x3] =	stream.indirect.gather [hbm4b:s4+s8], $0x40, s19, s8, $0xb8;
	[tilespmem:$0x1F900] =	vst v63  }
0x183: {  	s0 =	rddreg [dreg:$0x1a]  }
0x184: {  	[tilespmem:s25], [sflag:$0x3] =	stream.indirect.gather [hbm4b:s4+s8], $0x40, s0, s8, $0xb8;
	[tilespmem:$0x1F900] =	vst v63  }
0x185: {  	_ =	swait.ge [sflag:s6], $0x2000  }
0x186: {  	[sflag:s6] =	ssyncset.done $0x0  }
0x187: {  	[sflag:s6] =	ssyncadd.s32 $0xFFFFE000  }
0x188: {  	_ =	swait.ge [sflag:s6], $0x2000  }
0x189: {  	[sflag:s6] =	ssyncset.done $0x0  }
0x18a: {  	[sflag:s6] =	ssyncadd.s32 $0xFFFFE000  }
0x18b: {  	_ =	swait.ge [sflag:s6], $0x2000  }
0x18c: {  	[sflag:s6] =	ssyncset.done $0x0  }
0x18d: {  	[sflag:s6] =	ssyncadd.s32 $0xFFFFE000  }
0x18e: {  	_ =	swait.ge [sflag:s6], $0x2000  }
0x18f: {  	[sflag:s6] =	ssyncset.done $0x0  }
0x190: {  	[sflag:s6] =	ssyncadd.s32 $0xFFFFE000  }
0x191: {  	_ =	swait.ge [sflag:s6], $0x2000  }
0x192: {  	[sflag:s6] =	ssyncset.done $0x0  }
0x193: {  	s19 =	rddreg [dreg:$0x4];
	[sflag:s6] =	ssyncadd.s32 $0xFFFFE000  }
0x194: {  	[hbm4b:s19+s2] =	stream.linear.scatter [tilespmem:s3], [sflag:$0x4], $0xA000, $0x38;
	[tilespmem:$0x1F900] =	vst v63  }
0x195: {  	_ =	swait.ge [sflag:s5], $0xA000  }
0x196: {  	[sflag:s5] =	ssyncset.done $0x0  }
0x197: {  	s0 =	rddreg [dreg:$0x1b];
	[sflag:s5] =	ssyncadd.s32 $0xFFFF6000  }
0x198: {  	[tilespmem:s3], [sflag:$0x1] =	stream.indirect.gather [hbm4b:s4+s8], $0x40, s0, s8, $0xb8;
	[tilespmem:$0x1F900] =	vst v63  }
0x199: {  	s19 =	rddreg [dreg:$0x1c]  }
0x19a: {  	[tilespmem:s12], [sflag:$0x1] =	stream.indirect.gather [hbm4b:s4+s8], $0x40, s19, s8, $0xb8;
	[tilespmem:$0x1F900] =	vst v63  }
0x19b: {  	s0 =	rddreg [dreg:$0x1d]  }
0x19c: {  	[tilespmem:s13], [sflag:$0x1] =	stream.indirect.gather [hbm4b:s4+s8], $0x40, s0, s8, $0xb8;
	[tilespmem:$0x1F900] =	vst v63  }
0x19d: {  	s19 =	rddreg [dreg:$0x1e]  }
0x19e: {  	[tilespmem:s14], [sflag:$0x1] =	stream.indirect.gather [hbm4b:s4+s8], $0x40, s19, s8, $0xb8;
	[tilespmem:$0x1F900] =	vst v63  }
0x19f: {  	s0 =	rddreg [dreg:$0x1f]  }
0x1a0: {  	[tilespmem:s15], [sflag:$0x1] =	stream.indirect.gather [hbm4b:s4+s8], $0x40, s0, s8, $0xb8;
	[tilespmem:$0x1F900] =	vst v63  }
0x1a1: {  	_ =	swait.ge [sflag:s17], $0x2000  }
0x1a2: {  	[sflag:s17] =	ssyncset.done $0x0  }
0x1a3: {  	[sflag:s17] =	ssyncadd.s32 $0xFFFFE000  }
0x1a4: {  	_ =	swait.ge [sflag:s17], $0x2000  }
0x1a5: {  	[sflag:s17] =	ssyncset.done $0x0  }
0x1a6: {  	[sflag:s17] =	ssyncadd.s32 $0xFFFFE000  }
0x1a7: {  	_ =	swait.ge [sflag:s17], $0x2000  }
0x1a8: {  	[sflag:s17] =	ssyncset.done $0x0  }
0x1a9: {  	[sflag:s17] =	ssyncadd.s32 $0xFFFFE000  }
0x1aa: {  	_ =	swait.ge [sflag:s17], $0x2000  }
0x1ab: {  	[sflag:s17] =	ssyncset.done $0x0  }
0x1ac: {  	[sflag:s17] =	ssyncadd.s32 $0xFFFFE000  }
0x1ad: {  	_ =	swait.ge [sflag:s17], $0x2000  }
0x1ae: {  	[sflag:s17] =	ssyncset.done $0x0  }
0x1af: {  	s19 =	rddreg [dreg:$0x5];
	[sflag:s17] =	ssyncadd.s32 $0xFFFFE000  }
0x1b0: {  	[hbm4b:s19+s2] =	stream.linear.scatter [tilespmem:s9], [sflag:$0x5], $0xA000, $0x38;
	[tilespmem:$0x1F900] =	vst v63  }
0x1b1: {  	_ =	swait.ge [sflag:s10], $0xA000  }
0x1b2: {  	s0 =	sld [smem:$0x7E4]  }
0x1b3: {  	[sflag:s10] =	ssyncset.done $0x0  }
0x1b4: {  	s19 =	sld [smem:$0x7E5];
	[sflag:s10] =	ssyncadd.s32 $0xFFFF6000  }
0x1b5: {  	[tilespmem:s9], [sflag:$0x2] =	stream.indirect.gather [hbm4b:s4+s8], $0x40, s0, s8, $0xb8;
	[tilespmem:$0x1F900] =	vst v63  }
0x1b6: {  	s0 =	sld [smem:$0x7E6]  }
0x1b7: {  	[tilespmem:s26], [sflag:$0x2] =	stream.indirect.gather [hbm4b:s4+s8], $0x40, s19, s8, $0xb8;
	[tilespmem:$0x1F900] =	vst v63  }
0x1b8: {  	s19 =	sld [smem:$0x7E7]  }
0x1b9: {  	[tilespmem:s28], [sflag:$0x2] =	stream.indirect.gather [hbm4b:s4+s8], $0x40, s0, s8, $0xb8;
	[tilespmem:$0x1F900] =	vst v63  }
0x1ba: {  	s0 =	sld [smem:$0x7E8]  }
0x1bb: {  	[tilespmem:s29], [sflag:$0x2] =	stream.indirect.gather [hbm4b:s4+s8], $0x40, s19, s8, $0xb8;
	[tilespmem:$0x1F900] =	vst v63  }
0x1bc: {  	_ = 	snop  }
0x1bd: {  	[tilespmem:s30], [sflag:$0x2] =	stream.indirect.gather [hbm4b:s4+s8], $0x40, s0, s8, $0xb8;
	[tilespmem:$0x1F900] =	vst v63  }
0x1be: {  	_ =	swait.ge [sflag:s16], $0x2000  }
0x1bf: {  	[sflag:s16] =	ssyncset.done $0x0  }
0x1c0: {  	[sflag:s16] =	ssyncadd.s32 $0xFFFFE000  }
0x1c1: {  	_ =	swait.ge [sflag:s16], $0x2000  }
0x1c2: {  	[sflag:s16] =	ssyncset.done $0x0  }
0x1c3: {  	[sflag:s16] =	ssyncadd.s32 $0xFFFFE000  }
0x1c4: {  	_ =	swait.ge [sflag:s16], $0x2000  }
0x1c5: {  	[sflag:s16] =	ssyncset.done $0x0  }
0x1c6: {  	[sflag:s16] =	ssyncadd.s32 $0xFFFFE000  }
0x1c7: {  	_ =	swait.ge [sflag:s16], $0x2000  }
0x1c8: {  	[sflag:s16] =	ssyncset.done $0x0  }
0x1c9: {  	[sflag:s16] =	ssyncadd.s32 $0xFFFFE000  }
0x1ca: {  	_ =	swait.ge [sflag:s16], $0x2000  }
0x1cb: {  	[sflag:s16] =	ssyncset.done $0x0  }
0x1cc: {  	s19 =	rddreg [dreg:$0x6];
	[sflag:s16] =	ssyncadd.s32 $0xFFFFE000  }
0x1cd: {  	[hbm4b:s19+s2] =	stream.linear.scatter [tilespmem:s7], [sflag:$0x6], $0xA000, $0x38;
	[tilespmem:$0x1F900] =	vst v63  }
0x1ce: {  	_ =	swait.ge [sflag:s11], $0xA000  }
0x1cf: {  	s0 =	sld [smem:$0x7E9]  }
0x1d0: {  	[sflag:s11] =	ssyncset.done $0x0  }
0x1d1: {  	s19 =	sld [smem:$0x7EA];
	[sflag:s11] =	ssyncadd.s32 $0xFFFF6000  }
0x1d2: {  	[tilespmem:s7], [sflag:$0x3] =	stream.indirect.gather [hbm4b:s4+s8], $0x40, s0, s8, $0xb8;
	[tilespmem:$0x1F900] =	vst v63  }
0x1d3: {  	s0 =	sld [smem:$0x7EB]  }
0x1d4: {  	[tilespmem:s18], [sflag:$0x3] =	stream.indirect.gather [hbm4b:s4+s8], $0x40, s19, s8, $0xb8;
	[tilespmem:$0x1F900] =	vst v63  }
0x1d5: {  	s19 =	sld [smem:$0x7EC]  }
0x1d6: {  	[tilespmem:s23], [sflag:$0x3] =	stream.indirect.gather [hbm4b:s4+s8], $0x40, s0, s8, $0xb8;
	[tilespmem:$0x1F900] =	vst v63  }
0x1d7: {  	s0 =	sld [smem:$0x7ED]  }
0x1d8: {  	[tilespmem:s24], [sflag:$0x3] =	stream.indirect.gather [hbm4b:s4+s8], $0x40, s19, s8, $0xb8;
	[tilespmem:$0x1F900] =	vst v63  }
0x1d9: {  	_ = 	snop  }
0x1da: {  	[tilespmem:s25], [sflag:$0x3] =	stream.indirect.gather [hbm4b:s4+s8], $0x40, s0, s8, $0xb8;
	[tilespmem:$0x1F900] =	vst v63  }
0x1db: {  	_ =	swait.ge [sflag:s6], $0x2000  }
0x1dc: {  	[sflag:s6] =	ssyncset.done $0x0  }
0x1dd: {  	[sflag:s6] =	ssyncadd.s32 $0xFFFFE000  }
0x1de: {  	_ =	swait.ge [sflag:s6], $0x2000  }
0x1df: {  	[sflag:s6] =	ssyncset.done $0x0  }
0x1e0: {  	[sflag:s6] =	ssyncadd.s32 $0xFFFFE000  }
0x1e1: {  	_ =	swait.ge [sflag:s6], $0x2000  }
0x1e2: {  	[sflag:s6] =	ssyncset.done $0x0  }
0x1e3: {  	[sflag:s6] =	ssyncadd.s32 $0xFFFFE000  }
0x1e4: {  	_ =	swait.ge [sflag:s6], $0x2000  }
0x1e5: {  	[sflag:s6] =	ssyncset.done $0x0  }
0x1e6: {  	[sflag:s6] =	ssyncadd.s32 $0xFFFFE000  }
0x1e7: {  	_ =	swait.ge [sflag:s6], $0x2000  }
0x1e8: {  	[sflag:s6] =	ssyncset.done $0x0  }
0x1e9: {  	s19 =	rddreg [dreg:$0x7];
	[sflag:s6] =	ssyncadd.s32 $0xFFFFE000  }
0x1ea: {  	[hbm4b:s19+s2] =	stream.linear.scatter [tilespmem:s3], [sflag:$0x4], $0xA000, $0x38;
	[tilespmem:$0x1F900] =	vst v63  }
0x1eb: {  	_ =	swait.ge [sflag:s5], $0xA000  }
0x1ec: {  	s0 =	sld [smem:$0x7EE]  }
0x1ed: {  	[sflag:s5] =	ssyncset.done $0x0  }
0x1ee: {  	s19 =	sld [smem:$0x7EF];
	[sflag:s5] =	ssyncadd.s32 $0xFFFF6000  }
0x1ef: {  	[tilespmem:s3], [sflag:$0x1] =	stream.indirect.gather [hbm4b:s4+s8], $0x40, s0, s8, $0xb8;
	[tilespmem:$0x1F900] =	vst v63  }
0x1f0: {  	s0 =	sld [smem:$0x7F0]  }
0x1f1: {  	[tilespmem:s12], [sflag:$0x1] =	stream.indirect.gather [hbm4b:s4+s8], $0x40, s19, s8, $0xb8;
	[tilespmem:$0x1F900] =	vst v63  }
0x1f2: {  	s19 =	sld [smem:$0x7F1]  }
0x1f3: {  	[tilespmem:s13], [sflag:$0x1] =	stream.indirect.gather [hbm4b:s4+s8], $0x40, s0, s8, $0xb8;
	[tilespmem:$0x1F900] =	vst v63  }
0x1f4: {  	s0 =	sld [smem:$0x7F2]  }
0x1f5: {  	[tilespmem:s14], [sflag:$0x1] =	stream.indirect.gather [hbm4b:s4+s8], $0x40, s19, s8, $0xb8;
	[tilespmem:$0x1F900] =	vst v63  }
0x1f6: {  	_ = 	snop  }
0x1f7: {  	[tilespmem:s15], [sflag:$0x1] =	stream.indirect.gather [hbm4b:s4+s8], $0x40, s0, s8, $0xb8;
	[tilespmem:$0x1F900] =	vst v63  }
0x1f8: {  	_ =	swait.ge [sflag:s17], $0x2000  }
0x1f9: {  	[sflag:s17] =	ssyncset.done $0x0  }
0x1fa: {  	[sflag:s17] =	ssyncadd.s32 $0xFFFFE000  }
0x1fb: {  	_ =	swait.ge [sflag:s17], $0x2000  }
0x1fc: {  	[sflag:s17] =	ssyncset.done $0x0  }
0x1fd: {  	[sflag:s17] =	ssyncadd.s32 $0xFFFFE000  }
0x1fe: {  	_ =	swait.ge [sflag:s17], $0x2000  }
0x1ff: {  	[sflag:s17] =	ssyncset.done $0x0  }
0x200: {  	[sflag:s17] =	ssyncadd.s32 $0xFFFFE000  }
0x201: {  	_ =	swait.ge [sflag:s17], $0x2000  }
0x202: {  	[sflag:s17] =	ssyncset.done $0x0  }
0x203: {  	[sflag:s17] =	ssyncadd.s32 $0xFFFFE000  }
0x204: {  	_ =	swait.ge [sflag:s17], $0x2000  }
0x205: {  	[sflag:s17] =	ssyncset.done $0x0  }
0x206: {  	s19 =	rddreg [dreg:$0x8];
	[sflag:s17] =	ssyncadd.s32 $0xFFFFE000  }
0x207: {  	[hbm4b:s19+s2] =	stream.linear.scatter [tilespmem:s9], [sflag:$0x5], $0xA000, $0x38;
	[tilespmem:$0x1F900] =	vst v63  }
0x208: {  	_ =	swait.ge [sflag:s10], $0xA000  }
0x209: {  	s0 =	sld [smem:$0x7F3]  }
0x20a: {  	[sflag:s10] =	ssyncset.done $0x0  }
0x20b: {  	s19 =	sld [smem:$0x7F4];
	[sflag:s10] =	ssyncadd.s32 $0xFFFF6000  }
0x20c: {  	[tilespmem:s9], [sflag:$0x2] =	stream.indirect.gather [hbm4b:s4+s8], $0x40, s0, s8, $0xb8;
	[tilespmem:$0x1F900] =	vst v63  }
0x20d: {  	s0 =	sld [smem:$0x7F5]  }
0x20e: {  	[tilespmem:s26], [sflag:$0x2] =	stream.indirect.gather [hbm4b:s4+s8], $0x40, s19, s8, $0xb8;
	[tilespmem:$0x1F900] =	vst v63  }
0x20f: {  	s19 =	sld [smem:$0x7F6]  }
0x210: {  	[tilespmem:s28], [sflag:$0x2] =	stream.indirect.gather [hbm4b:s4+s8], $0x40, s0, s8, $0xb8;
	[tilespmem:$0x1F900] =	vst v63  }
0x211: {  	s0 =	sld [smem:$0x7F7]  }
0x212: {  	[tilespmem:s29], [sflag:$0x2] =	stream.indirect.gather [hbm4b:s4+s8], $0x40, s19, s8, $0xb8;
	[tilespmem:$0x1F900] =	vst v63  }
0x213: {  	_ = 	snop  }
0x214: {  	[tilespmem:s30], [sflag:$0x2] =	stream.indirect.gather [hbm4b:s4+s8], $0x40, s0, s8, $0xb8;
	[tilespmem:$0x1F900] =	vst v63  }
0x215: {  	_ =	swait.ge [sflag:s16], $0x2000  }
0x216: {  	[sflag:s16] =	ssyncset.done $0x0  }
0x217: {  	[sflag:s16] =	ssyncadd.s32 $0xFFFFE000  }
0x218: {  	_ =	swait.ge [sflag:s16], $0x2000  }
0x219: {  	[sflag:s16] =	ssyncset.done $0x0  }
0x21a: {  	[sflag:s16] =	ssyncadd.s32 $0xFFFFE000  }
0x21b: {  	_ =	swait.ge [sflag:s16], $0x2000  }
0x21c: {  	[sflag:s16] =	ssyncset.done $0x0  }
0x21d: {  	[sflag:s16] =	ssyncadd.s32 $0xFFFFE000  }
0x21e: {  	_ =	swait.ge [sflag:s16], $0x2000  }
0x21f: {  	[sflag:s16] =	ssyncset.done $0x0  }
0x220: {  	[sflag:s16] =	ssyncadd.s32 $0xFFFFE000  }
0x221: {  	_ =	swait.ge [sflag:s16], $0x2000  }
0x222: {  	[sflag:s16] =	ssyncset.done $0x0  }
0x223: {  	s19 =	rddreg [dreg:$0x9];
	[sflag:s16] =	ssyncadd.s32 $0xFFFFE000  }
0x224: {  	[hbm4b:s19+s2] =	stream.linear.scatter [tilespmem:s7], [sflag:$0x6], $0xA000, $0x38;
	[tilespmem:$0x1F900] =	vst v63  }
0x225: {  	_ =	swait.ge [sflag:s11], $0xA000  }
0x226: {  	s0 =	sld [smem:$0x7F8]  }
0x227: {  	[sflag:s11] =	ssyncset.done $0x0  }
0x228: {  	s19 =	sld [smem:$0x7F9];
	[sflag:s11] =	ssyncadd.s32 $0xFFFF6000  }
0x229: {  	[tilespmem:s7], [sflag:$0x3] =	stream.indirect.gather [hbm4b:s4+s8], $0x40, s0, s8, $0xb8;
	[tilespmem:$0x1F900] =	vst v63  }
0x22a: {  	s0 =	sld [smem:$0x7FA]  }
0x22b: {  	[tilespmem:s18], [sflag:$0x3] =	stream.indirect.gather [hbm4b:s4+s8], $0x40, s19, s8, $0xb8;
	[tilespmem:$0x1F900] =	vst v63  }
0x22c: {  	s19 =	sld [smem:$0x7FB]  }
0x22d: {  	[tilespmem:s23], [sflag:$0x3] =	stream.indirect.gather [hbm4b:s4+s8], $0x40, s0, s8, $0xb8;
	[tilespmem:$0x1F900] =	vst v63  }
0x22e: {  	s0 =	sld [smem:$0x7FC]  }
0x22f: {  	[tilespmem:s24], [sflag:$0x3] =	stream.indirect.gather [hbm4b:s4+s8], $0x40, s19, s8, $0xb8;
	[tilespmem:$0x1F900] =	vst v63  }
0x230: {  	_ = 	snop  }
0x231: {  	[tilespmem:s25], [sflag:$0x3] =	stream.indirect.gather [hbm4b:s4+s8], $0x40, s0, s8, $0xb8;
	[tilespmem:$0x1F900] =	vst v63  }
0x232: {  	_ =	swait.ge [sflag:s6], $0x2000  }
0x233: {  	[sflag:s6] =	ssyncset.done $0x0  }
0x234: {  	[sflag:s6] =	ssyncadd.s32 $0xFFFFE000  }
0x235: {  	_ =	swait.ge [sflag:s6], $0x2000  }
0x236: {  	[sflag:s6] =	ssyncset.done $0x0  }
0x237: {  	[sflag:s6] =	ssyncadd.s32 $0xFFFFE000  }
0x238: {  	_ =	swait.ge [sflag:s6], $0x2000  }
0x239: {  	[sflag:s6] =	ssyncset.done $0x0  }
0x23a: {  	[sflag:s6] =	ssyncadd.s32 $0xFFFFE000  }
0x23b: {  	_ =	swait.ge [sflag:s6], $0x2000  }
0x23c: {  	[sflag:s6] =	ssyncset.done $0x0  }
0x23d: {  	[sflag:s6] =	ssyncadd.s32 $0xFFFFE000  }
0x23e: {  	_ =	swait.ge [sflag:s6], $0x2000  }
0x23f: {  	[sflag:s6] =	ssyncset.done $0x0  }
0x240: {  	s19 =	rddreg [dreg:$0xa];
	[sflag:s6] =	ssyncadd.s32 $0xFFFFE000  }
0x241: {  	[hbm4b:s19+s2] =	stream.linear.scatter [tilespmem:s3], [sflag:$0x4], $0xA000, $0x38;
	[tilespmem:$0x1F900] =	vst v63  }
0x242: {  	_ =	swait.ge [sflag:s5], $0xA000  }
0x243: {  	s19 =	sld [smem:$0x7FD]  }
0x244: {  	[sflag:s5] =	ssyncset.done $0x0  }
0x245: {  	[sflag:s5] =	ssyncadd.s32 $0xFFFF6000  }
0x246: {  	[tilespmem:s3], [sflag:$0x1] =	stream.indirect.gather [hbm4b:s4+s8], $0x40, s19, s8, $0xb8;
	[tilespmem:$0x1F900] =	vst v63  }
0x247: {  	s19 =	simm.s32 $0x1700  }
0x248: {  	[tilespmem:s12], [sflag:$0x1] =	stream.indirect.gather [hbm4b:s4+s8], $0x40, s19, s8, $0xb8;
	[tilespmem:$0x1F900] =	vst v63  }
0x249: {  	_ = 	snop  }
0x24a: {  	[tilespmem:s13], [sflag:$0x1] =	stream.indirect.gather [hbm4b:s4+s8], $0x40, s21, s8, $0xb8;
	[tilespmem:$0x1F900] =	vst v63  }
0x24b: {  	_ = 	snop  }
0x24c: {  	[tilespmem:s14], [sflag:$0x1] =	stream.indirect.gather [hbm4b:s4+s8], $0x40, s22, s8, $0xb8;
	[tilespmem:$0x1F900] =	vst v63  }
0x24d: {  	_ = 	snop  }
0x24e: {  	[tilespmem:s15], [sflag:$0x1] =	stream.indirect.gather [hbm4b:s4+s8], $0x40, s20, s8, $0xb8;
	[tilespmem:$0x1F900] =	vst v63  }
0x24f: {  	_ =	swait.ge [sflag:s17], $0x2000  }
0x250: {  	[sflag:s17] =	ssyncset.done $0x0  }
0x251: {  	[sflag:s17] =	ssyncadd.s32 $0xFFFFE000  }
0x252: {  	_ =	swait.ge [sflag:s17], $0x2000  }
0x253: {  	[sflag:s17] =	ssyncset.done $0x0  }
0x254: {  	[sflag:s17] =	ssyncadd.s32 $0xFFFFE000  }
0x255: {  	_ =	swait.ge [sflag:s17], $0x2000  }
0x256: {  	[sflag:s17] =	ssyncset.done $0x0  }
0x257: {  	[sflag:s17] =	ssyncadd.s32 $0xFFFFE000  }
0x258: {  	_ =	swait.ge [sflag:s17], $0x2000  }
0x259: {  	[sflag:s17] =	ssyncset.done $0x0  }
0x25a: {  	[sflag:s17] =	ssyncadd.s32 $0xFFFFE000  }
0x25b: {  	_ =	swait.ge [sflag:s17], $0x2000  }
0x25c: {  	[sflag:s17] =	ssyncset.done $0x0  }
0x25d: {  	s19 =	rddreg [dreg:$0xb];
	[sflag:s17] =	ssyncadd.s32 $0xFFFFE000  }
0x25e: {  	[hbm4b:s19+s2] =	stream.linear.scatter [tilespmem:s9], [sflag:$0x5], $0xA000, $0x38;
	[tilespmem:$0x1F900] =	vst v63  }
0x25f: {  	_ =	swait.ge [sflag:s16], $0x2000  }
0x260: {  	[sflag:s16] =	ssyncset.done $0x0  }
0x261: {  	[sflag:s16] =	ssyncadd.s32 $0xFFFFE000  }
0x262: {  	_ =	swait.ge [sflag:s16], $0x2000  }
0x263: {  	[sflag:s16] =	ssyncset.done $0x0  }
0x264: {  	[sflag:s16] =	ssyncadd.s32 $0xFFFFE000  }
0x265: {  	_ =	swait.ge [sflag:s16], $0x2000  }
0x266: {  	[sflag:s16] =	ssyncset.done $0x0  }
0x267: {  	[sflag:s16] =	ssyncadd.s32 $0xFFFFE000  }
0x268: {  	_ =	swait.ge [sflag:s16], $0x2000  }
0x269: {  	[sflag:s16] =	ssyncset.done $0x0  }
0x26a: {  	[sflag:s16] =	ssyncadd.s32 $0xFFFFE000  }
0x26b: {  	_ =	swait.ge [sflag:s16], $0x2000  }
0x26c: {  	[sflag:s16] =	ssyncset.done $0x0  }
0x26d: {  	s19 =	rddreg [dreg:$0xc];
	[sflag:s16] =	ssyncadd.s32 $0xFFFFE000  }
0x26e: {  	[hbm4b:s19+s2] =	stream.linear.scatter [tilespmem:s7], [sflag:$0x6], $0xA000, $0x38;
	[tilespmem:$0x1F900] =	vst v63  }
0x26f: {  	_ =	swait.ge [sflag:s6], $0x2000  }
0x270: {  	[sflag:s6] =	ssyncset.done $0x0  }
0x271: {  	[sflag:s6] =	ssyncadd.s32 $0xFFFFE000  }
0x272: {  	_ =	swait.ge [sflag:s6], $0x2000  }
0x273: {  	[sflag:s6] =	ssyncset.done $0x0  }
0x274: {  	[sflag:s6] =	ssyncadd.s32 $0xFFFFE000  }
0x275: {  	_ =	swait.ge [sflag:s6], $0x2000  }
0x276: {  	[sflag:s6] =	ssyncset.done $0x0  }
0x277: {  	[sflag:s6] =	ssyncadd.s32 $0xFFFFE000  }
0x278: {  	_ =	swait.ge [sflag:s6], $0x2000  }
0x279: {  	[sflag:s6] =	ssyncset.done $0x0  }
0x27a: {  	[sflag:s6] =	ssyncadd.s32 $0xFFFFE000  }
0x27b: {  	_ =	swait.ge [sflag:s6], $0x2000  }
0x27c: {  	[sflag:s6] =	ssyncset.done $0x0  }
0x27d: {  	s19 =	rddreg [dreg:$0xd];
	[sflag:s6] =	ssyncadd.s32 $0xFFFFE000  }
0x27e: {  	[hbm4b:s19+s2] =	stream.linear.scatter [tilespmem:s3], [sflag:$0x4], $0xA000, $0x38;
	[tilespmem:$0x1F900] =	vst v63  }
0x27f: {  	_ =	swait.ge [sflag:s5], $0xA000  }
0x280: {  	[sflag:s5] =	ssyncset.done $0x0  }
0x281: {  	p1 =	sne.s32 s1, $0x1;
	[sflag:s5] =	ssyncadd.s32 $0xFFFF6000  }
.Ltmp2:
0x282: {  	_ =	swait.ge [sflag:s10], $0xA000;
	(pc) =	sbr.rel @p1 .LBB2_4-.Ltmp2, $4  }
0x283: {  	[sflag:s10] =	ssyncset.done $0x0  }
0x284: {  	[sflag:s10] =	ssyncadd.s32 $0xFFFF6000  }
0x285: {  	_ =	swait.ge [sflag:s11], $0xA000  }
0x286: {  	s1 =	sadd.s32 $0xFFFFFFFF, s1;
	s0 =	rddreg [dreg:$0x3];
	[sflag:s11] =	ssyncset.done $0x0  }
0x287: {  	s22 =	simm.s32 $0x1800  }
0x288: {  	s21 =	simm.s32 $0x1780;
	s20 =	simm.s32 $0x1700;
	s19 =	stileid.u32  }
.LBB2_6:
0x289: {  	[sflag:s11] =	ssyncadd.s32 @p0 $0xFFFF6000  }
0x28a: {  	[tilespmem:s2], [sflag:$0x7] =	stream.linear.gather [hbm4b:s0+s2], $0x1900, $0x38;
	[tilespmem:$0x1F900] =	vst v63  }
0x28b: {  	_ =	swait.ge [sflag:s31], $0x1900  }
0x28c: {  	[sflag:s31] =	ssyncset.done $0x0  }
0x28d: {  	[sflag:s31] =	ssyncadd.s32 $0xFFFFE700  }
0x28e: {  	[tilespmem:s3], [sflag:$0x1] =	stream.indirect.gather [hbm4b:s4+s8], $0x40, s2, s8, $0xb8;
	[tilespmem:$0x1F900] =	vst v63  }
0x28f: {  	_ = 	snop  }
0x290: {  	[tilespmem:s12], [sflag:$0x1] =	stream.indirect.gather [hbm4b:s4+s8], $0x40, s8, s8, $0xb8;
	[tilespmem:$0x1F900] =	vst v63  }
0x291: {  	s31 =	rddreg [dreg:$0xe]  }
0x292: {  	[tilespmem:s13], [sflag:$0x1] =	stream.indirect.gather [hbm4b:s4+s8], $0x40, s31, s8, $0xb8;
	[tilespmem:$0x1F900] =	vst v63  }
0x293: {  	s1 =	rddreg [dreg:$0xf]  }
0x294: {  	[tilespmem:s14], [sflag:$0x1] =	stream.indirect.gather [hbm4b:s4+s8], $0x40, s1, s8, $0xb8;
	[tilespmem:$0x1F900] =	vst v63  }
0x295: {  	s31 =	rddreg [dreg:$0x10]  }
0x296: {  	[tilespmem:s15], [sflag:$0x1] =	stream.indirect.gather [hbm4b:s4+s8], $0x40, s31, s8, $0xb8;
	[tilespmem:$0x1F900] =	vst v63  }
0x297: {  	s1 =	rddreg [dreg:$0x11]  }
0x298: {  	[tilespmem:s9], [sflag:$0x2] =	stream.indirect.gather [hbm4b:s4+s8], $0x40, s1, s8, $0xb8;
	[tilespmem:$0x1F900] =	vst v63  }
0x299: {  	s31 =	rddreg [dreg:$0x12]  }
0x29a: {  	[tilespmem:s26], [sflag:$0x2] =	stream.indirect.gather [hbm4b:s4+s8], $0x40, s31, s8, $0xb8;
	[tilespmem:$0x1F900] =	vst v63  }
0x29b: {  	s1 =	rddreg [dreg:$0x13]  }
0x29c: {  	[tilespmem:s28], [sflag:$0x2] =	stream.indirect.gather [hbm4b:s4+s8], $0x40, s1, s8, $0xb8;
	[tilespmem:$0x1F900] =	vst v63  }
0x29d: {  	s31 =	rddreg [dreg:$0x14]  }
0x29e: {  	[tilespmem:s29], [sflag:$0x2] =	stream.indirect.gather [hbm4b:s4+s8], $0x40, s31, s8, $0xb8;
	[tilespmem:$0x1F900] =	vst v63  }
0x29f: {  	s1 =	rddreg [dreg:$0x15]  }
0x2a0: {  	[tilespmem:s30], [sflag:$0x2] =	stream.indirect.gather [hbm4b:s4+s8], $0x40, s1, s8, $0xb8;
	[tilespmem:$0x1F900] =	vst v63  }
0x2a1: {  	s31 =	rddreg [dreg:$0x16]  }
0x2a2: {  	[tilespmem:s7], [sflag:$0x3] =	stream.indirect.gather [hbm4b:s4+s8], $0x40, s31, s8, $0xb8;
	[tilespmem:$0x1F900] =	vst v63  }
0x2a3: {  	s1 =	rddreg [dreg:$0x17]  }
0x2a4: {  	[tilespmem:s18], [sflag:$0x3] =	stream.indirect.gather [hbm4b:s4+s8], $0x40, s1, s8, $0xb8;
	[tilespmem:$0x1F900] =	vst v63  }
0x2a5: {  	s31 =	rddreg [dreg:$0x18]  }
0x2a6: {  	[tilespmem:s23], [sflag:$0x3] =	stream.indirect.gather [hbm4b:s4+s8], $0x40, s31, s8, $0xb8;
	[tilespmem:$0x1F900] =	vst v63  }
0x2a7: {  	s1 =	rddreg [dreg:$0x19]  }
0x2a8: {  	[tilespmem:s24], [sflag:$0x3] =	stream.indirect.gather [hbm4b:s4+s8], $0x40, s1, s8, $0xb8;
	[tilespmem:$0x1F900] =	vst v63  }
0x2a9: {  	s31 =	rddreg [dreg:$0x1a]  }
0x2aa: {  	[tilespmem:s25], [sflag:$0x3] =	stream.indirect.gather [hbm4b:s4+s8], $0x40, s31, s8, $0xb8;
	[tilespmem:$0x1F900] =	vst v63  }
0x2ab: {  	_ =	swait.ge [sflag:s6], $0x2000  }
0x2ac: {  	[sflag:s6] =	ssyncset.done $0x0  }
0x2ad: {  	[sflag:s6] =	ssyncadd.s32 $0xFFFFE000  }
0x2ae: {  	_ =	swait.ge [sflag:s6], $0x2000  }
0x2af: {  	[sflag:s6] =	ssyncset.done $0x0  }
0x2b0: {  	[sflag:s6] =	ssyncadd.s32 $0xFFFFE000  }
0x2b1: {  	_ =	swait.ge [sflag:s6], $0x2000  }
0x2b2: {  	[sflag:s6] =	ssyncset.done $0x0  }
0x2b3: {  	[sflag:s6] =	ssyncadd.s32 $0xFFFFE000  }
0x2b4: {  	_ =	swait.ge [sflag:s6], $0x2000  }
0x2b5: {  	[sflag:s6] =	ssyncset.done $0x0  }
0x2b6: {  	[sflag:s6] =	ssyncadd.s32 $0xFFFFE000  }
0x2b7: {  	_ =	swait.ge [sflag:s6], $0x2000  }
0x2b8: {  	[sflag:s6] =	ssyncset.done $0x0  }
0x2b9: {  	s1 =	rddreg [dreg:$0x4];
	[sflag:s6] =	ssyncadd.s32 $0xFFFFE000  }
0x2ba: {  	[hbm4b:s1+s2] =	stream.linear.scatter [tilespmem:s3], [sflag:$0x4], $0xA000, $0x38;
	[tilespmem:$0x1F900] =	vst v63  }
0x2bb: {  	_ =	swait.ge [sflag:s5], $0xA000  }
0x2bc: {  	[sflag:s5] =	ssyncset.done $0x0  }
0x2bd: {  	s31 =	rddreg [dreg:$0x1b];
	[sflag:s5] =	ssyncadd.s32 $0xFFFF6000  }
0x2be: {  	[tilespmem:s3], [sflag:$0x1] =	stream.indirect.gather [hbm4b:s4+s8], $0x40, s31, s8, $0xb8;
	[tilespmem:$0x1F900] =	vst v63  }
0x2bf: {  	s1 =	rddreg [dreg:$0x1c]  }
0x2c0: {  	[tilespmem:s12], [sflag:$0x1] =	stream.indirect.gather [hbm4b:s4+s8], $0x40, s1, s8, $0xb8;
	[tilespmem:$0x1F900] =	vst v63  }
0x2c1: {  	s31 =	rddreg [dreg:$0x1d]  }
0x2c2: {  	[tilespmem:s13], [sflag:$0x1] =	stream.indirect.gather [hbm4b:s4+s8], $0x40, s31, s8, $0xb8;
	[tilespmem:$0x1F900] =	vst v63  }
0x2c3: {  	s1 =	rddreg [dreg:$0x1e]  }
0x2c4: {  	[tilespmem:s14], [sflag:$0x1] =	stream.indirect.gather [hbm4b:s4+s8], $0x40, s1, s8, $0xb8;
	[tilespmem:$0x1F900] =	vst v63  }
0x2c5: {  	s31 =	rddreg [dreg:$0x1f]  }
0x2c6: {  	[tilespmem:s15], [sflag:$0x1] =	stream.indirect.gather [hbm4b:s4+s8], $0x40, s31, s8, $0xb8;
	[tilespmem:$0x1F900] =	vst v63  }
0x2c7: {  	_ =	swait.ge [sflag:s17], $0x2000  }
0x2c8: {  	[sflag:s17] =	ssyncset.done $0x0  }
0x2c9: {  	[sflag:s17] =	ssyncadd.s32 $0xFFFFE000  }
0x2ca: {  	_ =	swait.ge [sflag:s17], $0x2000  }
0x2cb: {  	[sflag:s17] =	ssyncset.done $0x0  }
0x2cc: {  	[sflag:s17] =	ssyncadd.s32 $0xFFFFE000  }
0x2cd: {  	_ =	swait.ge [sflag:s17], $0x2000  }
0x2ce: {  	[sflag:s17] =	ssyncset.done $0x0  }
0x2cf: {  	[sflag:s17] =	ssyncadd.s32 $0xFFFFE000  }
0x2d0: {  	_ =	swait.ge [sflag:s17], $0x2000  }
0x2d1: {  	[sflag:s17] =	ssyncset.done $0x0  }
0x2d2: {  	[sflag:s17] =	ssyncadd.s32 $0xFFFFE000  }
0x2d3: {  	_ =	swait.ge [sflag:s17], $0x2000  }
0x2d4: {  	[sflag:s17] =	ssyncset.done $0x0  }
0x2d5: {  	s1 =	rddreg [dreg:$0x5];
	[sflag:s17] =	ssyncadd.s32 $0xFFFFE000  }
0x2d6: {  	[hbm4b:s1+s2] =	stream.linear.scatter [tilespmem:s9], [sflag:$0x5], $0xA000, $0x38;
	[tilespmem:$0x1F900] =	vst v63  }
0x2d7: {  	_ =	swait.ge [sflag:s10], $0xA000  }
0x2d8: {  	s31 =	sld [smem:$0x7E4]  }
0x2d9: {  	[sflag:s10] =	ssyncset.done $0x0  }
0x2da: {  	s1 =	sld [smem:$0x7E5];
	[sflag:s10] =	ssyncadd.s32 $0xFFFF6000  }
0x2db: {  	[tilespmem:s9], [sflag:$0x2] =	stream.indirect.gather [hbm4b:s4+s8], $0x40, s31, s8, $0xb8;
	[tilespmem:$0x1F900] =	vst v63  }
0x2dc: {  	s31 =	sld [smem:$0x7E6]  }
0x2dd: {  	[tilespmem:s26], [sflag:$0x2] =	stream.indirect.gather [hbm4b:s4+s8], $0x40, s1, s8, $0xb8;
	[tilespmem:$0x1F900] =	vst v63  }
0x2de: {  	s1 =	sld [smem:$0x7E7]  }
0x2df: {  	[tilespmem:s28], [sflag:$0x2] =	stream.indirect.gather [hbm4b:s4+s8], $0x40, s31, s8, $0xb8;
	[tilespmem:$0x1F900] =	vst v63  }
0x2e0: {  	s31 =	sld [smem:$0x7E8]  }
0x2e1: {  	[tilespmem:s29], [sflag:$0x2] =	stream.indirect.gather [hbm4b:s4+s8], $0x40, s1, s8, $0xb8;
	[tilespmem:$0x1F900] =	vst v63  }
0x2e2: {  	_ = 	snop  }
0x2e3: {  	[tilespmem:s30], [sflag:$0x2] =	stream.indirect.gather [hbm4b:s4+s8], $0x40, s31, s8, $0xb8;
	[tilespmem:$0x1F900] =	vst v63  }
0x2e4: {  	_ =	swait.ge [sflag:s16], $0x2000  }
0x2e5: {  	[sflag:s16] =	ssyncset.done $0x0  }
0x2e6: {  	[sflag:s16] =	ssyncadd.s32 $0xFFFFE000  }
0x2e7: {  	_ =	swait.ge [sflag:s16], $0x2000  }
0x2e8: {  	[sflag:s16] =	ssyncset.done $0x0  }
0x2e9: {  	[sflag:s16] =	ssyncadd.s32 $0xFFFFE000  }
0x2ea: {  	_ =	swait.ge [sflag:s16], $0x2000  }
0x2eb: {  	[sflag:s16] =	ssyncset.done $0x0  }
0x2ec: {  	[sflag:s16] =	ssyncadd.s32 $0xFFFFE000  }
0x2ed: {  	_ =	swait.ge [sflag:s16], $0x2000  }
0x2ee: {  	[sflag:s16] =	ssyncset.done $0x0  }
0x2ef: {  	[sflag:s16] =	ssyncadd.s32 $0xFFFFE000  }
0x2f0: {  	_ =	swait.ge [sflag:s16], $0x2000  }
0x2f1: {  	[sflag:s16] =	ssyncset.done $0x0  }
0x2f2: {  	s1 =	rddreg [dreg:$0x6];
	[sflag:s16] =	ssyncadd.s32 $0xFFFFE000  }
0x2f3: {  	[hbm4b:s1+s2] =	stream.linear.scatter [tilespmem:s7], [sflag:$0x6], $0xA000, $0x38;
	[tilespmem:$0x1F900] =	vst v63  }
0x2f4: {  	_ =	swait.ge [sflag:s11], $0xA000  }
0x2f5: {  	s31 =	sld [smem:$0x7E9]  }
0x2f6: {  	[sflag:s11] =	ssyncset.done $0x0  }
0x2f7: {  	s1 =	sld [smem:$0x7EA];
	[sflag:s11] =	ssyncadd.s32 $0xFFFF6000  }
0x2f8: {  	[tilespmem:s7], [sflag:$0x3] =	stream.indirect.gather [hbm4b:s4+s8], $0x40, s31, s8, $0xb8;
	[tilespmem:$0x1F900] =	vst v63  }
0x2f9: {  	s31 =	sld [smem:$0x7EB]  }
0x2fa: {  	[tilespmem:s18], [sflag:$0x3] =	stream.indirect.gather [hbm4b:s4+s8], $0x40, s1, s8, $0xb8;
	[tilespmem:$0x1F900] =	vst v63  }
0x2fb: {  	s1 =	sld [smem:$0x7EC]  }
0x2fc: {  	[tilespmem:s23], [sflag:$0x3] =	stream.indirect.gather [hbm4b:s4+s8], $0x40, s31, s8, $0xb8;
	[tilespmem:$0x1F900] =	vst v63  }
0x2fd: {  	s31 =	sld [smem:$0x7ED]  }
0x2fe: {  	[tilespmem:s24], [sflag:$0x3] =	stream.indirect.gather [hbm4b:s4+s8], $0x40, s1, s8, $0xb8;
	[tilespmem:$0x1F900] =	vst v63  }
0x2ff: {  	_ = 	snop  }
0x300: {  	[tilespmem:s25], [sflag:$0x3] =	stream.indirect.gather [hbm4b:s4+s8], $0x40, s31, s8, $0xb8;
	[tilespmem:$0x1F900] =	vst v63  }
0x301: {  	_ =	swait.ge [sflag:s6], $0x2000  }
0x302: {  	[sflag:s6] =	ssyncset.done $0x0  }
0x303: {  	[sflag:s6] =	ssyncadd.s32 $0xFFFFE000  }
0x304: {  	_ =	swait.ge [sflag:s6], $0x2000  }
0x305: {  	[sflag:s6] =	ssyncset.done $0x0  }
0x306: {  	[sflag:s6] =	ssyncadd.s32 $0xFFFFE000  }
0x307: {  	_ =	swait.ge [sflag:s6], $0x2000  }
0x308: {  	[sflag:s6] =	ssyncset.done $0x0  }
0x309: {  	[sflag:s6] =	ssyncadd.s32 $0xFFFFE000  }
0x30a: {  	_ =	swait.ge [sflag:s6], $0x2000  }
0x30b: {  	[sflag:s6] =	ssyncset.done $0x0  }
0x30c: {  	[sflag:s6] =	ssyncadd.s32 $0xFFFFE000  }
0x30d: {  	_ =	swait.ge [sflag:s6], $0x2000  }
0x30e: {  	[sflag:s6] =	ssyncset.done $0x0  }
0x30f: {  	s1 =	rddreg [dreg:$0x7];
	[sflag:s6] =	ssyncadd.s32 $0xFFFFE000  }
0x310: {  	[hbm4b:s1+s2] =	stream.linear.scatter [tilespmem:s3], [sflag:$0x4], $0xA000, $0x38;
	[tilespmem:$0x1F900] =	vst v63  }
0x311: {  	_ =	swait.ge [sflag:s5], $0xA000  }
0x312: {  	s31 =	sld [smem:$0x7EE]  }
0x313: {  	[sflag:s5] =	ssyncset.done $0x0  }
0x314: {  	s1 =	sld [smem:$0x7EF];
	[sflag:s5] =	ssyncadd.s32 $0xFFFF6000  }
0x315: {  	[tilespmem:s3], [sflag:$0x1] =	stream.indirect.gather [hbm4b:s4+s8], $0x40, s31, s8, $0xb8;
	[tilespmem:$0x1F900] =	vst v63  }
0x316: {  	s31 =	sld [smem:$0x7F0]  }
0x317: {  	[tilespmem:s12], [sflag:$0x1] =	stream.indirect.gather [hbm4b:s4+s8], $0x40, s1, s8, $0xb8;
	[tilespmem:$0x1F900] =	vst v63  }
0x318: {  	s1 =	sld [smem:$0x7F1]  }
0x319: {  	[tilespmem:s13], [sflag:$0x1] =	stream.indirect.gather [hbm4b:s4+s8], $0x40, s31, s8, $0xb8;
	[tilespmem:$0x1F900] =	vst v63  }
0x31a: {  	s31 =	sld [smem:$0x7F2]  }
0x31b: {  	[tilespmem:s14], [sflag:$0x1] =	stream.indirect.gather [hbm4b:s4+s8], $0x40, s1, s8, $0xb8;
	[tilespmem:$0x1F900] =	vst v63  }
0x31c: {  	_ = 	snop  }
0x31d: {  	[tilespmem:s15], [sflag:$0x1] =	stream.indirect.gather [hbm4b:s4+s8], $0x40, s31, s8, $0xb8;
	[tilespmem:$0x1F900] =	vst v63  }
0x31e: {  	_ =	swait.ge [sflag:s17], $0x2000  }
0x31f: {  	[sflag:s17] =	ssyncset.done $0x0  }
0x320: {  	[sflag:s17] =	ssyncadd.s32 $0xFFFFE000  }
0x321: {  	_ =	swait.ge [sflag:s17], $0x2000  }
0x322: {  	[sflag:s17] =	ssyncset.done $0x0  }
0x323: {  	[sflag:s17] =	ssyncadd.s32 $0xFFFFE000  }
0x324: {  	_ =	swait.ge [sflag:s17], $0x2000  }
0x325: {  	[sflag:s17] =	ssyncset.done $0x0  }
0x326: {  	[sflag:s17] =	ssyncadd.s32 $0xFFFFE000  }
0x327: {  	_ =	swait.ge [sflag:s17], $0x2000  }
0x328: {  	[sflag:s17] =	ssyncset.done $0x0  }
0x329: {  	[sflag:s17] =	ssyncadd.s32 $0xFFFFE000  }
0x32a: {  	_ =	swait.ge [sflag:s17], $0x2000  }
0x32b: {  	[sflag:s17] =	ssyncset.done $0x0  }
0x32c: {  	s31 =	rddreg [dreg:$0x8];
	[sflag:s17] =	ssyncadd.s32 $0xFFFFE000  }
0x32d: {  	[hbm4b:s31+s2] =	stream.linear.scatter [tilespmem:s9], [sflag:$0x5], $0xA000, $0x38;
	[tilespmem:$0x1F900] =	vst v63  }
0x32e: {  	_ =	swait.ge [sflag:s10], $0xA000  }
0x32f: {  	s1 =	sld [smem:$0x7F3]  }
0x330: {  	[sflag:s10] =	ssyncset.done $0x0  }
0x331: {  	s31 =	sld [smem:$0x7F4];
	[sflag:s10] =	ssyncadd.s32 $0xFFFF6000  }
0x332: {  	[tilespmem:s9], [sflag:$0x2] =	stream.indirect.gather [hbm4b:s4+s8], $0x40, s1, s8, $0xb8;
	[tilespmem:$0x1F900] =	vst v63  }
0x333: {  	s0 =	sld [smem:$0x7F5]  }
0x334: {  	[tilespmem:s26], [sflag:$0x2] =	stream.indirect.gather [hbm4b:s4+s8], $0x40, s31, s8, $0xb8;
	[tilespmem:$0x1F900] =	vst v63  }
0x335: {  	s31 =	sld [smem:$0x7F6]  }
0x336: {  	[tilespmem:s28], [sflag:$0x2] =	stream.indirect.gather [hbm4b:s4+s8], $0x40, s0, s8, $0xb8;
	[tilespmem:$0x1F900] =	vst v63  }
0x337: {  	s26 =	sld [smem:$0x7F7]  }
0x338: {  	[tilespmem:s29], [sflag:$0x2] =	stream.indirect.gather [hbm4b:s4+s8], $0x40, s31, s8, $0xb8;
	[tilespmem:$0x1F900] =	vst v63  }
0x339: {  	_ = 	snop  }
0x33a: {  	[tilespmem:s30], [sflag:$0x2] =	stream.indirect.gather [hbm4b:s4+s8], $0x40, s26, s8, $0xb8;
	[tilespmem:$0x1F900] =	vst v63  }
0x33b: {  	_ =	swait.ge [sflag:s16], $0x2000  }
0x33c: {  	[sflag:s16] =	ssyncset.done $0x0  }
0x33d: {  	[sflag:s16] =	ssyncadd.s32 $0xFFFFE000  }
0x33e: {  	_ =	swait.ge [sflag:s16], $0x2000  }
0x33f: {  	[sflag:s16] =	ssyncset.done $0x0  }
0x340: {  	[sflag:s16] =	ssyncadd.s32 $0xFFFFE000  }
0x341: {  	_ =	swait.ge [sflag:s16], $0x2000  }
0x342: {  	[sflag:s16] =	ssyncset.done $0x0  }
0x343: {  	[sflag:s16] =	ssyncadd.s32 $0xFFFFE000  }
0x344: {  	_ =	swait.ge [sflag:s16], $0x2000  }
0x345: {  	[sflag:s16] =	ssyncset.done $0x0  }
0x346: {  	[sflag:s16] =	ssyncadd.s32 $0xFFFFE000  }
0x347: {  	_ =	swait.ge [sflag:s16], $0x2000  }
0x348: {  	[sflag:s16] =	ssyncset.done $0x0  }
0x349: {  	s28 =	rddreg [dreg:$0x9];
	[sflag:s16] =	ssyncadd.s32 $0xFFFFE000  }
0x34a: {  	[hbm4b:s28+s2] =	stream.linear.scatter [tilespmem:s7], [sflag:$0x6], $0xA000, $0x38;
	[tilespmem:$0x1F900] =	vst v63  }
0x34b: {  	_ =	swait.ge [sflag:s11], $0xA000  }
0x34c: {  	s29 =	sld [smem:$0x7F8]  }
0x34d: {  	[sflag:s11] =	ssyncset.done $0x0  }
0x34e: {  	s30 =	sld [smem:$0x7F9];
	[sflag:s11] =	ssyncadd.s32 $0xFFFF6000  }
0x34f: {  	[tilespmem:s7], [sflag:$0x3] =	stream.indirect.gather [hbm4b:s4+s8], $0x40, s29, s8, $0xb8;
	[tilespmem:$0x1F900] =	vst v63  }
0x350: {  	s31 =	sld [smem:$0x7FA]  }
0x351: {  	[tilespmem:s18], [sflag:$0x3] =	stream.indirect.gather [hbm4b:s4+s8], $0x40, s30, s8, $0xb8;
	[tilespmem:$0x1F900] =	vst v63  }
0x352: {  	s18 =	sld [smem:$0x7FB]  }
0x353: {  	[tilespmem:s23], [sflag:$0x3] =	stream.indirect.gather [hbm4b:s4+s8], $0x40, s31, s8, $0xb8;
	[tilespmem:$0x1F900] =	vst v63  }
0x354: {  	s23 =	sld [smem:$0x7FC]  }
0x355: {  	[tilespmem:s24], [sflag:$0x3] =	stream.indirect.gather [hbm4b:s4+s8], $0x40, s18, s8, $0xb8;
	[tilespmem:$0x1F900] =	vst v63  }
0x356: {  	_ = 	snop  }
0x357: {  	[tilespmem:s25], [sflag:$0x3] =	stream.indirect.gather [hbm4b:s4+s8], $0x40, s23, s8, $0xb8;
	[tilespmem:$0x1F900] =	vst v63  }
0x358: {  	_ =	swait.ge [sflag:s6], $0x2000  }
0x359: {  	[sflag:s6] =	ssyncset.done $0x0  }
0x35a: {  	[sflag:s6] =	ssyncadd.s32 $0xFFFFE000  }
0x35b: {  	_ =	swait.ge [sflag:s6], $0x2000  }
0x35c: {  	[sflag:s6] =	ssyncset.done $0x0  }
0x35d: {  	[sflag:s6] =	ssyncadd.s32 $0xFFFFE000  }
0x35e: {  	_ =	swait.ge [sflag:s6], $0x2000  }
0x35f: {  	[sflag:s6] =	ssyncset.done $0x0  }
0x360: {  	[sflag:s6] =	ssyncadd.s32 $0xFFFFE000  }
0x361: {  	_ =	swait.ge [sflag:s6], $0x2000  }
0x362: {  	[sflag:s6] =	ssyncset.done $0x0  }
0x363: {  	[sflag:s6] =	ssyncadd.s32 $0xFFFFE000  }
0x364: {  	_ =	swait.ge [sflag:s6], $0x2000  }
0x365: {  	[sflag:s6] =	ssyncset.done $0x0  }
0x366: {  	s25 =	rddreg [dreg:$0xa];
	[sflag:s6] =	ssyncadd.s32 $0xFFFFE000  }
0x367: {  	[hbm4b:s25+s2] =	stream.linear.scatter [tilespmem:s3], [sflag:$0x4], $0xA000, $0x38;
	[tilespmem:$0x1F900] =	vst v63  }
0x368: {  	_ =	swait.ge [sflag:s5], $0xA000  }
0x369: {  	s26 =	sld [smem:$0x7FD]  }
0x36a: {  	[sflag:s5] =	ssyncset.done $0x0  }
0x36b: {  	[sflag:s5] =	ssyncadd.s32 $0xFFFF6000  }
0x36c: {  	[tilespmem:s3], [sflag:$0x1] =	stream.indirect.gather [hbm4b:s4+s8], $0x40, s26, s8, $0xb8;
	[tilespmem:$0x1F900] =	vst v63  }
0x36d: {  	_ = 	snop  }
0x36e: {  	[tilespmem:s12], [sflag:$0x1] =	stream.indirect.gather [hbm4b:s4+s8], $0x40, s20, s8, $0xb8;
	[tilespmem:$0x1F900] =	vst v63  }
0x36f: {  	_ = 	snop  }
0x370: {  	[tilespmem:s13], [sflag:$0x1] =	stream.indirect.gather [hbm4b:s4+s8], $0x40, s21, s8, $0xb8;
	[tilespmem:$0x1F900] =	vst v63  }
0x371: {  	_ = 	snop  }
0x372: {  	[tilespmem:s14], [sflag:$0x1] =	stream.indirect.gather [hbm4b:s4+s8], $0x40, s22, s8, $0xb8;
	[tilespmem:$0x1F900] =	vst v63  }
0x373: {  	s28 =	simm.s32 $0x1880  }
0x374: {  	[tilespmem:s15], [sflag:$0x1] =	stream.indirect.gather [hbm4b:s4+s8], $0x40, s28, s8, $0xb8;
	[tilespmem:$0x1F900] =	vst v63  }
0x375: {  	_ =	swait.ge [sflag:s17], $0x2000  }
0x376: {  	[sflag:s17] =	ssyncset.done $0x0  }
0x377: {  	[sflag:s17] =	ssyncadd.s32 $0xFFFFE000  }
0x378: {  	_ =	swait.ge [sflag:s17], $0x2000  }
0x379: {  	[sflag:s17] =	ssyncset.done $0x0  }
0x37a: {  	[sflag:s17] =	ssyncadd.s32 $0xFFFFE000  }
0x37b: {  	_ =	swait.ge [sflag:s17], $0x2000  }
0x37c: {  	[sflag:s17] =	ssyncset.done $0x0  }
0x37d: {  	[sflag:s17] =	ssyncadd.s32 $0xFFFFE000  }
0x37e: {  	_ =	swait.ge [sflag:s17], $0x2000  }
0x37f: {  	[sflag:s17] =	ssyncset.done $0x0  }
0x380: {  	[sflag:s17] =	ssyncadd.s32 $0xFFFFE000  }
0x381: {  	_ =	swait.ge [sflag:s17], $0x2000  }
0x382: {  	[sflag:s17] =	ssyncset.done $0x0  }
0x383: {  	s29 =	rddreg [dreg:$0xb];
	[sflag:s17] =	ssyncadd.s32 $0xFFFFE000  }
0x384: {  	[hbm4b:s29+s2] =	stream.linear.scatter [tilespmem:s9], [sflag:$0x5], $0xA000, $0x38;
	[tilespmem:$0x1F900] =	vst v63  }
0x385: {  	_ =	swait.ge [sflag:s16], $0x2000  }
0x386: {  	[sflag:s16] =	ssyncset.done $0x0  }
0x387: {  	[sflag:s16] =	ssyncadd.s32 $0xFFFFE000  }
0x388: {  	_ =	swait.ge [sflag:s16], $0x2000  }
0x389: {  	[sflag:s16] =	ssyncset.done $0x0  }
0x38a: {  	[sflag:s16] =	ssyncadd.s32 $0xFFFFE000  }
0x38b: {  	_ =	swait.ge [sflag:s16], $0x2000  }
0x38c: {  	[sflag:s16] =	ssyncset.done $0x0  }
0x38d: {  	[sflag:s16] =	ssyncadd.s32 $0xFFFFE000  }
0x38e: {  	_ =	swait.ge [sflag:s16], $0x2000  }
0x38f: {  	[sflag:s16] =	ssyncset.done $0x0  }
0x390: {  	[sflag:s16] =	ssyncadd.s32 $0xFFFFE000  }
0x391: {  	_ =	swait.ge [sflag:s16], $0x2000  }
0x392: {  	[sflag:s16] =	ssyncset.done $0x0  }
0x393: {  	s30 =	rddreg [dreg:$0xc];
	[sflag:s16] =	ssyncadd.s32 $0xFFFFE000  }
0x394: {  	[hbm4b:s30+s2] =	stream.linear.scatter [tilespmem:s7], [sflag:$0x6], $0xA000, $0x38;
	[tilespmem:$0x1F900] =	vst v63  }
0x395: {  	_ =	swait.ge [sflag:s6], $0x2000  }
0x396: {  	[sflag:s6] =	ssyncset.done $0x0  }
0x397: {  	[sflag:s6] =	ssyncadd.s32 $0xFFFFE000  }
0x398: {  	_ =	swait.ge [sflag:s6], $0x2000  }
0x399: {  	[sflag:s6] =	ssyncset.done $0x0  }
0x39a: {  	[sflag:s6] =	ssyncadd.s32 $0xFFFFE000  }
0x39b: {  	_ =	swait.ge [sflag:s6], $0x2000  }
0x39c: {  	[sflag:s6] =	ssyncset.done $0x0  }
0x39d: {  	[sflag:s6] =	ssyncadd.s32 $0xFFFFE000  }
0x39e: {  	_ =	swait.ge [sflag:s6], $0x2000  }
0x39f: {  	[sflag:s6] =	ssyncset.done $0x0  }
0x3a0: {  	[sflag:s6] =	ssyncadd.s32 $0xFFFFE000  }
0x3a1: {  	_ =	swait.ge [sflag:s6], $0x2000  }
0x3a2: {  	[sflag:s6] =	ssyncset.done $0x0  }
0x3a3: {  	s31 =	rddreg [dreg:$0xd];
	[sflag:s6] =	ssyncadd.s32 $0xFFFFE000  }
0x3a4: {  	[hbm4b:s31+s2] =	stream.linear.scatter [tilespmem:s3], [sflag:$0x4], $0xA000, $0x38;
	[tilespmem:$0x1F900] =	vst v63  }
0x3a5: {  	_ =	swait.ge [sflag:s5], $0xA000  }
0x3a6: {  	[sflag:s5] =	ssyncset.done $0x0  }
0x3a7: {  	[sflag:s5] =	ssyncadd.s32 $0xFFFF6000  }
0x3a8: {  	_ =	swait.ge [sflag:s10], $0xA000  }
0x3a9: {  	[sflag:s10] =	ssyncset.done $0x0  }
0x3aa: {  	[sflag:s10] =	ssyncadd.s32 $0xFFFF6000  }
0x3ab: {  	_ =	swait.ge [sflag:s11], $0xA000  }
0x3ac: {  	[sflag:s11] =	ssyncset.done $0x0  }
0x3ad: {  	[sflag:s11] =	ssyncadd.s32 $0xFFFF6000  }
0x3ae: {  	_ =	sfence.sel $0x180000  }
0x3af: {  	[bflag:$0x0] =	sbarrier.arrive $0xFFFF  }
0x3b0: {  	_ =	strace $0x90000047  }
0x3b1: {  	[bflag:$0x2] =	sbarrier.arrive $0xFFFF  }
0x3b2: {  	p0 =	sne.s32 s19, $0x0;
	s0 =	rddreg [dreg:$0x2]  }
0x3b3: {  	s0 =	sadd.s32 @!p0 $0x100000, s0  }
0x3b4: {  	[sflag:s0] =	ssyncadd.tile.s32 @!p0 $0x1;
	_ =	shalt  }
.LBB2_1:
.Ltmp3:
0x3b5: {  	(pc) =	sbr.rel .LBB2_6-.Ltmp3, $2  }
0x3b6: {  	_ =	sdelay $0x2  }
0x3b7: {  	s22 =	simm.s32 $0x1800;
	s21 =	simm.s32 $0x1780;
	s20 =	simm.s32 $0x1700  }
.LBB2_3:
.Ltmp4:
0x3b8: {  	(pc) =	sbr.rel .LBB2_6-.Ltmp4, $3  }
0x3b9: {  	_ =	sdelay $0x1  }
0x3ba: {  	s22 =	simm.s32 $0x1800  }
0x3bb: {  	s21 =	simm.s32 $0x1780;
	s20 =	simm.s32 $0x1700;
	s19 =	stileid.u32  }
.Lfunc_end2:
_tile_overlayer_lowered:
.L_overlay_start_2:
0x3bc: {  	(tag) =	ssettag $0x2  }
0x3bd: {  	s0 =	rddreg [dreg:$0x0];
	s2 =	stileid.u32  }
0x3be: {  	s1 =	rddreg [dreg:$0x1];
	p0 =	sne.s32 s2, $0x0  }
0x3bf: {  	s3 =	rddreg [dreg:$0x2];
	[bflag:$0x3] =	sbarrier.arrive $0xFFFF;
	s2 =	simm.s32 @!p0 $0x1C07  }
0x3c0: {  	[timem:s3], [sflag:s2] =	dma.local @!p0 [hbm:s0], s1  }
0x3c1: {  	s0 =	simm.s32 @!p0 $0x7  }
0x3c2: {  	_ =	swait.ge @!p0 [sflag:s0], s1  }
0x3c3: {  	s1 =	ssub.s32 @!p0 $0x0, s1;
	[sflag:s0] =	ssyncset.done @!p0 $0x0  }
0x3c4: {  	[sflag:s0] =	ssyncadd.s32 @!p0 s1  }
0x3c5: {  	[bflag:$0x3] =	sbarrier.arrive $0xFFFF  }
0x3c6: {  	_ =	shalt  }

// kernel: sparse-core-data-format-call.cloned.1.call-start
scs
called_computation_lowered:
.L_overlay_start_0:
0x0: {  	s2 =	sld [smem:$0x3FD9]  }
0x1: {  	s3 =	sld [smem:$0x3FFE];
	_ =	sdelay $0x1  }
0x2: {  	s1 =	srdreg.scid  }
0x3: {  	s0 =	sand.u32 $0x1, s1  }
0x4: {  	s18 =	sshll.u32 s0, $0xA;
	s2 =	sadd.s32 s3, s2  }
0x5: {  	s2 =	sadd.s32 s2, s18  }
0x6: {  	[smem:$0x3FC6] =	sst s2  }
0x7: {  	_ = 	snop  }
0x8: {  	s2 =	sld [smem:$0x3FD0];
	(tm) =	ssettm $0x1  }
0x9: {  	s19 =	sld [smem:$0x3FFB];
	_ =	sdelay $0x3  }
0xa: {  	_ =	strace s19  }
0xb: {  	s3 =	sld [smem:$0x3FFC];
	_ =	sdelay $0x3  }
0xc: {  	_ =	strace s3  }
0xd: {  	s3 =	sld [smem:$0x3FFD];
	_ =	sdelay $0x3  }
0xe: {  	_ =	strace s3  }
0xf: {  	_ =	strace $0x8FFFFFFF  }
0x10: {  	s20 =	sld [smem:$0x3FDB];
	_ =	sdelay $0x1  }
0x11: {  	s4 =	simm.s32 $_scs_section_size  }
0x12: {  	s5 =	simm.s32 $_size__tile_overlayer_lowered;
	s6 =	simm.s32 $_tile_overlayer_lowered  }
0x13: {  	s23 =	simm.s32 $0x1BFF;
	s22 =	sshll.u32 s6, $0x1;
	s3 =	sadd.s32 s4, s20  }
0x14: {  	s7 =	simm.s32 $0x0;
	s21 =	sshll.u32 s5, $0x1;
	s5 =	sadd.s32 s22, s3  }
0x15: {  	[timem:s7], [sflag:s23] =	dma.local [hbm:s5], s21  }
0x16: {  	_ =	swait.ge [sflag:s23], s21  }
0x17: {  	s4 =	ssub.s32 $0x0, s21;
	[sflag:s23] =	ssyncset.done $0x0  }
0x18: {  	[sflag:s23] =	ssyncadd.s32 s4;
	_ =	sdelay $0x1  }
0x19: {  	s24 =	simm.s32 $0x1B8B  }
0x1a: {  	_ =	swait.ge [sflag:s24], $0x1  }
0x1b: {  	[sflag:s24] =	ssyncset.done $0x0  }
0x1c: {  	s26 =	simm.s32 $0x1B8E;
	s25 =	sld [smem:$0x3FFE];
	[sflag:s24] =	ssyncadd.s32 $0xFFFFFFFF  }
0x1d: {  	s27 =	simm.s32 $execute0_lowered;
	[smem:$0x3FD2] =	sst s26  }
0x1e: {  	s5 =	sshll.u32 s27, $0x1;
	_ =	strace $0x80000049;
	[dreg:$0x1] =	wrdreg $0xFFFFFFFF  }
0x1f: {  	s28 =	simm.s32 $_size_execute0_lowered;
	s3 =	sadd.s32 s3, s5;
	[dreg:$0x0] =	wrdreg $0x0  }
0x20: {  	s5 =	sshll.u32 s28, $0x1;
	[dreg:$0x2] =	wrdreg s3  }
0x21: {  	[dreg:$0x3] =	wrdreg s5  }
0x22: {  	[dreg:$0x4] =	wrdreg $0xC0  }
0x23: {  	_ =	task [dreg:s7], $0x5FFFF  }
0x24: {  	[dreg:$0x1] =	wrdreg $0xFFFFFFFF  }
0x25: {  	[dreg:$0x0] =	wrdreg $0x60  }
0x26: {  	[dreg:$0x2] =	wrdreg s25  }
0x27: {  	[dreg:$0x3] =	wrdreg s2  }
0x28: {  	[dreg:$0x4] =	wrdreg $0x9  }
0x29: {  	_ =	task.clear_ibuf [dreg:s7], $0x5FFFF;
	_ =	strace $0x90000049  }
0x2a: {  	s29 =	simm.s32 $0x9;
	_ =	strace $0x8000004B  }
0x2b: {  	_ =	swait.ge [sflag:s29], $0x1  }
0x2c: {  	[sflag:s29] =	ssyncadd.s32 $0xFFFFFFFF  }
0x2d: {  	_ =	strace $0x9000004B  }
0x2e: {  	_ =	sfence  }
0x2f: {  	s30 =	sld [smem:$0x0];
	_ =	sdelay $0x2  }
0x30: {  	s31 =	sshll.u32 s1, $0xD;
	s1 =	sshrl.u32 s1, $0x2  }
0x31: {  	s3 =	sand.u32 $0x4000, s31;
	s1 =	sadd.s32 s1, s30  }
0x32: {  	s0 =	sor.u32 s3, s0;
	s1 =	sshll.u32 s1, $0x11  }
0x33: {  	s0 =	sor.u32 s1, s0  }
0x34: {  	s0 =	sadd.s32 $0x8F2B, s0  }
0x35: {  	[sflag:s0] =	ssyncadd.remote.s32 $0x1  }
0x36: {  	_ =	sfence.sel $0xFFFF  }
0x37: {  	[dreg:$0x0] =	wrdreg $0xFFFFFFFF;
	(pc) =	sbr.abs _section_cstart, $3  }
0x38: {  	[dreg:$0x1] =	wrdreg $0xFFFFFFFF  }
0x39: {  	_ =	task.clear_ibuf [dreg:s7], $0x2FFFF;
	_ =	strace $0x9FFFFFFF  }
0x3a: {  	(tm) =	ssettm $0x7FFFFFFF  }
0x3b: {  	_ =	shalt  }
tec
execute0_lowered:
.L_overlay_start_1:
0x0: {  	(tag) =	ssettag $0x1  }
0x1: {  	s0 =	srdreg.scid  }
0x2: {  	s1 =	sshll.u32 s0, $0x4  }
0x3: {  	s4 =	rddreg [dreg:$0x0];
	s0 =	stileid.u32;
	s1 =	sand.u32 $0x10, s1  }
0x4: {  	s2 =	rddreg [dreg:$0x1];
	s7 =	simm.s32 $0x1;
	s1 =	sor.u32 s0, s1  }
0x5: {  	s8 =	simm.s32 $0x2;
	s11 =	simm.s32 $0x0;
	s3 =	sshll.u32 s1, $0x7  }
0x6: {  	s10 =	simm.s32 $0x0;
	s4 =	sadd.s32 $0x800, s4;
	s6 =	ssub.s32 $0x32000, s3  }
.Ltmp0:
0x7: {  	s1 =	rddreg [dreg:$0x2];
	s5 =	sand.u32 $0xF80, s6;
	(pc) =	sbr.rel .LBB1_1-.Ltmp0, $4  }
0x8: {  	_ =	strace $0x8000004A;
	s9 =	smov.u32 s3;
	p0 =	sne.s32 s5, $0x0  }
0x9: {  	s6 =	sshrl.u32 s6, $0xC;
	s5 =	simm.s32 $0x1;
	s7 =	simm.s32 @!p0 $0x0  }
0xa: {  	[sflag:s5] =	ssyncpa.u1 $0x0;
	p0 =	por $0x0, $0x0;
	s6 =	sadd.s32 s7, s6  }
0xb: {  	[sflag:s8] =	ssyncpa.u1 $0x0;
	s8 =	simm.s32 $0x190000;
	s7 =	sadd.s32 $0x1, s6  }
.LBB1_4:
0xc: {  	s14 =	sshll.u32 s11, $0x3  }
0xd: {  	s30 =	sand.u32 $0x7F, s11;
	s15 =	sand.u32 $0xFFFFFC00, s14  }
0xe: {  	s11 =	sor.u32 s30, s15  }
0xf: {  	s15 =	smulhi.u32 $0x51EB851F, s11  }
0x10: {  	s14 =	smulhi.u32 $0x51EB851F, s14  }
0x11: {  	s15 =	sshrl.u32 s15, $0x10  }
0x12: {  	s14 =	sshrl.u32 s14, $0x10;
	s15 =	smul.u32 $0x32000, s15  }
0x13: {  	s14 =	sand.u32 $0x3F, s14  }
0x14: {  	s14 =	smul.u32 $0x6400, s14;
	s11 =	ssub.s32 s11, s15  }
0x15: {  	[tilespmem:s13+$0x810 ss:$0x81] =	vst.msk $0xffff, v2;
	s15 =	sand.u32 $0x7, s11  }
0x16: {  	[tilespmem:s13+$0x1020 ss:$0x81] =	vst.msk $0xffff, v0;
	s14 =	sadd.s32 s2, s14;
	s11 =	sshrl.u32 s11, $0x3;
	s15 =	sshll.u32 s15, $0x12  }
0x17: {  	[tilespmem:s13+$0x0 ss:$0x81] =	vst.msk $0xffff, v1;
	s11 =	sadd.s32 s11, s14;
	s31 =	sor.u32 $0x400, s15  }
0x18: {  	[hbm4b:s11+s31] =	stream.strided.scatter [tilespmem:s12], [sflag:$0x2], $0x2000, s8, s31, $0x20;
	[tilespmem:$0x8080] =	vst v63  }
.LBB1_5:
0x19: {  	s13 =	sadd.s32 $0x1000, s9  }
0x1a: {  	p2 =	sgt.s32 s13, $0x31FFF  }
0x1b: {  	s13 =	smov.u32 @p2 s3;
	p2 =	sne.s32 s10, s7  }
.Ltmp1:
0x1c: {  	p1 =	slt.u32 s10, $0x2;
	(pc) =	sbr.rel @!p2 .LBB1_6-.Ltmp1, $4  }
0x1d: {  	s12 =	simm.s32 @!p1 $0x2  }
0x1e: {  	s14 =	sadd.s32 $0x1, s10;
	_ =	swait.ge @!p1 [sflag:s12], $0x2000  }
0x1f: {  	s11 =	smov.u32 s9;
	p0 =	por !p0, !p0;
	[sflag:s12] =	ssyncset.done @!p1 $0x0  }
0x20: {  	s10 =	smov.u32 s14;
	s9 =	smov.u32 s13;
	[sflag:s12] =	ssyncadd.s32 @!p1 $0xFFFFE000  }
.LBB1_1:
0x21: {  	p1 =	sge.u32 s10, s6  }
0x22: {  	s12 =	sand.u32 @!p1 $0x1FFFFFF, s9  }
0x23: {  	s13 =	smulhi.u32 @!p1 $0x147AE15, s12;
	_ =	sdelay $0x1  }
0x24: {  	s13 =	sshrl.u32 @!p1 s13, $0xA  }
0x25: {  	s13 =	smul.u32 @!p1 $0x32000, s13;
	_ =	sdelay $0x1  }
0x26: {  	s31 =	sadd.s32 $0xFFFFFFFF, s10;
	s14 =	sxor.u32 @!p1 $0xFFFFFFFF, s10;
	s12 =	ssub.s32 @!p1 s12, s13  }
0x27: {  	s15 =	simm.s32 @!p1 $0x80;
	s14 =	sshll.u32 @!p1 s14, $0xD;
	s12 =	sshll.u32 @!p1 s12, $0x4  }
0x28: {  	s13 =	sand.u32 @!p1 $0x2000, s14;
	s14 =	simm.s32 @!p1 $0x40;
	s12 =	sadd.s32 @!p1 s4, s12  }
0x29: {  	[tilespmem:s13], [sflag:$0x1] =	stream.strided.gather @!p1 [hbm4b:s12+s14], $0x2000, s15, s14, $0x38;
	[tilespmem:$0x8080] =	vst v63  }
0x2a: {  	p1 =	sge.u32 s31, s6  }
.Ltmp2:
0x2b: {  	_ = 	snop;
	(pc) =	sbr.rel @p1 .LBB1_5-.Ltmp2, $1  }
0x2c: {  	_ =	sdelay $0x3  }
0x2d: {  	s12 =	simm.s32 $0x1  }
0x2e: {  	_ =	swait.ge [sflag:s5], $0x2000;
	s12 =	simm.s32 @!p0 $0x0  }
0x2f: {  	[sflag:s5] =	ssyncset.done $0x0;
	s13 =	sshll.u32 s12, $0xD  }
0x30: {  	[sflag:s5] =	ssyncadd.s32 $0xFFFFE000;
	s16 =	sor.u32 $0x20, s13  }
0x31: {  	s12 =	smul.u32 $0x8100, s12;
	v3 =	vld [tilespmem:s16+$0x10]  }
0x32: {  	s30 =	sand.u32 $0x1, s10;
	v2 =	vld [tilespmem:s16+$0xFFFFFFF0]  }
0x33: {  	s13 =	smul.u32 $0x8100, s30;
	s12 =	sshrl.u32 s12, $0x2;
	v0 =	vld [tilespmem:s16+$0x0]  }
0x34: {  	v1 =	vld [tilespmem:s16+$0xFFFFFFE0];
	s14 =	sor.u32 $0x4000, s12  }
0x35: {  	s31 =	sshrl.u32 s13, $0x2;
	s13 =	sadd.s32 $0x0, s14  }
0x36: {  	s15 =	simm.s32 $0x4;
	s16 =	sadd.s32 $0x40, s16;
	s12 =	sor.u32 $0x4000, s31;
	[tilespmem:s13+$0x1830 ss:$0x81] =	vst.msk $0xffff, v3  }
.LBB1_3:
0x37: {  	v3 =	vld [tilespmem:s16+$0x10];
	p1 =	sne.s32 s15, $0x1FC;
	[tilespmem:s13+$0x810 ss:$0x81] =	vst.msk $0xffff, v2;
	s17 =	smov.u32 s15;
	s15 =	sadd.s32 $0x4, s15  }
.Ltmp3:
0x38: {  	v2 =	vld [tilespmem:s16+$0xFFFFFFF0];
	[tilespmem:s13+$0x1020 ss:$0x81] =	vst.msk $0xffff, v0;
	(pc) =	sbr.rel @p1 .LBB1_3-.Ltmp3, $4  }
0x39: {  	v0 =	vld [tilespmem:s16+$0x0];
	[tilespmem:s13+$0x0 ss:$0x81] =	vst.msk $0xffff, v1  }
0x3a: {  	s13 =	sshra.s32 s17, $0x2;
	v1 =	vld [tilespmem:s16+$0xFFFFFFE0]  }
0x3b: {  	s13 =	sadd.s32 s13, s14  }
0x3c: {  	s16 =	sadd.s32 $0x40, s16;
	[tilespmem:s13+$0x1830 ss:$0x81] =	vst.msk $0xffff, v3  }
.Ltmp4:
0x3d: {  	_ = 	snop;
	(pc) =	sbr.rel .LBB1_4-.Ltmp4, $1  }
0x3e: {  	_ =	sdelay $0x3  }
.LBB1_6:
0x3f: {  	_ =	sfence.sel $0x180000  }
0x40: {  	s2 =	simm.s32 $0x1;
	[bflag:$0x0] =	sbarrier.arrive $0xFFFF  }
0x41: {  	s31 =	simm.s32 $0x2;
	[sflag:s2] =	ssyncpa.u1 $0x1  }
0x42: {  	[sflag:s31] =	ssyncpa.u1 $0x1  }
0x43: {  	p0 =	sne.s32 s0, $0x0;
	_ =	strace $0x9000004A  }
0x44: {  	s0 =	sadd.s32 @!p0 $0x100000, s1;
	[bflag:$0x2] =	sbarrier.arrive $0xFFFF  }
0x45: {  	[sflag:s0] =	ssyncadd.tile.s32 @!p0 $0x1;
	_ =	shalt  }
.Lfunc_end1:
_tile_overlayer_lowered:
.L_overlay_start_2:
0x46: {  	(tag) =	ssettag $0x2  }
0x47: {  	s0 =	rddreg [dreg:$0x0];
	s2 =	stileid.u32  }
0x48: {  	s1 =	rddreg [dreg:$0x1];
	p0 =	sne.s32 s2, $0x0  }
0x49: {  	s3 =	rddreg [dreg:$0x2];
	[bflag:$0x3] =	sbarrier.arrive $0xFFFF;
	s2 =	simm.s32 @!p0 $0x1C01  }
0x4a: {  	[timem:s3], [sflag:s2] =	dma.local @!p0 [hbm:s0], s1  }
0x4b: {  	s0 =	simm.s32 @!p0 $0x1  }
0x4c: {  	_ =	swait.ge @!p0 [sflag:s0], s1  }
0x4d: {  	s1 =	ssub.s32 @!p0 $0x0, s1;
	[sflag:s0] =	ssyncset.done @!p0 $0x0  }
0x4e: {  	[sflag:s0] =	ssyncadd.s32 @!p0 s1  }
0x4f: {  	[bflag:$0x3] =	sbarrier.arrive $0xFFFF  }
0x50: {  	_ =	shalt  }

</sc_bundles>
